<compile_context>
chip_gen: v7x
topology: tpu7x:2x2x1
jax: 0.10.2.dev20260603
libtpu: 0.0.44.dev20260713+nightly
codegen_flags: <defaults>
</compile_context>

<pallas_src>
import jax
import jax.numpy as jnp
from jax import lax
from jax.experimental import pallas as pl
from jax.experimental.pallas import tpu as pltpu
from jax.experimental.pallas import tpu_sc as plsc

N_NODES = 10000
N_EDGES = 320000
D = 128
EPS_BN = 1e-5

NC = 2
NS = 16
NW = NC * NS
CH = 128
CPT = -(-N_EDGES // (NW * CH))
E_PAD = NW * CPT * CH
NROWS = 10112
RPT = NROWS // NS

_MESH = plsc.VectorSubcoreMesh(core_axis_name="c", subcore_axis_name="s")


def _sc_segment_sum():
    scratch = (
        pltpu.VMEM((3, 2, CH), jnp.int32),
        pltpu.VMEM((2, CH, D), jnp.float32),
        pltpu.VMEM_SHARED((NROWS, D), jnp.float32),
        pltpu.SemaphoreType.DMA,
        pltpu.SemaphoreType.DMA,
        pltpu.SemaphoreType.DMA,
    )

    def body(feat, eidx_hbm, zeros_hbm, agg_out, ring, gbuf, agg_sh,
             gsem, isem, ssem):
        c = lax.axis_index("c")
        s = lax.axis_index("s")
        wid = c * NS + s

        def widx(j, slot):
            pltpu.make_async_copy(eidx_hbm.at[wid, j], ring.at[slot],
                                  isem).wait()

        def wgather(b):
            pltpu.make_async_copy(feat.at[ring.at[0, 0]], gbuf.at[b],
                                  gsem).wait()

        def wscatter(b):
            pltpu.make_async_copy(gbuf.at[b], agg_sh.at[ring.at[0, 1]],
                                  ssem).wait()

        pltpu.sync_copy(zeros_hbm.at[pl.ds(s * RPT, RPT)],
                        agg_sh.at[pl.ds(s * RPT, RPT)])
        plsc.subcore_barrier()

        pltpu.async_copy(eidx_hbm.at[wid, 0], ring.at[0], isem)
        widx(0, 0)
        pltpu.async_copy(feat.at[ring.at[0, 0]], gbuf.at[0], gsem)
        pltpu.async_copy(eidx_hbm.at[wid, 1], ring.at[1], isem)
        widx(1, 1)
        pltpu.async_copy(feat.at[ring.at[1, 0]], gbuf.at[1], gsem)
        wgather(0)
        pltpu.async_copy(gbuf.at[0], agg_sh.at[ring.at[0, 1]], ssem, add=True)
        pltpu.async_copy(eidx_hbm.at[wid, 2], ring.at[2], isem)

        @pl.loop(1, CPT - 1)
        def _chunk(j):
            b = lax.rem(j, 2)
            nb = 1 - b
            sj = lax.rem(j, 3)
            sj1 = lax.rem(j + 1, 3)
            sj2 = lax.rem(j + 2, 3)
            widx(j + 1, sj1)
            wscatter(nb)
            pltpu.async_copy(feat.at[ring.at[sj1, 0]], gbuf.at[nb], gsem)
            wgather(b)
            pltpu.async_copy(gbuf.at[b], agg_sh.at[ring.at[sj, 1]], ssem,
                             add=True)
            pltpu.async_copy(eidx_hbm.at[wid, j + 2], ring.at[sj2], isem)

        bl = (CPT - 1) % 2
        sl = (CPT - 1) % 3
        wscatter(1 - bl)
        wgather(bl)
        pltpu.async_copy(gbuf.at[bl], agg_sh.at[ring.at[sl, 1]], ssem,
                         add=True)
        wscatter(bl)
        widx(CPT, CPT % 3)

        plsc.subcore_barrier()
        pltpu.sync_copy(agg_sh.at[pl.ds(s * RPT, RPT)],
                        agg_out.at[c, pl.ds(s * RPT, RPT)])

    return pl.kernel(
        body,
        out_type=jax.ShapeDtypeStruct((NC, NROWS, D), jnp.float32),
        mesh=_MESH, scratch_types=scratch)


def _sc_count():
    scratch = (
        pltpu.VMEM((CPT, CH), jnp.int32),
        pltpu.VMEM((CH, D), jnp.float32),
        pltpu.VMEM_SHARED((NROWS, D), jnp.float32),
    )

    def body(dst_hbm, zeros_hbm, ones_hbm, cnt_out, dst_v, ones_v, cnt_sh):
        c = lax.axis_index("c")
        s = lax.axis_index("s")
        wid = c * NS + s

        pltpu.sync_copy(dst_hbm.at[wid], dst_v)
        pltpu.sync_copy(ones_hbm, ones_v)
        pltpu.sync_copy(zeros_hbm.at[pl.ds(s * RPT, RPT)],
                        cnt_sh.at[pl.ds(s * RPT, RPT)])
        plsc.subcore_barrier()

        @pl.loop(0, CPT)
        def _chunk(j):
            pltpu.sync_copy(ones_v, cnt_sh.at[dst_v.at[j]], add=True)

        plsc.subcore_barrier()
        pltpu.sync_copy(cnt_sh.at[pl.ds(s * RPT, RPT)],
                        cnt_out.at[c, pl.ds(s * RPT, RPT)])

    return pl.kernel(
        body,
        out_type=jax.ShapeDtypeStruct((NC, NROWS, D), jnp.float32),
        mesh=_MESH, scratch_types=scratch)


def _tc_dense(bn: bool):
    def body(agg_ref, cnt_ref, x_ref, wl_ref, wr_ref, b_ref, g_ref, be_ref,
             out_ref):
        cnt = cnt_ref[0, :N_NODES, 0:1] + cnt_ref[1, :N_NODES, 0:1]
        inv = 1.0 / jnp.maximum(cnt, 1.0)
        agg = agg_ref[0, :N_NODES, :] + agg_ref[1, :N_NODES, :]
        mean = agg * inv
        t = (jnp.dot(mean, wl_ref[...], preferred_element_type=jnp.float32)
             + jnp.dot(x_ref[...], wr_ref[...], preferred_element_type=jnp.float32)
             + b_ref[...])
        if bn:
            m = jnp.mean(t, axis=0, keepdims=True)
            v = jnp.mean((t - m) * (t - m), axis=0, keepdims=True)
            t = (t - m) * lax.rsqrt(v + EPS_BN) * g_ref[...] + be_ref[...]
            t = jnp.maximum(t, 0.0)
        out_ref[...] = t

    return pl.pallas_call(
        body, out_shape=jax.ShapeDtypeStruct((N_NODES, D), jnp.float32))


_sc_sum = _sc_segment_sum()
_sc_cnt = _sc_count()
_tc_bn = _tc_dense(True)
_tc_plain = _tc_dense(False)


def kernel(x, edge_index, Wl1, Wr1, b1, Wl2, Wr2, b2, Wl3, Wr3, b3,
           gamma1, beta1, gamma2, beta2):
    src = edge_index[0].astype(jnp.int32)
    dst = edge_index[1].astype(jnp.int32)
    pad = E_PAD - N_EDGES
    pad_src = jnp.arange(pad, dtype=jnp.int32) % N_NODES
    pad_dst = N_NODES + jnp.arange(pad, dtype=jnp.int32) % (NROWS - N_NODES)
    src_r = jnp.concatenate([src, pad_src]).reshape(NW, CPT, CH)
    dst_r = jnp.concatenate([dst, pad_dst]).reshape(NW, CPT, CH)
    eidx = jnp.concatenate(
        [jnp.stack([src_r, dst_r], axis=2),
         jnp.zeros((NW, 1, 2, CH), jnp.int32)], axis=1)
    zeros = jnp.zeros((NROWS, D), jnp.float32)
    ones_tab = jnp.ones((CH, D), jnp.float32)

    b1r, b2r, b3r = (b.reshape(1, D) for b in (b1, b2, b3))
    g1, g2 = gamma1.reshape(1, D), gamma2.reshape(1, D)
    be1, be2 = beta1.reshape(1, D), beta2.reshape(1, D)

    cnt = _sc_cnt(dst_r, zeros, ones_tab)
    agg1 = _sc_sum(x, eidx, zeros)
    h1 = _tc_bn(agg1, cnt, x, Wl1, Wr1, b1r, g1, be1)
    agg2 = _sc_sum(h1, eidx, zeros)
    h2 = _tc_bn(agg2, cnt, h1, Wl2, Wr2, b2r, g2, be2)
    agg3 = _sc_sum(h2, eidx, zeros)
    out = _tc_plain(agg3, cnt, h2, Wl3, Wr3, b3r, g1, be1)
    return out

# --- scband reference (transcript-rebuilt; emitter-appended) ---
"""Pipeline reference for scband-graph-sage-57389353009170 (READ-ONLY COPY).

The authoritative reference and input builder live on the scoring server;
editing this copy changes nothing except your own understanding.
"""

import jax, jax.numpy as jnp
import numpy as np

N_NODES = 10000
N_EDGES = 320000
D = 128
EPS = 1e-5


def sage_conv(x, edge_index, Wl, Wr, b):
    src = edge_index[0]
    dst = edge_index[1]
    msgs = jnp.take(x, src, axis=0)
    agg = jax.ops.segment_sum(msgs, dst, num_segments=N_NODES)
    cnt = jax.ops.segment_sum(jnp.ones((msgs.shape[0], 1), dtype=x.dtype), dst, num_segments=N_NODES)
    mean = agg / jnp.clip(cnt, 1.0)
    return mean @ Wl + x @ Wr + b


def batch_norm(x, gamma, beta):
    m = jnp.mean(x, axis=0, keepdims=True)
    v = jnp.var(x, axis=0, keepdims=True)
    return (x - m) / jnp.sqrt(v + EPS) * gamma + beta


def setup_inputs(seed: int = 0) -> dict:
    key = jax.random.key(seed)
    ks = jax.random.split(key, 16)
    x = jax.random.normal(ks[0], (N_NODES, D), dtype=jnp.float32)
    edge_index = jax.random.randint(ks[1], (2, N_EDGES), 0, N_NODES, dtype=jnp.int64)
    s = 1.0 / np.sqrt(D)
    params = {}
    for i, base in enumerate([2, 5, 8]):
        params[f"Wl{i+1}"] = jax.random.normal(ks[base], (D, D), dtype=jnp.float32) * s
        params[f"Wr{i+1}"] = jax.random.normal(ks[base + 1], (D, D), dtype=jnp.float32) * s
        params[f"b{i+1}"] = jnp.zeros((D,), dtype=jnp.float32)
    params["gamma1"] = jnp.ones((D,), dtype=jnp.float32)
    params["beta1"] = jnp.zeros((D,), dtype=jnp.float32)
    params["gamma2"] = jnp.ones((D,), dtype=jnp.float32)
    params["beta2"] = jnp.zeros((D,), dtype=jnp.float32)
    return {"x": x, "edge_index": edge_index, **params}


def reference(x, edge_index, Wl1, Wr1, b1, Wl2, Wr2, b2, Wl3, Wr3, b3, gamma1, beta1, gamma2, beta2):
    h = sage_conv(x, edge_index, Wl1, Wr1, b1)
    h = jax.nn.relu(batch_norm(h, gamma1, beta1))
    # dropout omitted (deterministic reference / eval behavior)
    h = sage_conv(h, edge_index, Wl2, Wr2, b2)
    h = jax.nn.relu(batch_norm(h, gamma2, beta2))
    out = sage_conv(h, edge_index, Wl3, Wr3, b3)
    return out

if __name__ == "__main__":
    import jax
    _d = setup_inputs()
    print(jax.jit(kernel)(*tuple(_d.values())))

</pallas_src>

<mosaic_0001>
#map = affine_map<(d0, d1) -> (0, 0, 0)>
#map1 = affine_map<(d0, d1) -> (0, 0)>
module attributes {stable_mosaic.version = 14 : i64} {
  func.func @body(%arg0: i32, %arg1: i32, %arg2: memref<32x79x128xi32, #tpu.memory_space<hbm>>, %arg3: memref<10112x128xf32, #tpu.memory_space<hbm>>, %arg4: memref<128x128xf32, #tpu.memory_space<hbm>>, %arg5: memref<2x10112x128xf32, #tpu.memory_space<hbm>>, %arg6: memref<79x128xi32, #tpu.memory_space<vmem>>, %arg7: memref<128x128xf32, #tpu.memory_space<vmem>>, %arg8: memref<10112x128xf32, #tpu.memory_space<vmem_shared>>) attributes {dimension_semantics = [#tpu.dimension_semantics<core_parallel>, #tpu.dimension_semantics<subcore_parallel>], iteration_bounds = array<i64: 2, 16>, scalar_prefetch = 0 : i64, scratch_operands = 3 : i64, tpu.core_type = #tpu.core_type<sc_vector_subcore>, window_params = [{transform_indices = #map}, {transform_indices = #map1}, {transform_indices = #map1}, {transform_indices = #map}]} {
    %mul3A = arith.constant 16 : i32
    %mul3A_0 = arith.muli %arg0, %mul3A : i32
    %add3A = arith.addi %mul3A_0, %arg1 : i32
    "tpu.region"() ({
      %run_scoped3A = tpu.sem_alloc : memref<!tpu.dma_semaphore, #tpu.memory_space<semaphore_mem>>
      %dma_start3A = arith.constant 0 : i32
      %dma_start3A_14 = arith.constant 0 : i32
      %dma_start3A_15 = tpu.memref_slice %arg2[%add3A, %dma_start3A, %dma_start3A_14] : memref<32x79x128xi32, #tpu.memory_space<hbm>> -> memref<1x79x128xi32, #tpu.memory_space<hbm>>
      %dma_start3A_16 = tpu.memref_squeeze %dma_start3A_15 : memref<1x79x128xi32, #tpu.memory_space<hbm>> -> memref<79x128xi32, #tpu.memory_space<hbm>>
      %dma_start3A_17 = arith.constant 0 : i32
      %dma_start3A_18 = arith.constant 0 : i32
      %dma_start3A_19 = tpu.memref_slice %arg2[%add3A, %dma_start3A_17, %dma_start3A_18] : memref<32x79x128xi32, #tpu.memory_space<hbm>> -> memref<1x79x128xi32, #tpu.memory_space<hbm>>
      %dma_start3A_20 = tpu.memref_squeeze %dma_start3A_19 : memref<1x79x128xi32, #tpu.memory_space<hbm>> -> memref<79x128xi32, #tpu.memory_space<hbm>>
      tpu.enqueue_dma source(%dma_start3A_20 : memref<79x128xi32, #tpu.memory_space<hbm>>) target(%arg6 : memref<79x128xi32, #tpu.memory_space<vmem>>) target_semaphore(%run_scoped3A : memref<!tpu.dma_semaphore, #tpu.memory_space<semaphore_mem>>)
      %dma_wait3A = arith.constant 0 : i32
      %dma_wait3A_21 = arith.constant 0 : i32
      %dma_wait3A_22 = tpu.memref_slice %arg2[%add3A, %dma_wait3A, %dma_wait3A_21] : memref<32x79x128xi32, #tpu.memory_space<hbm>> -> memref<1x79x128xi32, #tpu.memory_space<hbm>>
      %dma_wait3A_23 = tpu.memref_squeeze %dma_wait3A_22 : memref<1x79x128xi32, #tpu.memory_space<hbm>> -> memref<79x128xi32, #tpu.memory_space<hbm>>
      %dma_wait3A_24 = arith.constant 0 : i32
      %dma_wait3A_25 = arith.constant 0 : i32
      %dma_wait3A_26 = tpu.memref_slice %arg2[%add3A, %dma_wait3A_24, %dma_wait3A_25] : memref<32x79x128xi32, #tpu.memory_space<hbm>> -> memref<1x79x128xi32, #tpu.memory_space<hbm>>
      %dma_wait3A_27 = tpu.memref_squeeze %dma_wait3A_26 : memref<1x79x128xi32, #tpu.memory_space<hbm>> -> memref<79x128xi32, #tpu.memory_space<hbm>>
      tpu.wait_dma2 semaphore(%run_scoped3A : memref<!tpu.dma_semaphore, #tpu.memory_space<semaphore_mem>>) src(%dma_wait3A_27 : memref<79x128xi32, #tpu.memory_space<hbm>>) dst(%arg6 : memref<79x128xi32, #tpu.memory_space<vmem>>)
      tpu.yield
    }) : () -> ()
    "tpu.region"() ({
      %run_scoped3A = tpu.sem_alloc : memref<!tpu.dma_semaphore, #tpu.memory_space<semaphore_mem>>
      tpu.enqueue_dma source(%arg4 : memref<128x128xf32, #tpu.memory_space<hbm>>) target(%arg7 : memref<128x128xf32, #tpu.memory_space<vmem>>) target_semaphore(%run_scoped3A : memref<!tpu.dma_semaphore, #tpu.memory_space<semaphore_mem>>)
      tpu.wait_dma2 semaphore(%run_scoped3A : memref<!tpu.dma_semaphore, #tpu.memory_space<semaphore_mem>>) src(%arg4 : memref<128x128xf32, #tpu.memory_space<hbm>>) dst(%arg7 : memref<128x128xf32, #tpu.memory_space<vmem>>)
      tpu.yield
    }) : () -> ()
    %mul3A_1 = arith.constant 632 : i32
    %mul3A_2 = arith.muli %arg1, %mul3A_1 : i32
    %mul3A_3 = arith.constant 632 : i32
    %mul3A_4 = arith.muli %arg1, %mul3A_3 : i32
    "tpu.region"() ({
      %run_scoped3A = tpu.sem_alloc : memref<!tpu.dma_semaphore, #tpu.memory_space<semaphore_mem>>
      %dma_start3A = arith.constant 0 : i32
      %dma_start3A_14 = tpu.memref_slice %arg8[%mul3A_4, %dma_start3A] : memref<10112x128xf32, #tpu.memory_space<vmem_shared>> -> memref<632x128xf32, #tpu.memory_space<vmem_shared>>
      %dma_start3A_15 = arith.constant 0 : i32
      %dma_start3A_16 = tpu.memref_slice %arg3[%mul3A_2, %dma_start3A_15] : memref<10112x128xf32, #tpu.memory_space<hbm>> -> memref<632x128xf32, #tpu.memory_space<hbm>>
      tpu.enqueue_dma source(%dma_start3A_16 : memref<632x128xf32, #tpu.memory_space<hbm>>) target(%dma_start3A_14 : memref<632x128xf32, #tpu.memory_space<vmem_shared>>) target_semaphore(%run_scoped3A : memref<!tpu.dma_semaphore, #tpu.memory_space<semaphore_mem>>)
      %dma_wait3A = arith.constant 0 : i32
      %dma_wait3A_17 = tpu.memref_slice %arg8[%mul3A_4, %dma_wait3A] : memref<10112x128xf32, #tpu.memory_space<vmem_shared>> -> memref<632x128xf32, #tpu.memory_space<vmem_shared>>
      %dma_wait3A_18 = arith.constant 0 : i32
      %dma_wait3A_19 = tpu.memref_slice %arg3[%mul3A_2, %dma_wait3A_18] : memref<10112x128xf32, #tpu.memory_space<hbm>> -> memref<632x128xf32, #tpu.memory_space<hbm>>
      tpu.wait_dma2 semaphore(%run_scoped3A : memref<!tpu.dma_semaphore, #tpu.memory_space<semaphore_mem>>) src(%dma_wait3A_19 : memref<632x128xf32, #tpu.memory_space<hbm>>) dst(%dma_wait3A_17 : memref<632x128xf32, #tpu.memory_space<vmem_shared>>)
      tpu.yield
    }) : () -> ()
    %barrier3A = arith.constant 0 : index
    tpu.barrier barrier_id(%barrier3A)
    %scan3A = arith.constant 0 : i32
    %scan3A_5 = arith.constant 79 : i32
    %scan3A_6 = arith.addi %scan3A, %scan3A_5 : i32
    %scan3A_7 = arith.constant 1 : i32
    scf.for %scan3A_14 = %scan3A to %scan3A_6 step %scan3A_7  : i32 {
      %mul3A_15 = arith.constant 1 : i32
      %mul3A_16 = arith.muli %scan3A_14, %mul3A_15 : i32
      %add3A_17 = arith.constant 0 : i32
      %add3A_18 = arith.addi %add3A_17, %mul3A_16 : i32
      "tpu.region"() ({
        %run_scoped3A = tpu.sem_alloc : memref<!tpu.dma_semaphore, #tpu.memory_space<semaphore_mem>>
        %dma_start3A = arith.constant 0 : i32
        %dma_start3A_19 = tpu.memref_slice %arg6[%add3A_18, %dma_start3A] : memref<79x128xi32, #tpu.memory_space<vmem>> -> memref<1x128xi32, #tpu.memory_space<vmem>>
        %dma_start3A_20 = tpu.memref_squeeze %dma_start3A_19 : memref<1x128xi32, #tpu.memory_space<vmem>> -> memref<128xi32, #tpu.memory_space<vmem>>
        %dma_start3A_21 = arith.constant 0 : i32
        %dma_start3A_22 = arith.constant 0 : i32
        %dma_start3A_23 = tpu.memref_slice %arg8[%dma_start3A_21, %dma_start3A_22] : memref<10112x128xf32, #tpu.memory_space<vmem_shared>> -> memref<10112x128xf32, #tpu.memory_space<vmem_shared>>
        tpu.enqueue_indirect_dma source(%arg7 : memref<128x128xf32, #tpu.memory_space<vmem>>) target(%dma_start3A_23 : memref<10112x128xf32, #tpu.memory_space<vmem_shared>>) offsets(%dma_start3A_20 : memref<128xi32, #tpu.memory_space<vmem>>) semaphore(%run_scoped3A : memref<!tpu.dma_semaphore, #tpu.memory_space<semaphore_mem>>) {add = true}
        %dma_wait3A = arith.constant 0 : i32
        %dma_wait3A_24 = tpu.memref_slice %arg6[%add3A_18, %dma_wait3A] : memref<79x128xi32, #tpu.memory_space<vmem>> -> memref<1x128xi32, #tpu.memory_space<vmem>>
        %dma_wait3A_25 = tpu.memref_squeeze %dma_wait3A_24 : memref<1x128xi32, #tpu.memory_space<vmem>> -> memref<128xi32, #tpu.memory_space<vmem>>
        %dma_wait3A_26 = arith.constant 0 : i32
        %dma_wait3A_27 = arith.constant 0 : i32
        %dma_wait3A_28 = tpu.memref_slice %arg8[%dma_wait3A_26, %dma_wait3A_27] : memref<10112x128xf32, #tpu.memory_space<vmem_shared>> -> memref<10112x128xf32, #tpu.memory_space<vmem_shared>>
        tpu.wait_indirect_dma semaphore(%run_scoped3A : memref<!tpu.dma_semaphore, #tpu.memory_space<semaphore_mem>>) src(%arg7 : memref<128x128xf32, #tpu.memory_space<vmem>>) dst(%dma_wait3A_28 : memref<10112x128xf32, #tpu.memory_space<vmem_shared>>)
        tpu.yield
      }) : () -> ()
    }
    %scan3A_8 = arith.constant 79 : i32
    %barrier3A_9 = arith.constant 0 : index
    tpu.barrier barrier_id(%barrier3A_9)
    %mul3A_10 = arith.constant 632 : i32
    %mul3A_11 = arith.muli %arg1, %mul3A_10 : i32
    %mul3A_12 = arith.constant 632 : i32
    %mul3A_13 = arith.muli %arg1, %mul3A_12 : i32
    "tpu.region"() ({
      %run_scoped3A = tpu.sem_alloc : memref<!tpu.dma_semaphore, #tpu.memory_space<semaphore_mem>>
      %dma_start3A = arith.constant 0 : i32
      %dma_start3A_14 = tpu.memref_slice %arg5[%arg0, %mul3A_13, %dma_start3A] : memref<2x10112x128xf32, #tpu.memory_space<hbm>> -> memref<1x632x128xf32, #tpu.memory_space<hbm>>
      %dma_start3A_15 = tpu.memref_squeeze %dma_start3A_14 : memref<1x632x128xf32, #tpu.memory_space<hbm>> -> memref<632x128xf32, #tpu.memory_space<hbm>>
      %dma_start3A_16 = arith.constant 0 : i32
      %dma_start3A_17 = tpu.memref_slice %arg8[%mul3A_11, %dma_start3A_16] : memref<10112x128xf32, #tpu.memory_space<vmem_shared>> -> memref<632x128xf32, #tpu.memory_space<vmem_shared>>
      tpu.enqueue_dma source(%dma_start3A_17 : memref<632x128xf32, #tpu.memory_space<vmem_shared>>) target(%dma_start3A_15 : memref<632x128xf32, #tpu.memory_space<hbm>>) target_semaphore(%run_scoped3A : memref<!tpu.dma_semaphore, #tpu.memory_space<semaphore_mem>>)
      %dma_wait3A = arith.constant 0 : i32
      %dma_wait3A_18 = tpu.memref_slice %arg5[%arg0, %mul3A_13, %dma_wait3A] : memref<2x10112x128xf32, #tpu.memory_space<hbm>> -> memref<1x632x128xf32, #tpu.memory_space<hbm>>
      %dma_wait3A_19 = tpu.memref_squeeze %dma_wait3A_18 : memref<1x632x128xf32, #tpu.memory_space<hbm>> -> memref<632x128xf32, #tpu.memory_space<hbm>>
      %dma_wait3A_20 = arith.constant 0 : i32
      %dma_wait3A_21 = tpu.memref_slice %arg8[%mul3A_11, %dma_wait3A_20] : memref<10112x128xf32, #tpu.memory_space<vmem_shared>> -> memref<632x128xf32, #tpu.memory_space<vmem_shared>>
      tpu.wait_dma2 semaphore(%run_scoped3A : memref<!tpu.dma_semaphore, #tpu.memory_space<semaphore_mem>>) src(%dma_wait3A_21 : memref<632x128xf32, #tpu.memory_space<vmem_shared>>) dst(%dma_wait3A_19 : memref<632x128xf32, #tpu.memory_space<hbm>>)
      tpu.yield
    }) : () -> ()
    return
  }
}

#map = affine_map<(d0, d1) -> (0, 0)>
#map1 = affine_map<(d0, d1) -> (0, 0, 0, 0)>
#map2 = affine_map<(d0, d1) -> (0, 0, 0)>
module attributes {stable_mosaic.version = 14 : i64} {
  func.func @body(%arg0: i32, %arg1: i32, %arg2: memref<10000x128xf32, #tpu.memory_space<hbm>>, %arg3: memref<32x80x2x128xi32, #tpu.memory_space<hbm>>, %arg4: memref<10112x128xf32, #tpu.memory_space<hbm>>, %arg5: memref<2x10112x128xf32, #tpu.memory_space<hbm>>, %arg6: memref<3x2x128xi32, #tpu.memory_space<vmem>>, %arg7: memref<2x128x128xf32, #tpu.memory_space<vmem>>, %arg8: memref<10112x128xf32, #tpu.memory_space<vmem_shared>>, %arg9: memref<!tpu.dma_semaphore, #tpu.memory_space<semaphore_mem>>, %arg10: memref<!tpu.dma_semaphore, #tpu.memory_space<semaphore_mem>>, %arg11: memref<!tpu.dma_semaphore, #tpu.memory_space<semaphore_mem>>) attributes {dimension_semantics = [#tpu.dimension_semantics<core_parallel>, #tpu.dimension_semantics<subcore_parallel>], iteration_bounds = array<i64: 2, 16>, scalar_prefetch = 0 : i64, scratch_operands = 6 : i64, tpu.core_type = #tpu.core_type<sc_vector_subcore>, window_params = [{transform_indices = #map}, {transform_indices = #map1}, {transform_indices = #map}, {transform_indices = #map2}]} {
    %mul3A = arith.constant 16 : i32
    %mul3A_0 = arith.muli %arg0, %mul3A : i32
    %add3A = arith.addi %mul3A_0, %arg1 : i32
    %mul3A_1 = arith.constant 632 : i32
    %mul3A_2 = arith.muli %arg1, %mul3A_1 : i32
    %mul3A_3 = arith.constant 632 : i32
    %mul3A_4 = arith.muli %arg1, %mul3A_3 : i32
    "tpu.region"() ({
      %run_scoped3A = tpu.sem_alloc : memref<!tpu.dma_semaphore, #tpu.memory_space<semaphore_mem>>
      %dma_start3A_224 = arith.constant 0 : i32
      %dma_start3A_225 = tpu.memref_slice %arg8[%mul3A_4, %dma_start3A_224] : memref<10112x128xf32, #tpu.memory_space<vmem_shared>> -> memref<632x128xf32, #tpu.memory_space<vmem_shared>>
      %dma_start3A_226 = arith.constant 0 : i32
      %dma_start3A_227 = tpu.memref_slice %arg4[%mul3A_2, %dma_start3A_226] : memref<10112x128xf32, #tpu.memory_space<hbm>> -> memref<632x128xf32, #tpu.memory_space<hbm>>
      tpu.enqueue_dma source(%dma_start3A_227 : memref<632x128xf32, #tpu.memory_space<hbm>>) target(%dma_start3A_225 : memref<632x128xf32, #tpu.memory_space<vmem_shared>>) target_semaphore(%run_scoped3A : memref<!tpu.dma_semaphore, #tpu.memory_space<semaphore_mem>>)
      %dma_wait3A_228 = arith.constant 0 : i32
      %dma_wait3A_229 = tpu.memref_slice %arg8[%mul3A_4, %dma_wait3A_228] : memref<10112x128xf32, #tpu.memory_space<vmem_shared>> -> memref<632x128xf32, #tpu.memory_space<vmem_shared>>
      %dma_wait3A_230 = arith.constant 0 : i32
      %dma_wait3A_231 = tpu.memref_slice %arg4[%mul3A_2, %dma_wait3A_230] : memref<10112x128xf32, #tpu.memory_space<hbm>> -> memref<632x128xf32, #tpu.memory_space<hbm>>
      tpu.wait_dma2 semaphore(%run_scoped3A : memref<!tpu.dma_semaphore, #tpu.memory_space<semaphore_mem>>) src(%dma_wait3A_231 : memref<632x128xf32, #tpu.memory_space<hbm>>) dst(%dma_wait3A_229 : memref<632x128xf32, #tpu.memory_space<vmem_shared>>)
      tpu.yield
    }) : () -> ()
    %barrier3A = arith.constant 0 : index
    tpu.barrier barrier_id(%barrier3A)
    %dma_start3A = arith.constant 0 : i32
    %dma_start3A_5 = arith.constant 0 : i32
    %dma_start3A_6 = arith.constant 0 : i32
    %dma_start3A_7 = arith.constant 0 : i32
    %dma_start3A_8 = tpu.memref_slice %arg6[%dma_start3A_5, %dma_start3A_6, %dma_start3A_7] : memref<3x2x128xi32, #tpu.memory_space<vmem>> -> memref<1x2x128xi32, #tpu.memory_space<vmem>>
    %dma_start3A_9 = tpu.memref_squeeze %dma_start3A_8 : memref<1x2x128xi32, #tpu.memory_space<vmem>> -> memref<2x128xi32, #tpu.memory_space<vmem>>
    %dma_start3A_10 = arith.constant 0 : i32
    %dma_start3A_11 = arith.constant 0 : i32
    %dma_start3A_12 = tpu.memref_slice %arg3[%add3A, %dma_start3A, %dma_start3A_10, %dma_start3A_11] : memref<32x80x2x128xi32, #tpu.memory_space<hbm>> -> memref<1x1x2x128xi32, #tpu.memory_space<hbm>>
    %dma_start3A_13 = tpu.memref_squeeze %dma_start3A_12 : memref<1x1x2x128xi32, #tpu.memory_space<hbm>> -> memref<2x128xi32, #tpu.memory_space<hbm>>
    %dma_start3A_14 = arith.constant 0 : i32
    %dma_start3A_15 = arith.constant 0 : i32
    %dma_start3A_16 = tpu.memref_slice %arg6[%dma_start3A_5, %dma_start3A_14, %dma_start3A_15] : memref<3x2x128xi32, #tpu.memory_space<vmem>> -> memref<1x2x128xi32, #tpu.memory_space<vmem>>
    %dma_start3A_17 = tpu.memref_squeeze %dma_start3A_16 : memref<1x2x128xi32, #tpu.memory_space<vmem>> -> memref<2x128xi32, #tpu.memory_space<vmem>>
    %dma_start3A_18 = arith.constant 0 : i32
    %dma_start3A_19 = arith.constant 0 : i32
    %dma_start3A_20 = tpu.memref_slice %arg3[%add3A, %dma_start3A, %dma_start3A_18, %dma_start3A_19] : memref<32x80x2x128xi32, #tpu.memory_space<hbm>> -> memref<1x1x2x128xi32, #tpu.memory_space<hbm>>
    %dma_start3A_21 = tpu.memref_squeeze %dma_start3A_20 : memref<1x1x2x128xi32, #tpu.memory_space<hbm>> -> memref<2x128xi32, #tpu.memory_space<hbm>>
    tpu.enqueue_dma source(%dma_start3A_21 : memref<2x128xi32, #tpu.memory_space<hbm>>) target(%dma_start3A_17 : memref<2x128xi32, #tpu.memory_space<vmem>>) target_semaphore(%arg10 : memref<!tpu.dma_semaphore, #tpu.memory_space<semaphore_mem>>)
    %dma_wait3A = arith.constant 0 : i32
    %dma_wait3A_22 = arith.constant 0 : i32
    %dma_wait3A_23 = arith.constant 0 : i32
    %dma_wait3A_24 = arith.constant 0 : i32
    %dma_wait3A_25 = tpu.memref_slice %arg6[%dma_wait3A_22, %dma_wait3A_23, %dma_wait3A_24] : memref<3x2x128xi32, #tpu.memory_space<vmem>> -> memref<1x2x128xi32, #tpu.memory_space<vmem>>
    %dma_wait3A_26 = tpu.memref_squeeze %dma_wait3A_25 : memref<1x2x128xi32, #tpu.memory_space<vmem>> -> memref<2x128xi32, #tpu.memory_space<vmem>>
    %dma_wait3A_27 = arith.constant 0 : i32
    %dma_wait3A_28 = arith.constant 0 : i32
    %dma_wait3A_29 = tpu.memref_slice %arg3[%add3A, %dma_wait3A, %dma_wait3A_27, %dma_wait3A_28] : memref<32x80x2x128xi32, #tpu.memory_space<hbm>> -> memref<1x1x2x128xi32, #tpu.memory_space<hbm>>
    %dma_wait3A_30 = tpu.memref_squeeze %dma_wait3A_29 : memref<1x1x2x128xi32, #tpu.memory_space<hbm>> -> memref<2x128xi32, #tpu.memory_space<hbm>>
    %dma_wait3A_31 = arith.constant 0 : i32
    %dma_wait3A_32 = arith.constant 0 : i32
    %dma_wait3A_33 = tpu.memref_slice %arg6[%dma_wait3A_22, %dma_wait3A_31, %dma_wait3A_32] : memref<3x2x128xi32, #tpu.memory_space<vmem>> -> memref<1x2x128xi32, #tpu.memory_space<vmem>>
    %dma_wait3A_34 = tpu.memref_squeeze %dma_wait3A_33 : memref<1x2x128xi32, #tpu.memory_space<vmem>> -> memref<2x128xi32, #tpu.memory_space<vmem>>
    %dma_wait3A_35 = arith.constant 0 : i32
    %dma_wait3A_36 = arith.constant 0 : i32
    %dma_wait3A_37 = tpu.memref_slice %arg3[%add3A, %dma_wait3A, %dma_wait3A_35, %dma_wait3A_36] : memref<32x80x2x128xi32, #tpu.memory_space<hbm>> -> memref<1x1x2x128xi32, #tpu.memory_space<hbm>>
    %dma_wait3A_38 = tpu.memref_squeeze %dma_wait3A_37 : memref<1x1x2x128xi32, #tpu.memory_space<hbm>> -> memref<2x128xi32, #tpu.memory_space<hbm>>
    tpu.wait_dma2 semaphore(%arg10 : memref<!tpu.dma_semaphore, #tpu.memory_space<semaphore_mem>>) src(%dma_wait3A_38 : memref<2x128xi32, #tpu.memory_space<hbm>>) dst(%dma_wait3A_34 : memref<2x128xi32, #tpu.memory_space<vmem>>)
    %dma_start3A_39 = arith.constant 0 : i32
    %dma_start3A_40 = arith.constant 0 : i32
    %dma_start3A_41 = arith.constant 0 : i32
    %dma_start3A_42 = arith.constant 0 : i32
    %dma_start3A_43 = arith.constant 0 : i32
    %dma_start3A_44 = tpu.memref_slice %arg7[%dma_start3A_41, %dma_start3A_42, %dma_start3A_43] : memref<2x128x128xf32, #tpu.memory_space<vmem>> -> memref<1x128x128xf32, #tpu.memory_space<vmem>>
    %dma_start3A_45 = tpu.memref_squeeze %dma_start3A_44 : memref<1x128x128xf32, #tpu.memory_space<vmem>> -> memref<128x128xf32, #tpu.memory_space<vmem>>
    %dma_start3A_46 = arith.constant 0 : i32
    %dma_start3A_47 = tpu.memref_slice %arg6[%dma_start3A_39, %dma_start3A_40, %dma_start3A_46] : memref<3x2x128xi32, #tpu.memory_space<vmem>> -> memref<1x1x128xi32, #tpu.memory_space<vmem>>
    %dma_start3A_48 = tpu.memref_squeeze %dma_start3A_47 : memref<1x1x128xi32, #tpu.memory_space<vmem>> -> memref<128xi32, #tpu.memory_space<vmem>>
    %dma_start3A_49 = arith.constant 0 : i32
    %dma_start3A_50 = arith.constant 0 : i32
    %dma_start3A_51 = tpu.memref_slice %arg2[%dma_start3A_49, %dma_start3A_50] : memref<10000x128xf32, #tpu.memory_space<hbm>> -> memref<10000x128xf32, #tpu.memory_space<hbm>>
    tpu.enqueue_indirect_dma source(%dma_start3A_51 : memref<10000x128xf32, #tpu.memory_space<hbm>>) target(%dma_start3A_45 : memref<128x128xf32, #tpu.memory_space<vmem>>) offsets(%dma_start3A_48 : memref<128xi32, #tpu.memory_space<vmem>>) semaphore(%arg9 : memref<!tpu.dma_semaphore, #tpu.memory_space<semaphore_mem>>)
    %dma_start3A_52 = arith.constant 1 : i32
    %dma_start3A_53 = arith.constant 1 : i32
    %dma_start3A_54 = arith.constant 0 : i32
    %dma_start3A_55 = arith.constant 0 : i32
    %dma_start3A_56 = tpu.memref_slice %arg6[%dma_start3A_53, %dma_start3A_54, %dma_start3A_55] : memref<3x2x128xi32, #tpu.memory_space<vmem>> -> memref<1x2x128xi32, #tpu.memory_space<vmem>>
    %dma_start3A_57 = tpu.memref_squeeze %dma_start3A_56 : memref<1x2x128xi32, #tpu.memory_space<vmem>> -> memref<2x128xi32, #tpu.memory_space<vmem>>
    %dma_start3A_58 = arith.constant 0 : i32
    %dma_start3A_59 = arith.constant 0 : i32
    %dma_start3A_60 = tpu.memref_slice %arg3[%add3A, %dma_start3A_52, %dma_start3A_58, %dma_start3A_59] : memref<32x80x2x128xi32, #tpu.memory_space<hbm>> -> memref<1x1x2x128xi32, #tpu.memory_space<hbm>>
    %dma_start3A_61 = tpu.memref_squeeze %dma_start3A_60 : memref<1x1x2x128xi32, #tpu.memory_space<hbm>> -> memref<2x128xi32, #tpu.memory_space<hbm>>
    %dma_start3A_62 = arith.constant 0 : i32
    %dma_start3A_63 = arith.constant 0 : i32
    %dma_start3A_64 = tpu.memref_slice %arg6[%dma_start3A_53, %dma_start3A_62, %dma_start3A_63] : memref<3x2x128xi32, #tpu.memory_space<vmem>> -> memref<1x2x128xi32, #tpu.memory_space<vmem>>
    %dma_start3A_65 = tpu.memref_squeeze %dma_start3A_64 : memref<1x2x128xi32, #tpu.memory_space<vmem>> -> memref<2x128xi32, #tpu.memory_space<vmem>>
    %dma_start3A_66 = arith.constant 0 : i32
    %dma_start3A_67 = arith.constant 0 : i32
    %dma_start3A_68 = tpu.memref_slice %arg3[%add3A, %dma_start3A_52, %dma_start3A_66, %dma_start3A_67] : memref<32x80x2x128xi32, #tpu.memory_space<hbm>> -> memref<1x1x2x128xi32, #tpu.memory_space<hbm>>
    %dma_start3A_69 = tpu.memref_squeeze %dma_start3A_68 : memref<1x1x2x128xi32, #tpu.memory_space<hbm>> -> memref<2x128xi32, #tpu.memory_space<hbm>>
    tpu.enqueue_dma source(%dma_start3A_69 : memref<2x128xi32, #tpu.memory_space<hbm>>) target(%dma_start3A_65 : memref<2x128xi32, #tpu.memory_space<vmem>>) target_semaphore(%arg10 : memref<!tpu.dma_semaphore, #tpu.memory_space<semaphore_mem>>)
    %dma_wait3A_70 = arith.constant 1 : i32
    %dma_wait3A_71 = arith.constant 1 : i32
    %dma_wait3A_72 = arith.constant 0 : i32
    %dma_wait3A_73 = arith.constant 0 : i32
    %dma_wait3A_74 = tpu.memref_slice %arg6[%dma_wait3A_71, %dma_wait3A_72, %dma_wait3A_73] : memref<3x2x128xi32, #tpu.memory_space<vmem>> -> memref<1x2x128xi32, #tpu.memory_space<vmem>>
    %dma_wait3A_75 = tpu.memref_squeeze %dma_wait3A_74 : memref<1x2x128xi32, #tpu.memory_space<vmem>> -> memref<2x128xi32, #tpu.memory_space<vmem>>
    %dma_wait3A_76 = arith.constant 0 : i32
    %dma_wait3A_77 = arith.constant 0 : i32
    %dma_wait3A_78 = tpu.memref_slice %arg3[%add3A, %dma_wait3A_70, %dma_wait3A_76, %dma_wait3A_77] : memref<32x80x2x128xi32, #tpu.memory_space<hbm>> -> memref<1x1x2x128xi32, #tpu.memory_space<hbm>>
    %dma_wait3A_79 = tpu.memref_squeeze %dma_wait3A_78 : memref<1x1x2x128xi32, #tpu.memory_space<hbm>> -> memref<2x128xi32, #tpu.memory_space<hbm>>
    %dma_wait3A_80 = arith.constant 0 : i32
    %dma_wait3A_81 = arith.constant 0 : i32
    %dma_wait3A_82 = tpu.memref_slice %arg6[%dma_wait3A_71, %dma_wait3A_80, %dma_wait3A_81] : memref<3x2x128xi32, #tpu.memory_space<vmem>> -> memref<1x2x128xi32, #tpu.memory_space<vmem>>
    %dma_wait3A_83 = tpu.memref_squeeze %dma_wait3A_82 : memref<1x2x128xi32, #tpu.memory_space<vmem>> -> memref<2x128xi32, #tpu.memory_space<vmem>>
    %dma_wait3A_84 = arith.constant 0 : i32
    %dma_wait3A_85 = arith.constant 0 : i32
    %dma_wait3A_86 = tpu.memref_slice %arg3[%add3A, %dma_wait3A_70, %dma_wait3A_84, %dma_wait3A_85] : memref<32x80x2x128xi32, #tpu.memory_space<hbm>> -> memref<1x1x2x128xi32, #tpu.memory_space<hbm>>
    %dma_wait3A_87 = tpu.memref_squeeze %dma_wait3A_86 : memref<1x1x2x128xi32, #tpu.memory_space<hbm>> -> memref<2x128xi32, #tpu.memory_space<hbm>>
    tpu.wait_dma2 semaphore(%arg10 : memref<!tpu.dma_semaphore, #tpu.memory_space<semaphore_mem>>) src(%dma_wait3A_87 : memref<2x128xi32, #tpu.memory_space<hbm>>) dst(%dma_wait3A_83 : memref<2x128xi32, #tpu.memory_space<vmem>>)
    %dma_start3A_88 = arith.constant 1 : i32
    %dma_start3A_89 = arith.constant 0 : i32
    %dma_start3A_90 = arith.constant 1 : i32
    %dma_start3A_91 = arith.constant 0 : i32
    %dma_start3A_92 = arith.constant 0 : i32
    %dma_start3A_93 = tpu.memref_slice %arg7[%dma_start3A_90, %dma_start3A_91, %dma_start3A_92] : memref<2x128x128xf32, #tpu.memory_space<vmem>> -> memref<1x128x128xf32, #tpu.memory_space<vmem>>
    %dma_start3A_94 = tpu.memref_squeeze %dma_start3A_93 : memref<1x128x128xf32, #tpu.memory_space<vmem>> -> memref<128x128xf32, #tpu.memory_space<vmem>>
    %dma_start3A_95 = arith.constant 0 : i32
    %dma_start3A_96 = tpu.memref_slice %arg6[%dma_start3A_88, %dma_start3A_89, %dma_start3A_95] : memref<3x2x128xi32, #tpu.memory_space<vmem>> -> memref<1x1x128xi32, #tpu.memory_space<vmem>>
    %dma_start3A_97 = tpu.memref_squeeze %dma_start3A_96 : memref<1x1x128xi32, #tpu.memory_space<vmem>> -> memref<128xi32, #tpu.memory_space<vmem>>
    %dma_start3A_98 = arith.constant 0 : i32
    %dma_start3A_99 = arith.constant 0 : i32
    %dma_start3A_100 = tpu.memref_slice %arg2[%dma_start3A_98, %dma_start3A_99] : memref<10000x128xf32, #tpu.memory_space<hbm>> -> memref<10000x128xf32, #tpu.memory_space<hbm>>
    tpu.enqueue_indirect_dma source(%dma_start3A_100 : memref<10000x128xf32, #tpu.memory_space<hbm>>) target(%dma_start3A_94 : memref<128x128xf32, #tpu.memory_space<vmem>>) offsets(%dma_start3A_97 : memref<128xi32, #tpu.memory_space<vmem>>) semaphore(%arg9 : memref<!tpu.dma_semaphore, #tpu.memory_space<semaphore_mem>>)
    %dma_wait3A_101 = arith.constant 0 : i32
    %dma_wait3A_102 = arith.constant 0 : i32
    %dma_wait3A_103 = arith.constant 0 : i32
    %dma_wait3A_104 = arith.constant 0 : i32
    %dma_wait3A_105 = arith.constant 0 : i32
    %dma_wait3A_106 = tpu.memref_slice %arg7[%dma_wait3A_103, %dma_wait3A_104, %dma_wait3A_105] : memref<2x128x128xf32, #tpu.memory_space<vmem>> -> memref<1x128x128xf32, #tpu.memory_space<vmem>>
    %dma_wait3A_107 = tpu.memref_squeeze %dma_wait3A_106 : memref<1x128x128xf32, #tpu.memory_space<vmem>> -> memref<128x128xf32, #tpu.memory_space<vmem>>
    %dma_wait3A_108 = arith.constant 0 : i32
    %dma_wait3A_109 = tpu.memref_slice %arg6[%dma_wait3A_101, %dma_wait3A_102, %dma_wait3A_108] : memref<3x2x128xi32, #tpu.memory_space<vmem>> -> memref<1x1x128xi32, #tpu.memory_space<vmem>>
    %dma_wait3A_110 = tpu.memref_squeeze %dma_wait3A_109 : memref<1x1x128xi32, #tpu.memory_space<vmem>> -> memref<128xi32, #tpu.memory_space<vmem>>
    %dma_wait3A_111 = arith.constant 0 : i32
    %dma_wait3A_112 = arith.constant 0 : i32
    %dma_wait3A_113 = tpu.memref_slice %arg2[%dma_wait3A_111, %dma_wait3A_112] : memref<10000x128xf32, #tpu.memory_space<hbm>> -> memref<10000x128xf32, #tpu.memory_space<hbm>>
    tpu.wait_indirect_dma semaphore(%arg9 : memref<!tpu.dma_semaphore, #tpu.memory_space<semaphore_mem>>) src(%dma_wait3A_113 : memref<10000x128xf32, #tpu.memory_space<hbm>>) dst(%dma_wait3A_107 : memref<128x128xf32, #tpu.memory_space<vmem>>)
    %dma_start3A_114 = arith.constant 0 : i32
    %dma_start3A_115 = arith.constant 0 : i32
    %dma_start3A_116 = arith.constant 1 : i32
    %dma_start3A_117 = arith.constant 0 : i32
    %dma_start3A_118 = arith.constant 0 : i32
    %dma_start3A_119 = tpu.memref_slice %arg7[%dma_start3A_114, %dma_start3A_117, %dma_start3A_118] : memref<2x128x128xf32, #tpu.memory_space<vmem>> -> memref<1x128x128xf32, #tpu.memory_space<vmem>>
    %dma_start3A_120 = tpu.memref_squeeze %dma_start3A_119 : memref<1x128x128xf32, #tpu.memory_space<vmem>> -> memref<128x128xf32, #tpu.memory_space<vmem>>
    %dma_start3A_121 = arith.constant 0 : i32
    %dma_start3A_122 = tpu.memref_slice %arg6[%dma_start3A_115, %dma_start3A_116, %dma_start3A_121] : memref<3x2x128xi32, #tpu.memory_space<vmem>> -> memref<1x1x128xi32, #tpu.memory_space<vmem>>
    %dma_start3A_123 = tpu.memref_squeeze %dma_start3A_122 : memref<1x1x128xi32, #tpu.memory_space<vmem>> -> memref<128xi32, #tpu.memory_space<vmem>>
    %dma_start3A_124 = arith.constant 0 : i32
    %dma_start3A_125 = arith.constant 0 : i32
    %dma_start3A_126 = tpu.memref_slice %arg8[%dma_start3A_124, %dma_start3A_125] : memref<10112x128xf32, #tpu.memory_space<vmem_shared>> -> memref<10112x128xf32, #tpu.memory_space<vmem_shared>>
    tpu.enqueue_indirect_dma source(%dma_start3A_120 : memref<128x128xf32, #tpu.memory_space<vmem>>) target(%dma_start3A_126 : memref<10112x128xf32, #tpu.memory_space<vmem_shared>>) offsets(%dma_start3A_123 : memref<128xi32, #tpu.memory_space<vmem>>) semaphore(%arg11 : memref<!tpu.dma_semaphore, #tpu.memory_space<semaphore_mem>>) {add = true}
    %dma_start3A_127 = arith.constant 2 : i32
    %dma_start3A_128 = arith.constant 2 : i32
    %dma_start3A_129 = arith.constant 0 : i32
    %dma_start3A_130 = arith.constant 0 : i32
    %dma_start3A_131 = tpu.memref_slice %arg6[%dma_start3A_128, %dma_start3A_129, %dma_start3A_130] : memref<3x2x128xi32, #tpu.memory_space<vmem>> -> memref<1x2x128xi32, #tpu.memory_space<vmem>>
    %dma_start3A_132 = tpu.memref_squeeze %dma_start3A_131 : memref<1x2x128xi32, #tpu.memory_space<vmem>> -> memref<2x128xi32, #tpu.memory_space<vmem>>
    %dma_start3A_133 = arith.constant 0 : i32
    %dma_start3A_134 = arith.constant 0 : i32
    %dma_start3A_135 = tpu.memref_slice %arg3[%add3A, %dma_start3A_127, %dma_start3A_133, %dma_start3A_134] : memref<32x80x2x128xi32, #tpu.memory_space<hbm>> -> memref<1x1x2x128xi32, #tpu.memory_space<hbm>>
    %dma_start3A_136 = tpu.memref_squeeze %dma_start3A_135 : memref<1x1x2x128xi32, #tpu.memory_space<hbm>> -> memref<2x128xi32, #tpu.memory_space<hbm>>
    %dma_start3A_137 = arith.constant 0 : i32
    %dma_start3A_138 = arith.constant 0 : i32
    %dma_start3A_139 = tpu.memref_slice %arg6[%dma_start3A_128, %dma_start3A_137, %dma_start3A_138] : memref<3x2x128xi32, #tpu.memory_space<vmem>> -> memref<1x2x128xi32, #tpu.memory_space<vmem>>
    %dma_start3A_140 = tpu.memref_squeeze %dma_start3A_139 : memref<1x2x128xi32, #tpu.memory_space<vmem>> -> memref<2x128xi32, #tpu.memory_space<vmem>>
    %dma_start3A_141 = arith.constant 0 : i32
    %dma_start3A_142 = arith.constant 0 : i32
    %dma_start3A_143 = tpu.memref_slice %arg3[%add3A, %dma_start3A_127, %dma_start3A_141, %dma_start3A_142] : memref<32x80x2x128xi32, #tpu.memory_space<hbm>> -> memref<1x1x2x128xi32, #tpu.memory_space<hbm>>
    %dma_start3A_144 = tpu.memref_squeeze %dma_start3A_143 : memref<1x1x2x128xi32, #tpu.memory_space<hbm>> -> memref<2x128xi32, #tpu.memory_space<hbm>>
    tpu.enqueue_dma source(%dma_start3A_144 : memref<2x128xi32, #tpu.memory_space<hbm>>) target(%dma_start3A_140 : memref<2x128xi32, #tpu.memory_space<vmem>>) target_semaphore(%arg10 : memref<!tpu.dma_semaphore, #tpu.memory_space<semaphore_mem>>)
    %scan3A = arith.constant 0 : i32
    %scan3A_145 = arith.constant 77 : i32
    %scan3A_146 = arith.addi %scan3A, %scan3A_145 : i32
    %scan3A_147 = arith.constant 1 : i32
    scf.for %scan3A_224 = %scan3A to %scan3A_146 step %scan3A_147  : i32 {
      %mul3A_225 = arith.constant 1 : i32
      %mul3A_226 = arith.muli %scan3A_224, %mul3A_225 : i32
      %add3A_227 = arith.constant 1 : i32
      %add3A_228 = arith.addi %add3A_227, %mul3A_226 : i32
      %rem3A = arith.constant 2 : i32
      %rem3A_229 = arith.remsi %add3A_228, %rem3A : i32
      %sub3A = arith.constant 1 : i32
      %sub3A_230 = arith.subi %sub3A, %rem3A_229 : i32
      %rem3A_231 = arith.constant 3 : i32
      %rem3A_232 = arith.remsi %add3A_228, %rem3A_231 : i32
      %add3A_233 = arith.constant 1 : i32
      %add3A_234 = arith.addi %add3A_228, %add3A_233 : i32
      %rem3A_235 = arith.constant 3 : i32
      %rem3A_236 = arith.remsi %add3A_234, %rem3A_235 : i32
      %add3A_237 = arith.constant 2 : i32
      %add3A_238 = arith.addi %add3A_228, %add3A_237 : i32
      %rem3A_239 = arith.constant 3 : i32
      %rem3A_240 = arith.remsi %add3A_238, %rem3A_239 : i32
      %add3A_241 = arith.constant 1 : i32
      %add3A_242 = arith.addi %add3A_228, %add3A_241 : i32
      %dma_wait3A_243 = arith.constant 0 : i32
      %dma_wait3A_244 = arith.constant 0 : i32
      %dma_wait3A_245 = tpu.memref_slice %arg6[%rem3A_236, %dma_wait3A_243, %dma_wait3A_244] : memref<3x2x128xi32, #tpu.memory_space<vmem>> -> memref<1x2x128xi32, #tpu.memory_space<vmem>>
      %dma_wait3A_246 = tpu.memref_squeeze %dma_wait3A_245 : memref<1x2x128xi32, #tpu.memory_space<vmem>> -> memref<2x128xi32, #tpu.memory_space<vmem>>
      %dma_wait3A_247 = arith.constant 0 : i32
      %dma_wait3A_248 = arith.constant 0 : i32
      %dma_wait3A_249 = tpu.memref_slice %arg3[%add3A, %add3A_242, %dma_wait3A_247, %dma_wait3A_248] : memref<32x80x2x128xi32, #tpu.memory_space<hbm>> -> memref<1x1x2x128xi32, #tpu.memory_space<hbm>>
      %dma_wait3A_250 = tpu.memref_squeeze %dma_wait3A_249 : memref<1x1x2x128xi32, #tpu.memory_space<hbm>> -> memref<2x128xi32, #tpu.memory_space<hbm>>
      %dma_wait3A_251 = arith.constant 0 : i32
      %dma_wait3A_252 = arith.constant 0 : i32
      %dma_wait3A_253 = tpu.memref_slice %arg6[%rem3A_236, %dma_wait3A_251, %dma_wait3A_252] : memref<3x2x128xi32, #tpu.memory_space<vmem>> -> memref<1x2x128xi32, #tpu.memory_space<vmem>>
      %dma_wait3A_254 = tpu.memref_squeeze %dma_wait3A_253 : memref<1x2x128xi32, #tpu.memory_space<vmem>> -> memref<2x128xi32, #tpu.memory_space<vmem>>
      %dma_wait3A_255 = arith.constant 0 : i32
      %dma_wait3A_256 = arith.constant 0 : i32
      %dma_wait3A_257 = tpu.memref_slice %arg3[%add3A, %add3A_242, %dma_wait3A_255, %dma_wait3A_256] : memref<32x80x2x128xi32, #tpu.memory_space<hbm>> -> memref<1x1x2x128xi32, #tpu.memory_space<hbm>>
      %dma_wait3A_258 = tpu.memref_squeeze %dma_wait3A_257 : memref<1x1x2x128xi32, #tpu.memory_space<hbm>> -> memref<2x128xi32, #tpu.memory_space<hbm>>
      tpu.wait_dma2 semaphore(%arg10 : memref<!tpu.dma_semaphore, #tpu.memory_space<semaphore_mem>>) src(%dma_wait3A_258 : memref<2x128xi32, #tpu.memory_space<hbm>>) dst(%dma_wait3A_254 : memref<2x128xi32, #tpu.memory_space<vmem>>)
      %dma_wait3A_259 = arith.constant 0 : i32
      %dma_wait3A_260 = arith.constant 1 : i32
      %dma_wait3A_261 = arith.constant 0 : i32
      %dma_wait3A_262 = arith.constant 0 : i32
      %dma_wait3A_263 = tpu.memref_slice %arg7[%sub3A_230, %dma_wait3A_261, %dma_wait3A_262] : memref<2x128x128xf32, #tpu.memory_space<vmem>> -> memref<1x128x128xf32, #tpu.memory_space<vmem>>
      %dma_wait3A_264 = tpu.memref_squeeze %dma_wait3A_263 : memref<1x128x128xf32, #tpu.memory_space<vmem>> -> memref<128x128xf32, #tpu.memory_space<vmem>>
      %dma_wait3A_265 = arith.constant 0 : i32
      %dma_wait3A_266 = tpu.memref_slice %arg6[%dma_wait3A_259, %dma_wait3A_260, %dma_wait3A_265] : memref<3x2x128xi32, #tpu.memory_space<vmem>> -> memref<1x1x128xi32, #tpu.memory_space<vmem>>
      %dma_wait3A_267 = tpu.memref_squeeze %dma_wait3A_266 : memref<1x1x128xi32, #tpu.memory_space<vmem>> -> memref<128xi32, #tpu.memory_space<vmem>>
      %dma_wait3A_268 = arith.constant 0 : i32
      %dma_wait3A_269 = arith.constant 0 : i32
      %dma_wait3A_270 = tpu.memref_slice %arg8[%dma_wait3A_268, %dma_wait3A_269] : memref<10112x128xf32, #tpu.memory_space<vmem_shared>> -> memref<10112x128xf32, #tpu.memory_space<vmem_shared>>
      tpu.wait_indirect_dma semaphore(%arg11 : memref<!tpu.dma_semaphore, #tpu.memory_space<semaphore_mem>>) src(%dma_wait3A_264 : memref<128x128xf32, #tpu.memory_space<vmem>>) dst(%dma_wait3A_270 : memref<10112x128xf32, #tpu.memory_space<vmem_shared>>)
      %dma_start3A_271 = arith.constant 0 : i32
      %dma_start3A_272 = arith.constant 0 : i32
      %dma_start3A_273 = arith.constant 0 : i32
      %dma_start3A_274 = tpu.memref_slice %arg7[%sub3A_230, %dma_start3A_272, %dma_start3A_273] : memref<2x128x128xf32, #tpu.memory_space<vmem>> -> memref<1x128x128xf32, #tpu.memory_space<vmem>>
      %dma_start3A_275 = tpu.memref_squeeze %dma_start3A_274 : memref<1x128x128xf32, #tpu.memory_space<vmem>> -> memref<128x128xf32, #tpu.memory_space<vmem>>
      %dma_start3A_276 = arith.constant 0 : i32
      %dma_start3A_277 = tpu.memref_slice %arg6[%rem3A_236, %dma_start3A_271, %dma_start3A_276] : memref<3x2x128xi32, #tpu.memory_space<vmem>> -> memref<1x1x128xi32, #tpu.memory_space<vmem>>
      %dma_start3A_278 = tpu.memref_squeeze %dma_start3A_277 : memref<1x1x128xi32, #tpu.memory_space<vmem>> -> memref<128xi32, #tpu.memory_space<vmem>>
      %dma_start3A_279 = arith.constant 0 : i32
      %dma_start3A_280 = arith.constant 0 : i32
      %dma_start3A_281 = tpu.memref_slice %arg2[%dma_start3A_279, %dma_start3A_280] : memref<10000x128xf32, #tpu.memory_space<hbm>> -> memref<10000x128xf32, #tpu.memory_space<hbm>>
      tpu.enqueue_indirect_dma source(%dma_start3A_281 : memref<10000x128xf32, #tpu.memory_space<hbm>>) target(%dma_start3A_275 : memref<128x128xf32, #tpu.memory_space<vmem>>) offsets(%dma_start3A_278 : memref<128xi32, #tpu.memory_space<vmem>>) semaphore(%arg9 : memref<!tpu.dma_semaphore, #tpu.memory_space<semaphore_mem>>)
      %dma_wait3A_282 = arith.constant 0 : i32
      %dma_wait3A_283 = arith.constant 0 : i32
      %dma_wait3A_284 = arith.constant 0 : i32
      %dma_wait3A_285 = arith.constant 0 : i32
      %dma_wait3A_286 = tpu.memref_slice %arg7[%rem3A_229, %dma_wait3A_284, %dma_wait3A_285] : memref<2x128x128xf32, #tpu.memory_space<vmem>> -> memref<1x128x128xf32, #tpu.memory_space<vmem>>
      %dma_wait3A_287 = tpu.memref_squeeze %dma_wait3A_286 : memref<1x128x128xf32, #tpu.memory_space<vmem>> -> memref<128x128xf32, #tpu.memory_space<vmem>>
      %dma_wait3A_288 = arith.constant 0 : i32
      %dma_wait3A_289 = tpu.memref_slice %arg6[%dma_wait3A_282, %dma_wait3A_283, %dma_wait3A_288] : memref<3x2x128xi32, #tpu.memory_space<vmem>> -> memref<1x1x128xi32, #tpu.memory_space<vmem>>
      %dma_wait3A_290 = tpu.memref_squeeze %dma_wait3A_289 : memref<1x1x128xi32, #tpu.memory_space<vmem>> -> memref<128xi32, #tpu.memory_space<vmem>>
      %dma_wait3A_291 = arith.constant 0 : i32
      %dma_wait3A_292 = arith.constant 0 : i32
      %dma_wait3A_293 = tpu.memref_slice %arg2[%dma_wait3A_291, %dma_wait3A_292] : memref<10000x128xf32, #tpu.memory_space<hbm>> -> memref<10000x128xf32, #tpu.memory_space<hbm>>
      tpu.wait_indirect_dma semaphore(%arg9 : memref<!tpu.dma_semaphore, #tpu.memory_space<semaphore_mem>>) src(%dma_wait3A_293 : memref<10000x128xf32, #tpu.memory_space<hbm>>) dst(%dma_wait3A_287 : memref<128x128xf32, #tpu.memory_space<vmem>>)
      %dma_start3A_294 = arith.constant 1 : i32
      %dma_start3A_295 = arith.constant 0 : i32
      %dma_start3A_296 = arith.constant 0 : i32
      %dma_start3A_297 = tpu.memref_slice %arg7[%rem3A_229, %dma_start3A_295, %dma_start3A_296] : memref<2x128x128xf32, #tpu.memory_space<vmem>> -> memref<1x128x128xf32, #tpu.memory_space<vmem>>
      %dma_start3A_298 = tpu.memref_squeeze %dma_start3A_297 : memref<1x128x128xf32, #tpu.memory_space<vmem>> -> memref<128x128xf32, #tpu.memory_space<vmem>>
      %dma_start3A_299 = arith.constant 0 : i32
      %dma_start3A_300 = tpu.memref_slice %arg6[%rem3A_232, %dma_start3A_294, %dma_start3A_299] : memref<3x2x128xi32, #tpu.memory_space<vmem>> -> memref<1x1x128xi32, #tpu.memory_space<vmem>>
      %dma_start3A_301 = tpu.memref_squeeze %dma_start3A_300 : memref<1x1x128xi32, #tpu.memory_space<vmem>> -> memref<128xi32, #tpu.memory_space<vmem>>
      %dma_start3A_302 = arith.constant 0 : i32
      %dma_start3A_303 = arith.constant 0 : i32
      %dma_start3A_304 = tpu.memref_slice %arg8[%dma_start3A_302, %dma_start3A_303] : memref<10112x128xf32, #tpu.memory_space<vmem_shared>> -> memref<10112x128xf32, #tpu.memory_space<vmem_shared>>
      tpu.enqueue_indirect_dma source(%dma_start3A_298 : memref<128x128xf32, #tpu.memory_space<vmem>>) target(%dma_start3A_304 : memref<10112x128xf32, #tpu.memory_space<vmem_shared>>) offsets(%dma_start3A_301 : memref<128xi32, #tpu.memory_space<vmem>>) semaphore(%arg11 : memref<!tpu.dma_semaphore, #tpu.memory_space<semaphore_mem>>) {add = true}
      %add3A_305 = arith.constant 2 : i32
      %add3A_306 = arith.addi %add3A_228, %add3A_305 : i32
      %dma_start3A_307 = arith.constant 0 : i32
      %dma_start3A_308 = arith.constant 0 : i32
      %dma_start3A_309 = tpu.memref_slice %arg6[%rem3A_240, %dma_start3A_307, %dma_start3A_308] : memref<3x2x128xi32, #tpu.memory_space<vmem>> -> memref<1x2x128xi32, #tpu.memory_space<vmem>>
      %dma_start3A_310 = tpu.memref_squeeze %dma_start3A_309 : memref<1x2x128xi32, #tpu.memory_space<vmem>> -> memref<2x128xi32, #tpu.memory_space<vmem>>
      %dma_start3A_311 = arith.constant 0 : i32
      %dma_start3A_312 = arith.constant 0 : i32
      %dma_start3A_313 = tpu.memref_slice %arg3[%add3A, %add3A_306, %dma_start3A_311, %dma_start3A_312] : memref<32x80x2x128xi32, #tpu.memory_space<hbm>> -> memref<1x1x2x128xi32, #tpu.memory_space<hbm>>
      %dma_start3A_314 = tpu.memref_squeeze %dma_start3A_313 : memref<1x1x2x128xi32, #tpu.memory_space<hbm>> -> memref<2x128xi32, #tpu.memory_space<hbm>>
      %dma_start3A_315 = arith.constant 0 : i32
      %dma_start3A_316 = arith.constant 0 : i32
      %dma_start3A_317 = tpu.memref_slice %arg6[%rem3A_240, %dma_start3A_315, %dma_start3A_316] : memref<3x2x128xi32, #tpu.memory_space<vmem>> -> memref<1x2x128xi32, #tpu.memory_space<vmem>>
      %dma_start3A_318 = tpu.memref_squeeze %dma_start3A_317 : memref<1x2x128xi32, #tpu.memory_space<vmem>> -> memref<2x128xi32, #tpu.memory_space<vmem>>
      %dma_start3A_319 = arith.constant 0 : i32
      %dma_start3A_320 = arith.constant 0 : i32
      %dma_start3A_321 = tpu.memref_slice %arg3[%add3A, %add3A_306, %dma_start3A_319, %dma_start3A_320] : memref<32x80x2x128xi32, #tpu.memory_space<hbm>> -> memref<1x1x2x128xi32, #tpu.memory_space<hbm>>
      %dma_start3A_322 = tpu.memref_squeeze %dma_start3A_321 : memref<1x1x2x128xi32, #tpu.memory_space<hbm>> -> memref<2x128xi32, #tpu.memory_space<hbm>>
      tpu.enqueue_dma source(%dma_start3A_322 : memref<2x128xi32, #tpu.memory_space<hbm>>) target(%dma_start3A_318 : memref<2x128xi32, #tpu.memory_space<vmem>>) target_semaphore(%arg10 : memref<!tpu.dma_semaphore, #tpu.memory_space<semaphore_mem>>)
    }
    %scan3A_148 = arith.constant 77 : i32
    %dma_wait3A_149 = arith.constant 1 : i32
    %dma_wait3A_150 = arith.constant 0 : i32
    %dma_wait3A_151 = arith.constant 1 : i32
    %dma_wait3A_152 = arith.constant 0 : i32
    %dma_wait3A_153 = arith.constant 0 : i32
    %dma_wait3A_154 = tpu.memref_slice %arg7[%dma_wait3A_149, %dma_wait3A_152, %dma_wait3A_153] : memref<2x128x128xf32, #tpu.memory_space<vmem>> -> memref<1x128x128xf32, #tpu.memory_space<vmem>>
    %dma_wait3A_155 = tpu.memref_squeeze %dma_wait3A_154 : memref<1x128x128xf32, #tpu.memory_space<vmem>> -> memref<128x128xf32, #tpu.memory_space<vmem>>
    %dma_wait3A_156 = arith.constant 0 : i32
    %dma_wait3A_157 = tpu.memref_slice %arg6[%dma_wait3A_150, %dma_wait3A_151, %dma_wait3A_156] : memref<3x2x128xi32, #tpu.memory_space<vmem>> -> memref<1x1x128xi32, #tpu.memory_space<vmem>>
    %dma_wait3A_158 = tpu.memref_squeeze %dma_wait3A_157 : memref<1x1x128xi32, #tpu.memory_space<vmem>> -> memref<128xi32, #tpu.memory_space<vmem>>
    %dma_wait3A_159 = arith.constant 0 : i32
    %dma_wait3A_160 = arith.constant 0 : i32
    %dma_wait3A_161 = tpu.memref_slice %arg8[%dma_wait3A_159, %dma_wait3A_160] : memref<10112x128xf32, #tpu.memory_space<vmem_shared>> -> memref<10112x128xf32, #tpu.memory_space<vmem_shared>>
    tpu.wait_indirect_dma semaphore(%arg11 : memref<!tpu.dma_semaphore, #tpu.memory_space<semaphore_mem>>) src(%dma_wait3A_155 : memref<128x128xf32, #tpu.memory_space<vmem>>) dst(%dma_wait3A_161 : memref<10112x128xf32, #tpu.memory_space<vmem_shared>>)
    %dma_wait3A_162 = arith.constant 0 : i32
    %dma_wait3A_163 = arith.constant 0 : i32
    %dma_wait3A_164 = arith.constant 0 : i32
    %dma_wait3A_165 = arith.constant 0 : i32
    %dma_wait3A_166 = arith.constant 0 : i32
    %dma_wait3A_167 = tpu.memref_slice %arg7[%dma_wait3A_164, %dma_wait3A_165, %dma_wait3A_166] : memref<2x128x128xf32, #tpu.memory_space<vmem>> -> memref<1x128x128xf32, #tpu.memory_space<vmem>>
    %dma_wait3A_168 = tpu.memref_squeeze %dma_wait3A_167 : memref<1x128x128xf32, #tpu.memory_space<vmem>> -> memref<128x128xf32, #tpu.memory_space<vmem>>
    %dma_wait3A_169 = arith.constant 0 : i32
    %dma_wait3A_170 = tpu.memref_slice %arg6[%dma_wait3A_162, %dma_wait3A_163, %dma_wait3A_169] : memref<3x2x128xi32, #tpu.memory_space<vmem>> -> memref<1x1x128xi32, #tpu.memory_space<vmem>>
    %dma_wait3A_171 = tpu.memref_squeeze %dma_wait3A_170 : memref<1x1x128xi32, #tpu.memory_space<vmem>> -> memref<128xi32, #tpu.memory_space<vmem>>
    %dma_wait3A_172 = arith.constant 0 : i32
    %dma_wait3A_173 = arith.constant 0 : i32
    %dma_wait3A_174 = tpu.memref_slice %arg2[%dma_wait3A_172, %dma_wait3A_173] : memref<10000x128xf32, #tpu.memory_space<hbm>> -> memref<10000x128xf32, #tpu.memory_space<hbm>>
    tpu.wait_indirect_dma semaphore(%arg9 : memref<!tpu.dma_semaphore, #tpu.memory_space<semaphore_mem>>) src(%dma_wait3A_174 : memref<10000x128xf32, #tpu.memory_space<hbm>>) dst(%dma_wait3A_168 : memref<128x128xf32, #tpu.memory_space<vmem>>)
    %dma_start3A_175 = arith.constant 0 : i32
    %dma_start3A_176 = arith.constant 0 : i32
    %dma_start3A_177 = arith.constant 1 : i32
    %dma_start3A_178 = arith.constant 0 : i32
    %dma_start3A_179 = arith.constant 0 : i32
    %dma_start3A_180 = tpu.memref_slice %arg7[%dma_start3A_175, %dma_start3A_178, %dma_start3A_179] : memref<2x128x128xf32, #tpu.memory_space<vmem>> -> memref<1x128x128xf32, #tpu.memory_space<vmem>>
    %dma_start3A_181 = tpu.memref_squeeze %dma_start3A_180 : memref<1x128x128xf32, #tpu.memory_space<vmem>> -> memref<128x128xf32, #tpu.memory_space<vmem>>
    %dma_start3A_182 = arith.constant 0 : i32
    %dma_start3A_183 = tpu.memref_slice %arg6[%dma_start3A_176, %dma_start3A_177, %dma_start3A_182] : memref<3x2x128xi32, #tpu.memory_space<vmem>> -> memref<1x1x128xi32, #tpu.memory_space<vmem>>
    %dma_start3A_184 = tpu.memref_squeeze %dma_start3A_183 : memref<1x1x128xi32, #tpu.memory_space<vmem>> -> memref<128xi32, #tpu.memory_space<vmem>>
    %dma_start3A_185 = arith.constant 0 : i32
    %dma_start3A_186 = arith.constant 0 : i32
    %dma_start3A_187 = tpu.memref_slice %arg8[%dma_start3A_185, %dma_start3A_186] : memref<10112x128xf32, #tpu.memory_space<vmem_shared>> -> memref<10112x128xf32, #tpu.memory_space<vmem_shared>>
    tpu.enqueue_indirect_dma source(%dma_start3A_181 : memref<128x128xf32, #tpu.memory_space<vmem>>) target(%dma_start3A_187 : memref<10112x128xf32, #tpu.memory_space<vmem_shared>>) offsets(%dma_start3A_184 : memref<128xi32, #tpu.memory_space<vmem>>) semaphore(%arg11 : memref<!tpu.dma_semaphore, #tpu.memory_space<semaphore_mem>>) {add = true}
    %dma_wait3A_188 = arith.constant 0 : i32
    %dma_wait3A_189 = arith.constant 0 : i32
    %dma_wait3A_190 = arith.constant 1 : i32
    %dma_wait3A_191 = arith.constant 0 : i32
    %dma_wait3A_192 = arith.constant 0 : i32
    %dma_wait3A_193 = tpu.memref_slice %arg7[%dma_wait3A_188, %dma_wait3A_191, %dma_wait3A_192] : memref<2x128x128xf32, #tpu.memory_space<vmem>> -> memref<1x128x128xf32, #tpu.memory_space<vmem>>
    %dma_wait3A_194 = tpu.memref_squeeze %dma_wait3A_193 : memref<1x128x128xf32, #tpu.memory_space<vmem>> -> memref<128x128xf32, #tpu.memory_space<vmem>>
    %dma_wait3A_195 = arith.constant 0 : i32
    %dma_wait3A_196 = tpu.memref_slice %arg6[%dma_wait3A_189, %dma_wait3A_190, %dma_wait3A_195] : memref<3x2x128xi32, #tpu.memory_space<vmem>> -> memref<1x1x128xi32, #tpu.memory_space<vmem>>
    %dma_wait3A_197 = tpu.memref_squeeze %dma_wait3A_196 : memref<1x1x128xi32, #tpu.memory_space<vmem>> -> memref<128xi32, #tpu.memory_space<vmem>>
    %dma_wait3A_198 = arith.constant 0 : i32
    %dma_wait3A_199 = arith.constant 0 : i32
    %dma_wait3A_200 = tpu.memref_slice %arg8[%dma_wait3A_198, %dma_wait3A_199] : memref<10112x128xf32, #tpu.memory_space<vmem_shared>> -> memref<10112x128xf32, #tpu.memory_space<vmem_shared>>
    tpu.wait_indirect_dma semaphore(%arg11 : memref<!tpu.dma_semaphore, #tpu.memory_space<semaphore_mem>>) src(%dma_wait3A_194 : memref<128x128xf32, #tpu.memory_space<vmem>>) dst(%dma_wait3A_200 : memref<10112x128xf32, #tpu.memory_space<vmem_shared>>)
    %dma_wait3A_201 = arith.constant 79 : i32
    %dma_wait3A_202 = arith.constant 1 : i32
    %dma_wait3A_203 = arith.constant 0 : i32
    %dma_wait3A_204 = arith.constant 0 : i32
    %dma_wait3A_205 = tpu.memref_slice %arg6[%dma_wait3A_202, %dma_wait3A_203, %dma_wait3A_204] : memref<3x2x128xi32, #tpu.memory_space<vmem>> -> memref<1x2x128xi32, #tpu.memory_space<vmem>>
    %dma_wait3A_206 = tpu.memref_squeeze %dma_wait3A_205 : memref<1x2x128xi32, #tpu.memory_space<vmem>> -> memref<2x128xi32, #tpu.memory_space<vmem>>
    %dma_wait3A_207 = arith.constant 0 : i32
    %dma_wait3A_208 = arith.constant 0 : i32
    %dma_wait3A_209 = tpu.memref_slice %arg3[%add3A, %dma_wait3A_201, %dma_wait3A_207, %dma_wait3A_208] : memref<32x80x2x128xi32, #tpu.memory_space<hbm>> -> memref<1x1x2x128xi32, #tpu.memory_space<hbm>>
    %dma_wait3A_210 = tpu.memref_squeeze %dma_wait3A_209 : memref<1x1x2x128xi32, #tpu.memory_space<hbm>> -> memref<2x128xi32, #tpu.memory_space<hbm>>
    %dma_wait3A_211 = arith.constant 0 : i32
    %dma_wait3A_212 = arith.constant 0 : i32
    %dma_wait3A_213 = tpu.memref_slice %arg6[%dma_wait3A_202, %dma_wait3A_211, %dma_wait3A_212] : memref<3x2x128xi32, #tpu.memory_space<vmem>> -> memref<1x2x128xi32, #tpu.memory_space<vmem>>
    %dma_wait3A_214 = tpu.memref_squeeze %dma_wait3A_213 : memref<1x2x128xi32, #tpu.memory_space<vmem>> -> memref<2x128xi32, #tpu.memory_space<vmem>>
    %dma_wait3A_215 = arith.constant 0 : i32
    %dma_wait3A_216 = arith.constant 0 : i32
    %dma_wait3A_217 = tpu.memref_slice %arg3[%add3A, %dma_wait3A_201, %dma_wait3A_215, %dma_wait3A_216] : memref<32x80x2x128xi32, #tpu.memory_space<hbm>> -> memref<1x1x2x128xi32, #tpu.memory_space<hbm>>
    %dma_wait3A_218 = tpu.memref_squeeze %dma_wait3A_217 : memref<1x1x2x128xi32, #tpu.memory_space<hbm>> -> memref<2x128xi32, #tpu.memory_space<hbm>>
    tpu.wait_dma2 semaphore(%arg10 : memref<!tpu.dma_semaphore, #tpu.memory_space<semaphore_mem>>) src(%dma_wait3A_218 : memref<2x128xi32, #tpu.memory_space<hbm>>) dst(%dma_wait3A_214 : memref<2x128xi32, #tpu.memory_space<vmem>>)
    %barrier3A_219 = arith.constant 0 : index
    tpu.barrier barrier_id(%barrier3A_219)
    %mul3A_220 = arith.constant 632 : i32
    %mul3A_221 = arith.muli %arg1, %mul3A_220 : i32
    %mul3A_222 = arith.constant 632 : i32
    %mul3A_223 = arith.muli %arg1, %mul3A_222 : i32
    "tpu.region"() ({
      %run_scoped3A = tpu.sem_alloc : memref<!tpu.dma_semaphore, #tpu.memory_space<semaphore_mem>>
      %dma_start3A_224 = arith.constant 0 : i32
      %dma_start3A_225 = tpu.memref_slice %arg5[%arg0, %mul3A_223, %dma_start3A_224] : memref<2x10112x128xf32, #tpu.memory_space<hbm>> -> memref<1x632x128xf32, #tpu.memory_space<hbm>>
      %dma_start3A_226 = tpu.memref_squeeze %dma_start3A_225 : memref<1x632x128xf32, #tpu.memory_space<hbm>> -> memref<632x128xf32, #tpu.memory_space<hbm>>
      %dma_start3A_227 = arith.constant 0 : i32
      %dma_start3A_228 = tpu.memref_slice %arg8[%mul3A_221, %dma_start3A_227] : memref<10112x128xf32, #tpu.memory_space<vmem_shared>> -> memref<632x128xf32, #tpu.memory_space<vmem_shared>>
      tpu.enqueue_dma source(%dma_start3A_228 : memref<632x128xf32, #tpu.memory_space<vmem_shared>>) target(%dma_start3A_226 : memref<632x128xf32, #tpu.memory_space<hbm>>) target_semaphore(%run_scoped3A : memref<!tpu.dma_semaphore, #tpu.memory_space<semaphore_mem>>)
      %dma_wait3A_229 = arith.constant 0 : i32
      %dma_wait3A_230 = tpu.memref_slice %arg5[%arg0, %mul3A_223, %dma_wait3A_229] : memref<2x10112x128xf32, #tpu.memory_space<hbm>> -> memref<1x632x128xf32, #tpu.memory_space<hbm>>
      %dma_wait3A_231 = tpu.memref_squeeze %dma_wait3A_230 : memref<1x632x128xf32, #tpu.memory_space<hbm>> -> memref<632x128xf32, #tpu.memory_space<hbm>>
      %dma_wait3A_232 = arith.constant 0 : i32
      %dma_wait3A_233 = tpu.memref_slice %arg8[%mul3A_221, %dma_wait3A_232] : memref<10112x128xf32, #tpu.memory_space<vmem_shared>> -> memref<632x128xf32, #tpu.memory_space<vmem_shared>>
      tpu.wait_dma2 semaphore(%run_scoped3A : memref<!tpu.dma_semaphore, #tpu.memory_space<semaphore_mem>>) src(%dma_wait3A_233 : memref<632x128xf32, #tpu.memory_space<vmem_shared>>) dst(%dma_wait3A_231 : memref<632x128xf32, #tpu.memory_space<hbm>>)
      tpu.yield
    }) : () -> ()
    return
  }
}

#map = affine_map<(d0, d1) -> (0, 0)>
#map1 = affine_map<(d0, d1) -> (0, 0, 0, 0)>
#map2 = affine_map<(d0, d1) -> (0, 0, 0)>
module attributes {stable_mosaic.version = 14 : i64} {
  func.func @body(%arg0: i32, %arg1: i32, %arg2: memref<10000x128xf32, #tpu.memory_space<hbm>>, %arg3: memref<32x80x2x128xi32, #tpu.memory_space<hbm>>, %arg4: memref<10112x128xf32, #tpu.memory_space<hbm>>, %arg5: memref<2x10112x128xf32, #tpu.memory_space<hbm>>, %arg6: memref<3x2x128xi32, #tpu.memory_space<vmem>>, %arg7: memref<2x128x128xf32, #tpu.memory_space<vmem>>, %arg8: memref<10112x128xf32, #tpu.memory_space<vmem_shared>>, %arg9: memref<!tpu.dma_semaphore, #tpu.memory_space<semaphore_mem>>, %arg10: memref<!tpu.dma_semaphore, #tpu.memory_space<semaphore_mem>>, %arg11: memref<!tpu.dma_semaphore, #tpu.memory_space<semaphore_mem>>) attributes {dimension_semantics = [#tpu.dimension_semantics<core_parallel>, #tpu.dimension_semantics<subcore_parallel>], iteration_bounds = array<i64: 2, 16>, scalar_prefetch = 0 : i64, scratch_operands = 6 : i64, tpu.core_type = #tpu.core_type<sc_vector_subcore>, window_params = [{transform_indices = #map}, {transform_indices = #map1}, {transform_indices = #map}, {transform_indices = #map2}]} {
    %mul3A = arith.constant 16 : i32
    %mul3A_0 = arith.muli %arg0, %mul3A : i32
    %add3A = arith.addi %mul3A_0, %arg1 : i32
    %mul3A_1 = arith.constant 632 : i32
    %mul3A_2 = arith.muli %arg1, %mul3A_1 : i32
    %mul3A_3 = arith.constant 632 : i32
    %mul3A_4 = arith.muli %arg1, %mul3A_3 : i32
    "tpu.region"() ({
      %run_scoped3A = tpu.sem_alloc : memref<!tpu.dma_semaphore, #tpu.memory_space<semaphore_mem>>
      %dma_start3A_224 = arith.constant 0 : i32
      %dma_start3A_225 = tpu.memref_slice %arg8[%mul3A_4, %dma_start3A_224] : memref<10112x128xf32, #tpu.memory_space<vmem_shared>> -> memref<632x128xf32, #tpu.memory_space<vmem_shared>>
      %dma_start3A_226 = arith.constant 0 : i32
      %dma_start3A_227 = tpu.memref_slice %arg4[%mul3A_2, %dma_start3A_226] : memref<10112x128xf32, #tpu.memory_space<hbm>> -> memref<632x128xf32, #tpu.memory_space<hbm>>
      tpu.enqueue_dma source(%dma_start3A_227 : memref<632x128xf32, #tpu.memory_space<hbm>>) target(%dma_start3A_225 : memref<632x128xf32, #tpu.memory_space<vmem_shared>>) target_semaphore(%run_scoped3A : memref<!tpu.dma_semaphore, #tpu.memory_space<semaphore_mem>>)
      %dma_wait3A_228 = arith.constant 0 : i32
      %dma_wait3A_229 = tpu.memref_slice %arg8[%mul3A_4, %dma_wait3A_228] : memref<10112x128xf32, #tpu.memory_space<vmem_shared>> -> memref<632x128xf32, #tpu.memory_space<vmem_shared>>
      %dma_wait3A_230 = arith.constant 0 : i32
      %dma_wait3A_231 = tpu.memref_slice %arg4[%mul3A_2, %dma_wait3A_230] : memref<10112x128xf32, #tpu.memory_space<hbm>> -> memref<632x128xf32, #tpu.memory_space<hbm>>
      tpu.wait_dma2 semaphore(%run_scoped3A : memref<!tpu.dma_semaphore, #tpu.memory_space<semaphore_mem>>) src(%dma_wait3A_231 : memref<632x128xf32, #tpu.memory_space<hbm>>) dst(%dma_wait3A_229 : memref<632x128xf32, #tpu.memory_space<vmem_shared>>)
      tpu.yield
    }) : () -> ()
    %barrier3A = arith.constant 0 : index
    tpu.barrier barrier_id(%barrier3A)
    %dma_start3A = arith.constant 0 : i32
    %dma_start3A_5 = arith.constant 0 : i32
    %dma_start3A_6 = arith.constant 0 : i32
    %dma_start3A_7 = arith.constant 0 : i32
    %dma_start3A_8 = tpu.memref_slice %arg6[%dma_start3A_5, %dma_start3A_6, %dma_start3A_7] : memref<3x2x128xi32, #tpu.memory_space<vmem>> -> memref<1x2x128xi32, #tpu.memory_space<vmem>>
    %dma_start3A_9 = tpu.memref_squeeze %dma_start3A_8 : memref<1x2x128xi32, #tpu.memory_space<vmem>> -> memref<2x128xi32, #tpu.memory_space<vmem>>
    %dma_start3A_10 = arith.constant 0 : i32
    %dma_start3A_11 = arith.constant 0 : i32
    %dma_start3A_12 = tpu.memref_slice %arg3[%add3A, %dma_start3A, %dma_start3A_10, %dma_start3A_11] : memref<32x80x2x128xi32, #tpu.memory_space<hbm>> -> memref<1x1x2x128xi32, #tpu.memory_space<hbm>>
    %dma_start3A_13 = tpu.memref_squeeze %dma_start3A_12 : memref<1x1x2x128xi32, #tpu.memory_space<hbm>> -> memref<2x128xi32, #tpu.memory_space<hbm>>
    %dma_start3A_14 = arith.constant 0 : i32
    %dma_start3A_15 = arith.constant 0 : i32
    %dma_start3A_16 = tpu.memref_slice %arg6[%dma_start3A_5, %dma_start3A_14, %dma_start3A_15] : memref<3x2x128xi32, #tpu.memory_space<vmem>> -> memref<1x2x128xi32, #tpu.memory_space<vmem>>
    %dma_start3A_17 = tpu.memref_squeeze %dma_start3A_16 : memref<1x2x128xi32, #tpu.memory_space<vmem>> -> memref<2x128xi32, #tpu.memory_space<vmem>>
    %dma_start3A_18 = arith.constant 0 : i32
    %dma_start3A_19 = arith.constant 0 : i32
    %dma_start3A_20 = tpu.memref_slice %arg3[%add3A, %dma_start3A, %dma_start3A_18, %dma_start3A_19] : memref<32x80x2x128xi32, #tpu.memory_space<hbm>> -> memref<1x1x2x128xi32, #tpu.memory_space<hbm>>
    %dma_start3A_21 = tpu.memref_squeeze %dma_start3A_20 : memref<1x1x2x128xi32, #tpu.memory_space<hbm>> -> memref<2x128xi32, #tpu.memory_space<hbm>>
    tpu.enqueue_dma source(%dma_start3A_21 : memref<2x128xi32, #tpu.memory_space<hbm>>) target(%dma_start3A_17 : memref<2x128xi32, #tpu.memory_space<vmem>>) target_semaphore(%arg10 : memref<!tpu.dma_semaphore, #tpu.memory_space<semaphore_mem>>)
    %dma_wait3A = arith.constant 0 : i32
    %dma_wait3A_22 = arith.constant 0 : i32
    %dma_wait3A_23 = arith.constant 0 : i32
    %dma_wait3A_24 = arith.constant 0 : i32
    %dma_wait3A_25 = tpu.memref_slice %arg6[%dma_wait3A_22, %dma_wait3A_23, %dma_wait3A_24] : memref<3x2x128xi32, #tpu.memory_space<vmem>> -> memref<1x2x128xi32, #tpu.memory_space<vmem>>
    %dma_wait3A_26 = tpu.memref_squeeze %dma_wait3A_25 : memref<1x2x128xi32, #tpu.memory_space<vmem>> -> memref<2x128xi32, #tpu.memory_space<vmem>>
    %dma_wait3A_27 = arith.constant 0 : i32
    %dma_wait3A_28 = arith.constant 0 : i32
    %dma_wait3A_29 = tpu.memref_slice %arg3[%add3A, %dma_wait3A, %dma_wait3A_27, %dma_wait3A_28] : memref<32x80x2x128xi32, #tpu.memory_space<hbm>> -> memref<1x1x2x128xi32, #tpu.memory_space<hbm>>
    %dma_wait3A_30 = tpu.memref_squeeze %dma_wait3A_29 : memref<1x1x2x128xi32, #tpu.memory_space<hbm>> -> memref<2x128xi32, #tpu.memory_space<hbm>>
    %dma_wait3A_31 = arith.constant 0 : i32
    %dma_wait3A_32 = arith.constant 0 : i32
    %dma_wait3A_33 = tpu.memref_slice %arg6[%dma_wait3A_22, %dma_wait3A_31, %dma_wait3A_32] : memref<3x2x128xi32, #tpu.memory_space<vmem>> -> memref<1x2x128xi32, #tpu.memory_space<vmem>>
    %dma_wait3A_34 = tpu.memref_squeeze %dma_wait3A_33 : memref<1x2x128xi32, #tpu.memory_space<vmem>> -> memref<2x128xi32, #tpu.memory_space<vmem>>
    %dma_wait3A_35 = arith.constant 0 : i32
    %dma_wait3A_36 = arith.constant 0 : i32
    %dma_wait3A_37 = tpu.memref_slice %arg3[%add3A, %dma_wait3A, %dma_wait3A_35, %dma_wait3A_36] : memref<32x80x2x128xi32, #tpu.memory_space<hbm>> -> memref<1x1x2x128xi32, #tpu.memory_space<hbm>>
    %dma_wait3A_38 = tpu.memref_squeeze %dma_wait3A_37 : memref<1x1x2x128xi32, #tpu.memory_space<hbm>> -> memref<2x128xi32, #tpu.memory_space<hbm>>
    tpu.wait_dma2 semaphore(%arg10 : memref<!tpu.dma_semaphore, #tpu.memory_space<semaphore_mem>>) src(%dma_wait3A_38 : memref<2x128xi32, #tpu.memory_space<hbm>>) dst(%dma_wait3A_34 : memref<2x128xi32, #tpu.memory_space<vmem>>)
    %dma_start3A_39 = arith.constant 0 : i32
    %dma_start3A_40 = arith.constant 0 : i32
    %dma_start3A_41 = arith.constant 0 : i32
    %dma_start3A_42 = arith.constant 0 : i32
    %dma_start3A_43 = arith.constant 0 : i32
    %dma_start3A_44 = tpu.memref_slice %arg7[%dma_start3A_41, %dma_start3A_42, %dma_start3A_43] : memref<2x128x128xf32, #tpu.memory_space<vmem>> -> memref<1x128x128xf32, #tpu.memory_space<vmem>>
    %dma_start3A_45 = tpu.memref_squeeze %dma_start3A_44 : memref<1x128x128xf32, #tpu.memory_space<vmem>> -> memref<128x128xf32, #tpu.memory_space<vmem>>
    %dma_start3A_46 = arith.constant 0 : i32
    %dma_start3A_47 = tpu.memref_slice %arg6[%dma_start3A_39, %dma_start3A_40, %dma_start3A_46] : memref<3x2x128xi32, #tpu.memory_space<vmem>> -> memref<1x1x128xi32, #tpu.memory_space<vmem>>
    %dma_start3A_48 = tpu.memref_squeeze %dma_start3A_47 : memref<1x1x128xi32, #tpu.memory_space<vmem>> -> memref<128xi32, #tpu.memory_space<vmem>>
    %dma_start3A_49 = arith.constant 0 : i32
    %dma_start3A_50 = arith.constant 0 : i32
    %dma_start3A_51 = tpu.memref_slice %arg2[%dma_start3A_49, %dma_start3A_50] : memref<10000x128xf32, #tpu.memory_space<hbm>> -> memref<10000x128xf32, #tpu.memory_space<hbm>>
    tpu.enqueue_indirect_dma source(%dma_start3A_51 : memref<10000x128xf32, #tpu.memory_space<hbm>>) target(%dma_start3A_45 : memref<128x128xf32, #tpu.memory_space<vmem>>) offsets(%dma_start3A_48 : memref<128xi32, #tpu.memory_space<vmem>>) semaphore(%arg9 : memref<!tpu.dma_semaphore, #tpu.memory_space<semaphore_mem>>)
    %dma_start3A_52 = arith.constant 1 : i32
    %dma_start3A_53 = arith.constant 1 : i32
    %dma_start3A_54 = arith.constant 0 : i32
    %dma_start3A_55 = arith.constant 0 : i32
    %dma_start3A_56 = tpu.memref_slice %arg6[%dma_start3A_53, %dma_start3A_54, %dma_start3A_55] : memref<3x2x128xi32, #tpu.memory_space<vmem>> -> memref<1x2x128xi32, #tpu.memory_space<vmem>>
    %dma_start3A_57 = tpu.memref_squeeze %dma_start3A_56 : memref<1x2x128xi32, #tpu.memory_space<vmem>> -> memref<2x128xi32, #tpu.memory_space<vmem>>
    %dma_start3A_58 = arith.constant 0 : i32
    %dma_start3A_59 = arith.constant 0 : i32
    %dma_start3A_60 = tpu.memref_slice %arg3[%add3A, %dma_start3A_52, %dma_start3A_58, %dma_start3A_59] : memref<32x80x2x128xi32, #tpu.memory_space<hbm>> -> memref<1x1x2x128xi32, #tpu.memory_space<hbm>>
    %dma_start3A_61 = tpu.memref_squeeze %dma_start3A_60 : memref<1x1x2x128xi32, #tpu.memory_space<hbm>> -> memref<2x128xi32, #tpu.memory_space<hbm>>
    %dma_start3A_62 = arith.constant 0 : i32
    %dma_start3A_63 = arith.constant 0 : i32
    %dma_start3A_64 = tpu.memref_slice %arg6[%dma_start3A_53, %dma_start3A_62, %dma_start3A_63] : memref<3x2x128xi32, #tpu.memory_space<vmem>> -> memref<1x2x128xi32, #tpu.memory_space<vmem>>
    %dma_start3A_65 = tpu.memref_squeeze %dma_start3A_64 : memref<1x2x128xi32, #tpu.memory_space<vmem>> -> memref<2x128xi32, #tpu.memory_space<vmem>>
    %dma_start3A_66 = arith.constant 0 : i32
    %dma_start3A_67 = arith.constant 0 : i32
    %dma_start3A_68 = tpu.memref_slice %arg3[%add3A, %dma_start3A_52, %dma_start3A_66, %dma_start3A_67] : memref<32x80x2x128xi32, #tpu.memory_space<hbm>> -> memref<1x1x2x128xi32, #tpu.memory_space<hbm>>
    %dma_start3A_69 = tpu.memref_squeeze %dma_start3A_68 : memref<1x1x2x128xi32, #tpu.memory_space<hbm>> -> memref<2x128xi32, #tpu.memory_space<hbm>>
    tpu.enqueue_dma source(%dma_start3A_69 : memref<2x128xi32, #tpu.memory_space<hbm>>) target(%dma_start3A_65 : memref<2x128xi32, #tpu.memory_space<vmem>>) target_semaphore(%arg10 : memref<!tpu.dma_semaphore, #tpu.memory_space<semaphore_mem>>)
    %dma_wait3A_70 = arith.constant 1 : i32
    %dma_wait3A_71 = arith.constant 1 : i32
    %dma_wait3A_72 = arith.constant 0 : i32
    %dma_wait3A_73 = arith.constant 0 : i32
    %dma_wait3A_74 = tpu.memref_slice %arg6[%dma_wait3A_71, %dma_wait3A_72, %dma_wait3A_73] : memref<3x2x128xi32, #tpu.memory_space<vmem>> -> memref<1x2x128xi32, #tpu.memory_space<vmem>>
    %dma_wait3A_75 = tpu.memref_squeeze %dma_wait3A_74 : memref<1x2x128xi32, #tpu.memory_space<vmem>> -> memref<2x128xi32, #tpu.memory_space<vmem>>
    %dma_wait3A_76 = arith.constant 0 : i32
    %dma_wait3A_77 = arith.constant 0 : i32
    %dma_wait3A_78 = tpu.memref_slice %arg3[%add3A, %dma_wait3A_70, %dma_wait3A_76, %dma_wait3A_77] : memref<32x80x2x128xi32, #tpu.memory_space<hbm>> -> memref<1x1x2x128xi32, #tpu.memory_space<hbm>>
    %dma_wait3A_79 = tpu.memref_squeeze %dma_wait3A_78 : memref<1x1x2x128xi32, #tpu.memory_space<hbm>> -> memref<2x128xi32, #tpu.memory_space<hbm>>
    %dma_wait3A_80 = arith.constant 0 : i32
    %dma_wait3A_81 = arith.constant 0 : i32
    %dma_wait3A_82 = tpu.memref_slice %arg6[%dma_wait3A_71, %dma_wait3A_80, %dma_wait3A_81] : memref<3x2x128xi32, #tpu.memory_space<vmem>> -> memref<1x2x128xi32, #tpu.memory_space<vmem>>
    %dma_wait3A_83 = tpu.memref_squeeze %dma_wait3A_82 : memref<1x2x128xi32, #tpu.memory_space<vmem>> -> memref<2x128xi32, #tpu.memory_space<vmem>>
    %dma_wait3A_84 = arith.constant 0 : i32
    %dma_wait3A_85 = arith.constant 0 : i32
    %dma_wait3A_86 = tpu.memref_slice %arg3[%add3A, %dma_wait3A_70, %dma_wait3A_84, %dma_wait3A_85] : memref<32x80x2x128xi32, #tpu.memory_space<hbm>> -> memref<1x1x2x128xi32, #tpu.memory_space<hbm>>
    %dma_wait3A_87 = tpu.memref_squeeze %dma_wait3A_86 : memref<1x1x2x128xi32, #tpu.memory_space<hbm>> -> memref<2x128xi32, #tpu.memory_space<hbm>>
    tpu.wait_dma2 semaphore(%arg10 : memref<!tpu.dma_semaphore, #tpu.memory_space<semaphore_mem>>) src(%dma_wait3A_87 : memref<2x128xi32, #tpu.memory_space<hbm>>) dst(%dma_wait3A_83 : memref<2x128xi32, #tpu.memory_space<vmem>>)
    %dma_start3A_88 = arith.constant 1 : i32
    %dma_start3A_89 = arith.constant 0 : i32
    %dma_start3A_90 = arith.constant 1 : i32
    %dma_start3A_91 = arith.constant 0 : i32
    %dma_start3A_92 = arith.constant 0 : i32
    %dma_start3A_93 = tpu.memref_slice %arg7[%dma_start3A_90, %dma_start3A_91, %dma_start3A_92] : memref<2x128x128xf32, #tpu.memory_space<vmem>> -> memref<1x128x128xf32, #tpu.memory_space<vmem>>
    %dma_start3A_94 = tpu.memref_squeeze %dma_start3A_93 : memref<1x128x128xf32, #tpu.memory_space<vmem>> -> memref<128x128xf32, #tpu.memory_space<vmem>>
    %dma_start3A_95 = arith.constant 0 : i32
    %dma_start3A_96 = tpu.memref_slice %arg6[%dma_start3A_88, %dma_start3A_89, %dma_start3A_95] : memref<3x2x128xi32, #tpu.memory_space<vmem>> -> memref<1x1x128xi32, #tpu.memory_space<vmem>>
    %dma_start3A_97 = tpu.memref_squeeze %dma_start3A_96 : memref<1x1x128xi32, #tpu.memory_space<vmem>> -> memref<128xi32, #tpu.memory_space<vmem>>
    %dma_start3A_98 = arith.constant 0 : i32
    %dma_start3A_99 = arith.constant 0 : i32
    %dma_start3A_100 = tpu.memref_slice %arg2[%dma_start3A_98, %dma_start3A_99] : memref<10000x128xf32, #tpu.memory_space<hbm>> -> memref<10000x128xf32, #tpu.memory_space<hbm>>
    tpu.enqueue_indirect_dma source(%dma_start3A_100 : memref<10000x128xf32, #tpu.memory_space<hbm>>) target(%dma_start3A_94 : memref<128x128xf32, #tpu.memory_space<vmem>>) offsets(%dma_start3A_97 : memref<128xi32, #tpu.memory_space<vmem>>) semaphore(%arg9 : memref<!tpu.dma_semaphore, #tpu.memory_space<semaphore_mem>>)
    %dma_wait3A_101 = arith.constant 0 : i32
    %dma_wait3A_102 = arith.constant 0 : i32
    %dma_wait3A_103 = arith.constant 0 : i32
    %dma_wait3A_104 = arith.constant 0 : i32
    %dma_wait3A_105 = arith.constant 0 : i32
    %dma_wait3A_106 = tpu.memref_slice %arg7[%dma_wait3A_103, %dma_wait3A_104, %dma_wait3A_105] : memref<2x128x128xf32, #tpu.memory_space<vmem>> -> memref<1x128x128xf32, #tpu.memory_space<vmem>>
    %dma_wait3A_107 = tpu.memref_squeeze %dma_wait3A_106 : memref<1x128x128xf32, #tpu.memory_space<vmem>> -> memref<128x128xf32, #tpu.memory_space<vmem>>
    %dma_wait3A_108 = arith.constant 0 : i32
    %dma_wait3A_109 = tpu.memref_slice %arg6[%dma_wait3A_101, %dma_wait3A_102, %dma_wait3A_108] : memref<3x2x128xi32, #tpu.memory_space<vmem>> -> memref<1x1x128xi32, #tpu.memory_space<vmem>>
    %dma_wait3A_110 = tpu.memref_squeeze %dma_wait3A_109 : memref<1x1x128xi32, #tpu.memory_space<vmem>> -> memref<128xi32, #tpu.memory_space<vmem>>
    %dma_wait3A_111 = arith.constant 0 : i32
    %dma_wait3A_112 = arith.constant 0 : i32
    %dma_wait3A_113 = tpu.memref_slice %arg2[%dma_wait3A_111, %dma_wait3A_112] : memref<10000x128xf32, #tpu.memory_space<hbm>> -> memref<10000x128xf32, #tpu.memory_space<hbm>>
    tpu.wait_indirect_dma semaphore(%arg9 : memref<!tpu.dma_semaphore, #tpu.memory_space<semaphore_mem>>) src(%dma_wait3A_113 : memref<10000x128xf32, #tpu.memory_space<hbm>>) dst(%dma_wait3A_107 : memref<128x128xf32, #tpu.memory_space<vmem>>)
    %dma_start3A_114 = arith.constant 0 : i32
    %dma_start3A_115 = arith.constant 0 : i32
    %dma_start3A_116 = arith.constant 1 : i32
    %dma_start3A_117 = arith.constant 0 : i32
    %dma_start3A_118 = arith.constant 0 : i32
    %dma_start3A_119 = tpu.memref_slice %arg7[%dma_start3A_114, %dma_start3A_117, %dma_start3A_118] : memref<2x128x128xf32, #tpu.memory_space<vmem>> -> memref<1x128x128xf32, #tpu.memory_space<vmem>>
    %dma_start3A_120 = tpu.memref_squeeze %dma_start3A_119 : memref<1x128x128xf32, #tpu.memory_space<vmem>> -> memref<128x128xf32, #tpu.memory_space<vmem>>
    %dma_start3A_121 = arith.constant 0 : i32
    %dma_start3A_122 = tpu.memref_slice %arg6[%dma_start3A_115, %dma_start3A_116, %dma_start3A_121] : memref<3x2x128xi32, #tpu.memory_space<vmem>> -> memref<1x1x128xi32, #tpu.memory_space<vmem>>
    %dma_start3A_123 = tpu.memref_squeeze %dma_start3A_122 : memref<1x1x128xi32, #tpu.memory_space<vmem>> -> memref<128xi32, #tpu.memory_space<vmem>>
    %dma_start3A_124 = arith.constant 0 : i32
    %dma_start3A_125 = arith.constant 0 : i32
    %dma_start3A_126 = tpu.memref_slice %arg8[%dma_start3A_124, %dma_start3A_125] : memref<10112x128xf32, #tpu.memory_space<vmem_shared>> -> memref<10112x128xf32, #tpu.memory_space<vmem_shared>>
    tpu.enqueue_indirect_dma source(%dma_start3A_120 : memref<128x128xf32, #tpu.memory_space<vmem>>) target(%dma_start3A_126 : memref<10112x128xf32, #tpu.memory_space<vmem_shared>>) offsets(%dma_start3A_123 : memref<128xi32, #tpu.memory_space<vmem>>) semaphore(%arg11 : memref<!tpu.dma_semaphore, #tpu.memory_space<semaphore_mem>>) {add = true}
    %dma_start3A_127 = arith.constant 2 : i32
    %dma_start3A_128 = arith.constant 2 : i32
    %dma_start3A_129 = arith.constant 0 : i32
    %dma_start3A_130 = arith.constant 0 : i32
    %dma_start3A_131 = tpu.memref_slice %arg6[%dma_start3A_128, %dma_start3A_129, %dma_start3A_130] : memref<3x2x128xi32, #tpu.memory_space<vmem>> -> memref<1x2x128xi32, #tpu.memory_space<vmem>>
    %dma_start3A_132 = tpu.memref_squeeze %dma_start3A_131 : memref<1x2x128xi32, #tpu.memory_space<vmem>> -> memref<2x128xi32, #tpu.memory_space<vmem>>
    %dma_start3A_133 = arith.constant 0 : i32
    %dma_start3A_134 = arith.constant 0 : i32
    %dma_start3A_135 = tpu.memref_slice %arg3[%add3A, %dma_start3A_127, %dma_start3A_133, %dma_start3A_134] : memref<32x80x2x128xi32, #tpu.memory_space<hbm>> -> memref<1x1x2x128xi32, #tpu.memory_space<hbm>>
    %dma_start3A_136 = tpu.memref_squeeze %dma_start3A_135 : memref<1x1x2x128xi32, #tpu.memory_space<hbm>> -> memref<2x128xi32, #tpu.memory_space<hbm>>
    %dma_start3A_137 = arith.constant 0 : i32
    %dma_start3A_138 = arith.constant 0 : i32
    %dma_start3A_139 = tpu.memref_slice %arg6[%dma_start3A_128, %dma_start3A_137, %dma_start3A_138] : memref<3x2x128xi32, #tpu.memory_space<vmem>> -> memref<1x2x128xi32, #tpu.memory_space<vmem>>
    %dma_start3A_140 = tpu.memref_squeeze %dma_start3A_139 : memref<1x2x128xi32, #tpu.memory_space<vmem>> -> memref<2x128xi32, #tpu.memory_space<vmem>>
    %dma_start3A_141 = arith.constant 0 : i32
    %dma_start3A_142 = arith.constant 0 : i32
    %dma_start3A_143 = tpu.memref_slice %arg3[%add3A, %dma_start3A_127, %dma_start3A_141, %dma_start3A_142] : memref<32x80x2x128xi32, #tpu.memory_space<hbm>> -> memref<1x1x2x128xi32, #tpu.memory_space<hbm>>
    %dma_start3A_144 = tpu.memref_squeeze %dma_start3A_143 : memref<1x1x2x128xi32, #tpu.memory_space<hbm>> -> memref<2x128xi32, #tpu.memory_space<hbm>>
    tpu.enqueue_dma source(%dma_start3A_144 : memref<2x128xi32, #tpu.memory_space<hbm>>) target(%dma_start3A_140 : memref<2x128xi32, #tpu.memory_space<vmem>>) target_semaphore(%arg10 : memref<!tpu.dma_semaphore, #tpu.memory_space<semaphore_mem>>)
    %scan3A = arith.constant 0 : i32
    %scan3A_145 = arith.constant 77 : i32
    %scan3A_146 = arith.addi %scan3A, %scan3A_145 : i32
    %scan3A_147 = arith.constant 1 : i32
    scf.for %scan3A_224 = %scan3A to %scan3A_146 step %scan3A_147  : i32 {
      %mul3A_225 = arith.constant 1 : i32
      %mul3A_226 = arith.muli %scan3A_224, %mul3A_225 : i32
      %add3A_227 = arith.constant 1 : i32
      %add3A_228 = arith.addi %add3A_227, %mul3A_226 : i32
      %rem3A = arith.constant 2 : i32
      %rem3A_229 = arith.remsi %add3A_228, %rem3A : i32
      %sub3A = arith.constant 1 : i32
      %sub3A_230 = arith.subi %sub3A, %rem3A_229 : i32
      %rem3A_231 = arith.constant 3 : i32
      %rem3A_232 = arith.remsi %add3A_228, %rem3A_231 : i32
      %add3A_233 = arith.constant 1 : i32
      %add3A_234 = arith.addi %add3A_228, %add3A_233 : i32
      %rem3A_235 = arith.constant 3 : i32
      %rem3A_236 = arith.remsi %add3A_234, %rem3A_235 : i32
      %add3A_237 = arith.constant 2 : i32
      %add3A_238 = arith.addi %add3A_228, %add3A_237 : i32
      %rem3A_239 = arith.constant 3 : i32
      %rem3A_240 = arith.remsi %add3A_238, %rem3A_239 : i32
      %add3A_241 = arith.constant 1 : i32
      %add3A_242 = arith.addi %add3A_228, %add3A_241 : i32
      %dma_wait3A_243 = arith.constant 0 : i32
      %dma_wait3A_244 = arith.constant 0 : i32
      %dma_wait3A_245 = tpu.memref_slice %arg6[%rem3A_236, %dma_wait3A_243, %dma_wait3A_244] : memref<3x2x128xi32, #tpu.memory_space<vmem>> -> memref<1x2x128xi32, #tpu.memory_space<vmem>>
      %dma_wait3A_246 = tpu.memref_squeeze %dma_wait3A_245 : memref<1x2x128xi32, #tpu.memory_space<vmem>> -> memref<2x128xi32, #tpu.memory_space<vmem>>
      %dma_wait3A_247 = arith.constant 0 : i32
      %dma_wait3A_248 = arith.constant 0 : i32
      %dma_wait3A_249 = tpu.memref_slice %arg3[%add3A, %add3A_242, %dma_wait3A_247, %dma_wait3A_248] : memref<32x80x2x128xi32, #tpu.memory_space<hbm>> -> memref<1x1x2x128xi32, #tpu.memory_space<hbm>>
      %dma_wait3A_250 = tpu.memref_squeeze %dma_wait3A_249 : memref<1x1x2x128xi32, #tpu.memory_space<hbm>> -> memref<2x128xi32, #tpu.memory_space<hbm>>
      %dma_wait3A_251 = arith.constant 0 : i32
      %dma_wait3A_252 = arith.constant 0 : i32
      %dma_wait3A_253 = tpu.memref_slice %arg6[%rem3A_236, %dma_wait3A_251, %dma_wait3A_252] : memref<3x2x128xi32, #tpu.memory_space<vmem>> -> memref<1x2x128xi32, #tpu.memory_space<vmem>>
      %dma_wait3A_254 = tpu.memref_squeeze %dma_wait3A_253 : memref<1x2x128xi32, #tpu.memory_space<vmem>> -> memref<2x128xi32, #tpu.memory_space<vmem>>
      %dma_wait3A_255 = arith.constant 0 : i32
      %dma_wait3A_256 = arith.constant 0 : i32
      %dma_wait3A_257 = tpu.memref_slice %arg3[%add3A, %add3A_242, %dma_wait3A_255, %dma_wait3A_256] : memref<32x80x2x128xi32, #tpu.memory_space<hbm>> -> memref<1x1x2x128xi32, #tpu.memory_space<hbm>>
      %dma_wait3A_258 = tpu.memref_squeeze %dma_wait3A_257 : memref<1x1x2x128xi32, #tpu.memory_space<hbm>> -> memref<2x128xi32, #tpu.memory_space<hbm>>
      tpu.wait_dma2 semaphore(%arg10 : memref<!tpu.dma_semaphore, #tpu.memory_space<semaphore_mem>>) src(%dma_wait3A_258 : memref<2x128xi32, #tpu.memory_space<hbm>>) dst(%dma_wait3A_254 : memref<2x128xi32, #tpu.memory_space<vmem>>)
      %dma_wait3A_259 = arith.constant 0 : i32
      %dma_wait3A_260 = arith.constant 1 : i32
      %dma_wait3A_261 = arith.constant 0 : i32
      %dma_wait3A_262 = arith.constant 0 : i32
      %dma_wait3A_263 = tpu.memref_slice %arg7[%sub3A_230, %dma_wait3A_261, %dma_wait3A_262] : memref<2x128x128xf32, #tpu.memory_space<vmem>> -> memref<1x128x128xf32, #tpu.memory_space<vmem>>
      %dma_wait3A_264 = tpu.memref_squeeze %dma_wait3A_263 : memref<1x128x128xf32, #tpu.memory_space<vmem>> -> memref<128x128xf32, #tpu.memory_space<vmem>>
      %dma_wait3A_265 = arith.constant 0 : i32
      %dma_wait3A_266 = tpu.memref_slice %arg6[%dma_wait3A_259, %dma_wait3A_260, %dma_wait3A_265] : memref<3x2x128xi32, #tpu.memory_space<vmem>> -> memref<1x1x128xi32, #tpu.memory_space<vmem>>
      %dma_wait3A_267 = tpu.memref_squeeze %dma_wait3A_266 : memref<1x1x128xi32, #tpu.memory_space<vmem>> -> memref<128xi32, #tpu.memory_space<vmem>>
      %dma_wait3A_268 = arith.constant 0 : i32
      %dma_wait3A_269 = arith.constant 0 : i32
      %dma_wait3A_270 = tpu.memref_slice %arg8[%dma_wait3A_268, %dma_wait3A_269] : memref<10112x128xf32, #tpu.memory_space<vmem_shared>> -> memref<10112x128xf32, #tpu.memory_space<vmem_shared>>
      tpu.wait_indirect_dma semaphore(%arg11 : memref<!tpu.dma_semaphore, #tpu.memory_space<semaphore_mem>>) src(%dma_wait3A_264 : memref<128x128xf32, #tpu.memory_space<vmem>>) dst(%dma_wait3A_270 : memref<10112x128xf32, #tpu.memory_space<vmem_shared>>)
      %dma_start3A_271 = arith.constant 0 : i32
      %dma_start3A_272 = arith.constant 0 : i32
      %dma_start3A_273 = arith.constant 0 : i32
      %dma_start3A_274 = tpu.memref_slice %arg7[%sub3A_230, %dma_start3A_272, %dma_start3A_273] : memref<2x128x128xf32, #tpu.memory_space<vmem>> -> memref<1x128x128xf32, #tpu.memory_space<vmem>>
      %dma_start3A_275 = tpu.memref_squeeze %dma_start3A_274 : memref<1x128x128xf32, #tpu.memory_space<vmem>> -> memref<128x128xf32, #tpu.memory_space<vmem>>
      %dma_start3A_276 = arith.constant 0 : i32
      %dma_start3A_277 = tpu.memref_slice %arg6[%rem3A_236, %dma_start3A_271, %dma_start3A_276] : memref<3x2x128xi32, #tpu.memory_space<vmem>> -> memref<1x1x128xi32, #tpu.memory_space<vmem>>
      %dma_start3A_278 = tpu.memref_squeeze %dma_start3A_277 : memref<1x1x128xi32, #tpu.memory_space<vmem>> -> memref<128xi32, #tpu.memory_space<vmem>>
      %dma_start3A_279 = arith.constant 0 : i32
      %dma_start3A_280 = arith.constant 0 : i32
      %dma_start3A_281 = tpu.memref_slice %arg2[%dma_start3A_279, %dma_start3A_280] : memref<10000x128xf32, #tpu.memory_space<hbm>> -> memref<10000x128xf32, #tpu.memory_space<hbm>>
      tpu.enqueue_indirect_dma source(%dma_start3A_281 : memref<10000x128xf32, #tpu.memory_space<hbm>>) target(%dma_start3A_275 : memref<128x128xf32, #tpu.memory_space<vmem>>) offsets(%dma_start3A_278 : memref<128xi32, #tpu.memory_space<vmem>>) semaphore(%arg9 : memref<!tpu.dma_semaphore, #tpu.memory_space<semaphore_mem>>)
      %dma_wait3A_282 = arith.constant 0 : i32
      %dma_wait3A_283 = arith.constant 0 : i32
      %dma_wait3A_284 = arith.constant 0 : i32
      %dma_wait3A_285 = arith.constant 0 : i32
      %dma_wait3A_286 = tpu.memref_slice %arg7[%rem3A_229, %dma_wait3A_284, %dma_wait3A_285] : memref<2x128x128xf32, #tpu.memory_space<vmem>> -> memref<1x128x128xf32, #tpu.memory_space<vmem>>
      %dma_wait3A_287 = tpu.memref_squeeze %dma_wait3A_286 : memref<1x128x128xf32, #tpu.memory_space<vmem>> -> memref<128x128xf32, #tpu.memory_space<vmem>>
      %dma_wait3A_288 = arith.constant 0 : i32
      %dma_wait3A_289 = tpu.memref_slice %arg6[%dma_wait3A_282, %dma_wait3A_283, %dma_wait3A_288] : memref<3x2x128xi32, #tpu.memory_space<vmem>> -> memref<1x1x128xi32, #tpu.memory_space<vmem>>
      %dma_wait3A_290 = tpu.memref_squeeze %dma_wait3A_289 : memref<1x1x128xi32, #tpu.memory_space<vmem>> -> memref<128xi32, #tpu.memory_space<vmem>>
      %dma_wait3A_291 = arith.constant 0 : i32
      %dma_wait3A_292 = arith.constant 0 : i32
      %dma_wait3A_293 = tpu.memref_slice %arg2[%dma_wait3A_291, %dma_wait3A_292] : memref<10000x128xf32, #tpu.memory_space<hbm>> -> memref<10000x128xf32, #tpu.memory_space<hbm>>
      tpu.wait_indirect_dma semaphore(%arg9 : memref<!tpu.dma_semaphore, #tpu.memory_space<semaphore_mem>>) src(%dma_wait3A_293 : memref<10000x128xf32, #tpu.memory_space<hbm>>) dst(%dma_wait3A_287 : memref<128x128xf32, #tpu.memory_space<vmem>>)
      %dma_start3A_294 = arith.constant 1 : i32
      %dma_start3A_295 = arith.constant 0 : i32
      %dma_start3A_296 = arith.constant 0 : i32
      %dma_start3A_297 = tpu.memref_slice %arg7[%rem3A_229, %dma_start3A_295, %dma_start3A_296] : memref<2x128x128xf32, #tpu.memory_space<vmem>> -> memref<1x128x128xf32, #tpu.memory_space<vmem>>
      %dma_start3A_298 = tpu.memref_squeeze %dma_start3A_297 : memref<1x128x128xf32, #tpu.memory_space<vmem>> -> memref<128x128xf32, #tpu.memory_space<vmem>>
      %dma_start3A_299 = arith.constant 0 : i32
      %dma_start3A_300 = tpu.memref_slice %arg6[%rem3A_232, %dma_start3A_294, %dma_start3A_299] : memref<3x2x128xi32, #tpu.memory_space<vmem>> -> memref<1x1x128xi32, #tpu.memory_space<vmem>>
      %dma_start3A_301 = tpu.memref_squeeze %dma_start3A_300 : memref<1x1x128xi32, #tpu.memory_space<vmem>> -> memref<128xi32, #tpu.memory_space<vmem>>
      %dma_start3A_302 = arith.constant 0 : i32
      %dma_start3A_303 = arith.constant 0 : i32
      %dma_start3A_304 = tpu.memref_slice %arg8[%dma_start3A_302, %dma_start3A_303] : memref<10112x128xf32, #tpu.memory_space<vmem_shared>> -> memref<10112x128xf32, #tpu.memory_space<vmem_shared>>
      tpu.enqueue_indirect_dma source(%dma_start3A_298 : memref<128x128xf32, #tpu.memory_space<vmem>>) target(%dma_start3A_304 : memref<10112x128xf32, #tpu.memory_space<vmem_shared>>) offsets(%dma_start3A_301 : memref<128xi32, #tpu.memory_space<vmem>>) semaphore(%arg11 : memref<!tpu.dma_semaphore, #tpu.memory_space<semaphore_mem>>) {add = true}
      %add3A_305 = arith.constant 2 : i32
      %add3A_306 = arith.addi %add3A_228, %add3A_305 : i32
      %dma_start3A_307 = arith.constant 0 : i32
      %dma_start3A_308 = arith.constant 0 : i32
      %dma_start3A_309 = tpu.memref_slice %arg6[%rem3A_240, %dma_start3A_307, %dma_start3A_308] : memref<3x2x128xi32, #tpu.memory_space<vmem>> -> memref<1x2x128xi32, #tpu.memory_space<vmem>>
      %dma_start3A_310 = tpu.memref_squeeze %dma_start3A_309 : memref<1x2x128xi32, #tpu.memory_space<vmem>> -> memref<2x128xi32, #tpu.memory_space<vmem>>
      %dma_start3A_311 = arith.constant 0 : i32
      %dma_start3A_312 = arith.constant 0 : i32
      %dma_start3A_313 = tpu.memref_slice %arg3[%add3A, %add3A_306, %dma_start3A_311, %dma_start3A_312] : memref<32x80x2x128xi32, #tpu.memory_space<hbm>> -> memref<1x1x2x128xi32, #tpu.memory_space<hbm>>
      %dma_start3A_314 = tpu.memref_squeeze %dma_start3A_313 : memref<1x1x2x128xi32, #tpu.memory_space<hbm>> -> memref<2x128xi32, #tpu.memory_space<hbm>>
      %dma_start3A_315 = arith.constant 0 : i32
      %dma_start3A_316 = arith.constant 0 : i32
      %dma_start3A_317 = tpu.memref_slice %arg6[%rem3A_240, %dma_start3A_315, %dma_start3A_316] : memref<3x2x128xi32, #tpu.memory_space<vmem>> -> memref<1x2x128xi32, #tpu.memory_space<vmem>>
      %dma_start3A_318 = tpu.memref_squeeze %dma_start3A_317 : memref<1x2x128xi32, #tpu.memory_space<vmem>> -> memref<2x128xi32, #tpu.memory_space<vmem>>
      %dma_start3A_319 = arith.constant 0 : i32
      %dma_start3A_320 = arith.constant 0 : i32
      %dma_start3A_321 = tpu.memref_slice %arg3[%add3A, %add3A_306, %dma_start3A_319, %dma_start3A_320] : memref<32x80x2x128xi32, #tpu.memory_space<hbm>> -> memref<1x1x2x128xi32, #tpu.memory_space<hbm>>
      %dma_start3A_322 = tpu.memref_squeeze %dma_start3A_321 : memref<1x1x2x128xi32, #tpu.memory_space<hbm>> -> memref<2x128xi32, #tpu.memory_space<hbm>>
      tpu.enqueue_dma source(%dma_start3A_322 : memref<2x128xi32, #tpu.memory_space<hbm>>) target(%dma_start3A_318 : memref<2x128xi32, #tpu.memory_space<vmem>>) target_semaphore(%arg10 : memref<!tpu.dma_semaphore, #tpu.memory_space<semaphore_mem>>)
    }
    %scan3A_148 = arith.constant 77 : i32
    %dma_wait3A_149 = arith.constant 1 : i32
    %dma_wait3A_150 = arith.constant 0 : i32
    %dma_wait3A_151 = arith.constant 1 : i32
    %dma_wait3A_152 = arith.constant 0 : i32
    %dma_wait3A_153 = arith.constant 0 : i32
    %dma_wait3A_154 = tpu.memref_slice %arg7[%dma_wait3A_149, %dma_wait3A_152, %dma_wait3A_153] : memref<2x128x128xf32, #tpu.memory_space<vmem>> -> memref<1x128x128xf32, #tpu.memory_space<vmem>>
    %dma_wait3A_155 = tpu.memref_squeeze %dma_wait3A_154 : memref<1x128x128xf32, #tpu.memory_space<vmem>> -> memref<128x128xf32, #tpu.memory_space<vmem>>
    %dma_wait3A_156 = arith.constant 0 : i32
    %dma_wait3A_157 = tpu.memref_slice %arg6[%dma_wait3A_150, %dma_wait3A_151, %dma_wait3A_156] : memref<3x2x128xi32, #tpu.memory_space<vmem>> -> memref<1x1x128xi32, #tpu.memory_space<vmem>>
    %dma_wait3A_158 = tpu.memref_squeeze %dma_wait3A_157 : memref<1x1x128xi32, #tpu.memory_space<vmem>> -> memref<128xi32, #tpu.memory_space<vmem>>
    %dma_wait3A_159 = arith.constant 0 : i32
    %dma_wait3A_160 = arith.constant 0 : i32
    %dma_wait3A_161 = tpu.memref_slice %arg8[%dma_wait3A_159, %dma_wait3A_160] : memref<10112x128xf32, #tpu.memory_space<vmem_shared>> -> memref<10112x128xf32, #tpu.memory_space<vmem_shared>>
    tpu.wait_indirect_dma semaphore(%arg11 : memref<!tpu.dma_semaphore, #tpu.memory_space<semaphore_mem>>) src(%dma_wait3A_155 : memref<128x128xf32, #tpu.memory_space<vmem>>) dst(%dma_wait3A_161 : memref<10112x128xf32, #tpu.memory_space<vmem_shared>>)
    %dma_wait3A_162 = arith.constant 0 : i32
    %dma_wait3A_163 = arith.constant 0 : i32
    %dma_wait3A_164 = arith.constant 0 : i32
    %dma_wait3A_165 = arith.constant 0 : i32
    %dma_wait3A_166 = arith.constant 0 : i32
    %dma_wait3A_167 = tpu.memref_slice %arg7[%dma_wait3A_164, %dma_wait3A_165, %dma_wait3A_166] : memref<2x128x128xf32, #tpu.memory_space<vmem>> -> memref<1x128x128xf32, #tpu.memory_space<vmem>>
    %dma_wait3A_168 = tpu.memref_squeeze %dma_wait3A_167 : memref<1x128x128xf32, #tpu.memory_space<vmem>> -> memref<128x128xf32, #tpu.memory_space<vmem>>
    %dma_wait3A_169 = arith.constant 0 : i32
    %dma_wait3A_170 = tpu.memref_slice %arg6[%dma_wait3A_162, %dma_wait3A_163, %dma_wait3A_169] : memref<3x2x128xi32, #tpu.memory_space<vmem>> -> memref<1x1x128xi32, #tpu.memory_space<vmem>>
    %dma_wait3A_171 = tpu.memref_squeeze %dma_wait3A_170 : memref<1x1x128xi32, #tpu.memory_space<vmem>> -> memref<128xi32, #tpu.memory_space<vmem>>
    %dma_wait3A_172 = arith.constant 0 : i32
    %dma_wait3A_173 = arith.constant 0 : i32
    %dma_wait3A_174 = tpu.memref_slice %arg2[%dma_wait3A_172, %dma_wait3A_173] : memref<10000x128xf32, #tpu.memory_space<hbm>> -> memref<10000x128xf32, #tpu.memory_space<hbm>>
    tpu.wait_indirect_dma semaphore(%arg9 : memref<!tpu.dma_semaphore, #tpu.memory_space<semaphore_mem>>) src(%dma_wait3A_174 : memref<10000x128xf32, #tpu.memory_space<hbm>>) dst(%dma_wait3A_168 : memref<128x128xf32, #tpu.memory_space<vmem>>)
    %dma_start3A_175 = arith.constant 0 : i32
    %dma_start3A_176 = arith.constant 0 : i32
    %dma_start3A_177 = arith.constant 1 : i32
    %dma_start3A_178 = arith.constant 0 : i32
    %dma_start3A_179 = arith.constant 0 : i32
    %dma_start3A_180 = tpu.memref_slice %arg7[%dma_start3A_175, %dma_start3A_178, %dma_start3A_179] : memref<2x128x128xf32, #tpu.memory_space<vmem>> -> memref<1x128x128xf32, #tpu.memory_space<vmem>>
    %dma_start3A_181 = tpu.memref_squeeze %dma_start3A_180 : memref<1x128x128xf32, #tpu.memory_space<vmem>> -> memref<128x128xf32, #tpu.memory_space<vmem>>
    %dma_start3A_182 = arith.constant 0 : i32
    %dma_start3A_183 = tpu.memref_slice %arg6[%dma_start3A_176, %dma_start3A_177, %dma_start3A_182] : memref<3x2x128xi32, #tpu.memory_space<vmem>> -> memref<1x1x128xi32, #tpu.memory_space<vmem>>
    %dma_start3A_184 = tpu.memref_squeeze %dma_start3A_183 : memref<1x1x128xi32, #tpu.memory_space<vmem>> -> memref<128xi32, #tpu.memory_space<vmem>>
    %dma_start3A_185 = arith.constant 0 : i32
    %dma_start3A_186 = arith.constant 0 : i32
    %dma_start3A_187 = tpu.memref_slice %arg8[%dma_start3A_185, %dma_start3A_186] : memref<10112x128xf32, #tpu.memory_space<vmem_shared>> -> memref<10112x128xf32, #tpu.memory_space<vmem_shared>>
    tpu.enqueue_indirect_dma source(%dma_start3A_181 : memref<128x128xf32, #tpu.memory_space<vmem>>) target(%dma_start3A_187 : memref<10112x128xf32, #tpu.memory_space<vmem_shared>>) offsets(%dma_start3A_184 : memref<128xi32, #tpu.memory_space<vmem>>) semaphore(%arg11 : memref<!tpu.dma_semaphore, #tpu.memory_space<semaphore_mem>>) {add = true}
    %dma_wait3A_188 = arith.constant 0 : i32
    %dma_wait3A_189 = arith.constant 0 : i32
    %dma_wait3A_190 = arith.constant 1 : i32
    %dma_wait3A_191 = arith.constant 0 : i32
    %dma_wait3A_192 = arith.constant 0 : i32
    %dma_wait3A_193 = tpu.memref_slice %arg7[%dma_wait3A_188, %dma_wait3A_191, %dma_wait3A_192] : memref<2x128x128xf32, #tpu.memory_space<vmem>> -> memref<1x128x128xf32, #tpu.memory_space<vmem>>
    %dma_wait3A_194 = tpu.memref_squeeze %dma_wait3A_193 : memref<1x128x128xf32, #tpu.memory_space<vmem>> -> memref<128x128xf32, #tpu.memory_space<vmem>>
    %dma_wait3A_195 = arith.constant 0 : i32
    %dma_wait3A_196 = tpu.memref_slice %arg6[%dma_wait3A_189, %dma_wait3A_190, %dma_wait3A_195] : memref<3x2x128xi32, #tpu.memory_space<vmem>> -> memref<1x1x128xi32, #tpu.memory_space<vmem>>
    %dma_wait3A_197 = tpu.memref_squeeze %dma_wait3A_196 : memref<1x1x128xi32, #tpu.memory_space<vmem>> -> memref<128xi32, #tpu.memory_space<vmem>>
    %dma_wait3A_198 = arith.constant 0 : i32
    %dma_wait3A_199 = arith.constant 0 : i32
    %dma_wait3A_200 = tpu.memref_slice %arg8[%dma_wait3A_198, %dma_wait3A_199] : memref<10112x128xf32, #tpu.memory_space<vmem_shared>> -> memref<10112x128xf32, #tpu.memory_space<vmem_shared>>
    tpu.wait_indirect_dma semaphore(%arg11 : memref<!tpu.dma_semaphore, #tpu.memory_space<semaphore_mem>>) src(%dma_wait3A_194 : memref<128x128xf32, #tpu.memory_space<vmem>>) dst(%dma_wait3A_200 : memref<10112x128xf32, #tpu.memory_space<vmem_shared>>)
    %dma_wait3A_201 = arith.constant 79 : i32
    %dma_wait3A_202 = arith.constant 1 : i32
    %dma_wait3A_203 = arith.constant 0 : i32
    %dma_wait3A_204 = arith.constant 0 : i32
    %dma_wait3A_205 = tpu.memref_slice %arg6[%dma_wait3A_202, %dma_wait3A_203, %dma_wait3A_204] : memref<3x2x128xi32, #tpu.memory_space<vmem>> -> memref<1x2x128xi32, #tpu.memory_space<vmem>>
    %dma_wait3A_206 = tpu.memref_squeeze %dma_wait3A_205 : memref<1x2x128xi32, #tpu.memory_space<vmem>> -> memref<2x128xi32, #tpu.memory_space<vmem>>
    %dma_wait3A_207 = arith.constant 0 : i32
    %dma_wait3A_208 = arith.constant 0 : i32
    %dma_wait3A_209 = tpu.memref_slice %arg3[%add3A, %dma_wait3A_201, %dma_wait3A_207, %dma_wait3A_208] : memref<32x80x2x128xi32, #tpu.memory_space<hbm>> -> memref<1x1x2x128xi32, #tpu.memory_space<hbm>>
    %dma_wait3A_210 = tpu.memref_squeeze %dma_wait3A_209 : memref<1x1x2x128xi32, #tpu.memory_space<hbm>> -> memref<2x128xi32, #tpu.memory_space<hbm>>
    %dma_wait3A_211 = arith.constant 0 : i32
    %dma_wait3A_212 = arith.constant 0 : i32
    %dma_wait3A_213 = tpu.memref_slice %arg6[%dma_wait3A_202, %dma_wait3A_211, %dma_wait3A_212] : memref<3x2x128xi32, #tpu.memory_space<vmem>> -> memref<1x2x128xi32, #tpu.memory_space<vmem>>
    %dma_wait3A_214 = tpu.memref_squeeze %dma_wait3A_213 : memref<1x2x128xi32, #tpu.memory_space<vmem>> -> memref<2x128xi32, #tpu.memory_space<vmem>>
    %dma_wait3A_215 = arith.constant 0 : i32
    %dma_wait3A_216 = arith.constant 0 : i32
    %dma_wait3A_217 = tpu.memref_slice %arg3[%add3A, %dma_wait3A_201, %dma_wait3A_215, %dma_wait3A_216] : memref<32x80x2x128xi32, #tpu.memory_space<hbm>> -> memref<1x1x2x128xi32, #tpu.memory_space<hbm>>
    %dma_wait3A_218 = tpu.memref_squeeze %dma_wait3A_217 : memref<1x1x2x128xi32, #tpu.memory_space<hbm>> -> memref<2x128xi32, #tpu.memory_space<hbm>>
    tpu.wait_dma2 semaphore(%arg10 : memref<!tpu.dma_semaphore, #tpu.memory_space<semaphore_mem>>) src(%dma_wait3A_218 : memref<2x128xi32, #tpu.memory_space<hbm>>) dst(%dma_wait3A_214 : memref<2x128xi32, #tpu.memory_space<vmem>>)
    %barrier3A_219 = arith.constant 0 : index
    tpu.barrier barrier_id(%barrier3A_219)
    %mul3A_220 = arith.constant 632 : i32
    %mul3A_221 = arith.muli %arg1, %mul3A_220 : i32
    %mul3A_222 = arith.constant 632 : i32
    %mul3A_223 = arith.muli %arg1, %mul3A_222 : i32
    "tpu.region"() ({
      %run_scoped3A = tpu.sem_alloc : memref<!tpu.dma_semaphore, #tpu.memory_space<semaphore_mem>>
      %dma_start3A_224 = arith.constant 0 : i32
      %dma_start3A_225 = tpu.memref_slice %arg5[%arg0, %mul3A_223, %dma_start3A_224] : memref<2x10112x128xf32, #tpu.memory_space<hbm>> -> memref<1x632x128xf32, #tpu.memory_space<hbm>>
      %dma_start3A_226 = tpu.memref_squeeze %dma_start3A_225 : memref<1x632x128xf32, #tpu.memory_space<hbm>> -> memref<632x128xf32, #tpu.memory_space<hbm>>
      %dma_start3A_227 = arith.constant 0 : i32
      %dma_start3A_228 = tpu.memref_slice %arg8[%mul3A_221, %dma_start3A_227] : memref<10112x128xf32, #tpu.memory_space<vmem_shared>> -> memref<632x128xf32, #tpu.memory_space<vmem_shared>>
      tpu.enqueue_dma source(%dma_start3A_228 : memref<632x128xf32, #tpu.memory_space<vmem_shared>>) target(%dma_start3A_226 : memref<632x128xf32, #tpu.memory_space<hbm>>) target_semaphore(%run_scoped3A : memref<!tpu.dma_semaphore, #tpu.memory_space<semaphore_mem>>)
      %dma_wait3A_229 = arith.constant 0 : i32
      %dma_wait3A_230 = tpu.memref_slice %arg5[%arg0, %mul3A_223, %dma_wait3A_229] : memref<2x10112x128xf32, #tpu.memory_space<hbm>> -> memref<1x632x128xf32, #tpu.memory_space<hbm>>
      %dma_wait3A_231 = tpu.memref_squeeze %dma_wait3A_230 : memref<1x632x128xf32, #tpu.memory_space<hbm>> -> memref<632x128xf32, #tpu.memory_space<hbm>>
      %dma_wait3A_232 = arith.constant 0 : i32
      %dma_wait3A_233 = tpu.memref_slice %arg8[%mul3A_221, %dma_wait3A_232] : memref<10112x128xf32, #tpu.memory_space<vmem_shared>> -> memref<632x128xf32, #tpu.memory_space<vmem_shared>>
      tpu.wait_dma2 semaphore(%run_scoped3A : memref<!tpu.dma_semaphore, #tpu.memory_space<semaphore_mem>>) src(%dma_wait3A_233 : memref<632x128xf32, #tpu.memory_space<vmem_shared>>) dst(%dma_wait3A_231 : memref<632x128xf32, #tpu.memory_space<hbm>>)
      tpu.yield
    }) : () -> ()
    return
  }
}

#map = affine_map<(d0, d1) -> (0, 0)>
#map1 = affine_map<(d0, d1) -> (0, 0, 0, 0)>
#map2 = affine_map<(d0, d1) -> (0, 0, 0)>
module attributes {stable_mosaic.version = 14 : i64} {
  func.func @body(%arg0: i32, %arg1: i32, %arg2: memref<10000x128xf32, #tpu.memory_space<hbm>>, %arg3: memref<32x80x2x128xi32, #tpu.memory_space<hbm>>, %arg4: memref<10112x128xf32, #tpu.memory_space<hbm>>, %arg5: memref<2x10112x128xf32, #tpu.memory_space<hbm>>, %arg6: memref<3x2x128xi32, #tpu.memory_space<vmem>>, %arg7: memref<2x128x128xf32, #tpu.memory_space<vmem>>, %arg8: memref<10112x128xf32, #tpu.memory_space<vmem_shared>>, %arg9: memref<!tpu.dma_semaphore, #tpu.memory_space<semaphore_mem>>, %arg10: memref<!tpu.dma_semaphore, #tpu.memory_space<semaphore_mem>>, %arg11: memref<!tpu.dma_semaphore, #tpu.memory_space<semaphore_mem>>) attributes {dimension_semantics = [#tpu.dimension_semantics<core_parallel>, #tpu.dimension_semantics<subcore_parallel>], iteration_bounds = array<i64: 2, 16>, scalar_prefetch = 0 : i64, scratch_operands = 6 : i64, tpu.core_type = #tpu.core_type<sc_vector_subcore>, window_params = [{transform_indices = #map}, {transform_indices = #map1}, {transform_indices = #map}, {transform_indices = #map2}]} {
    %mul3A = arith.constant 16 : i32
    %mul3A_0 = arith.muli %arg0, %mul3A : i32
    %add3A = arith.addi %mul3A_0, %arg1 : i32
    %mul3A_1 = arith.constant 632 : i32
    %mul3A_2 = arith.muli %arg1, %mul3A_1 : i32
    %mul3A_3 = arith.constant 632 : i32
    %mul3A_4 = arith.muli %arg1, %mul3A_3 : i32
    "tpu.region"() ({
      %run_scoped3A = tpu.sem_alloc : memref<!tpu.dma_semaphore, #tpu.memory_space<semaphore_mem>>
      %dma_start3A_224 = arith.constant 0 : i32
      %dma_start3A_225 = tpu.memref_slice %arg8[%mul3A_4, %dma_start3A_224] : memref<10112x128xf32, #tpu.memory_space<vmem_shared>> -> memref<632x128xf32, #tpu.memory_space<vmem_shared>>
      %dma_start3A_226 = arith.constant 0 : i32
      %dma_start3A_227 = tpu.memref_slice %arg4[%mul3A_2, %dma_start3A_226] : memref<10112x128xf32, #tpu.memory_space<hbm>> -> memref<632x128xf32, #tpu.memory_space<hbm>>
      tpu.enqueue_dma source(%dma_start3A_227 : memref<632x128xf32, #tpu.memory_space<hbm>>) target(%dma_start3A_225 : memref<632x128xf32, #tpu.memory_space<vmem_shared>>) target_semaphore(%run_scoped3A : memref<!tpu.dma_semaphore, #tpu.memory_space<semaphore_mem>>)
      %dma_wait3A_228 = arith.constant 0 : i32
      %dma_wait3A_229 = tpu.memref_slice %arg8[%mul3A_4, %dma_wait3A_228] : memref<10112x128xf32, #tpu.memory_space<vmem_shared>> -> memref<632x128xf32, #tpu.memory_space<vmem_shared>>
      %dma_wait3A_230 = arith.constant 0 : i32
      %dma_wait3A_231 = tpu.memref_slice %arg4[%mul3A_2, %dma_wait3A_230] : memref<10112x128xf32, #tpu.memory_space<hbm>> -> memref<632x128xf32, #tpu.memory_space<hbm>>
      tpu.wait_dma2 semaphore(%run_scoped3A : memref<!tpu.dma_semaphore, #tpu.memory_space<semaphore_mem>>) src(%dma_wait3A_231 : memref<632x128xf32, #tpu.memory_space<hbm>>) dst(%dma_wait3A_229 : memref<632x128xf32, #tpu.memory_space<vmem_shared>>)
      tpu.yield
    }) : () -> ()
    %barrier3A = arith.constant 0 : index
    tpu.barrier barrier_id(%barrier3A)
    %dma_start3A = arith.constant 0 : i32
    %dma_start3A_5 = arith.constant 0 : i32
    %dma_start3A_6 = arith.constant 0 : i32
    %dma_start3A_7 = arith.constant 0 : i32
    %dma_start3A_8 = tpu.memref_slice %arg6[%dma_start3A_5, %dma_start3A_6, %dma_start3A_7] : memref<3x2x128xi32, #tpu.memory_space<vmem>> -> memref<1x2x128xi32, #tpu.memory_space<vmem>>
    %dma_start3A_9 = tpu.memref_squeeze %dma_start3A_8 : memref<1x2x128xi32, #tpu.memory_space<vmem>> -> memref<2x128xi32, #tpu.memory_space<vmem>>
    %dma_start3A_10 = arith.constant 0 : i32
    %dma_start3A_11 = arith.constant 0 : i32
    %dma_start3A_12 = tpu.memref_slice %arg3[%add3A, %dma_start3A, %dma_start3A_10, %dma_start3A_11] : memref<32x80x2x128xi32, #tpu.memory_space<hbm>> -> memref<1x1x2x128xi32, #tpu.memory_space<hbm>>
    %dma_start3A_13 = tpu.memref_squeeze %dma_start3A_12 : memref<1x1x2x128xi32, #tpu.memory_space<hbm>> -> memref<2x128xi32, #tpu.memory_space<hbm>>
    %dma_start3A_14 = arith.constant 0 : i32
    %dma_start3A_15 = arith.constant 0 : i32
    %dma_start3A_16 = tpu.memref_slice %arg6[%dma_start3A_5, %dma_start3A_14, %dma_start3A_15] : memref<3x2x128xi32, #tpu.memory_space<vmem>> -> memref<1x2x128xi32, #tpu.memory_space<vmem>>
    %dma_start3A_17 = tpu.memref_squeeze %dma_start3A_16 : memref<1x2x128xi32, #tpu.memory_space<vmem>> -> memref<2x128xi32, #tpu.memory_space<vmem>>
    %dma_start3A_18 = arith.constant 0 : i32
    %dma_start3A_19 = arith.constant 0 : i32
    %dma_start3A_20 = tpu.memref_slice %arg3[%add3A, %dma_start3A, %dma_start3A_18, %dma_start3A_19] : memref<32x80x2x128xi32, #tpu.memory_space<hbm>> -> memref<1x1x2x128xi32, #tpu.memory_space<hbm>>
    %dma_start3A_21 = tpu.memref_squeeze %dma_start3A_20 : memref<1x1x2x128xi32, #tpu.memory_space<hbm>> -> memref<2x128xi32, #tpu.memory_space<hbm>>
    tpu.enqueue_dma source(%dma_start3A_21 : memref<2x128xi32, #tpu.memory_space<hbm>>) target(%dma_start3A_17 : memref<2x128xi32, #tpu.memory_space<vmem>>) target_semaphore(%arg10 : memref<!tpu.dma_semaphore, #tpu.memory_space<semaphore_mem>>)
    %dma_wait3A = arith.constant 0 : i32
    %dma_wait3A_22 = arith.constant 0 : i32
    %dma_wait3A_23 = arith.constant 0 : i32
    %dma_wait3A_24 = arith.constant 0 : i32
    %dma_wait3A_25 = tpu.memref_slice %arg6[%dma_wait3A_22, %dma_wait3A_23, %dma_wait3A_24] : memref<3x2x128xi32, #tpu.memory_space<vmem>> -> memref<1x2x128xi32, #tpu.memory_space<vmem>>
    %dma_wait3A_26 = tpu.memref_squeeze %dma_wait3A_25 : memref<1x2x128xi32, #tpu.memory_space<vmem>> -> memref<2x128xi32, #tpu.memory_space<vmem>>
    %dma_wait3A_27 = arith.constant 0 : i32
    %dma_wait3A_28 = arith.constant 0 : i32
    %dma_wait3A_29 = tpu.memref_slice %arg3[%add3A, %dma_wait3A, %dma_wait3A_27, %dma_wait3A_28] : memref<32x80x2x128xi32, #tpu.memory_space<hbm>> -> memref<1x1x2x128xi32, #tpu.memory_space<hbm>>
    %dma_wait3A_30 = tpu.memref_squeeze %dma_wait3A_29 : memref<1x1x2x128xi32, #tpu.memory_space<hbm>> -> memref<2x128xi32, #tpu.memory_space<hbm>>
    %dma_wait3A_31 = arith.constant 0 : i32
    %dma_wait3A_32 = arith.constant 0 : i32
    %dma_wait3A_33 = tpu.memref_slice %arg6[%dma_wait3A_22, %dma_wait3A_31, %dma_wait3A_32] : memref<3x2x128xi32, #tpu.memory_space<vmem>> -> memref<1x2x128xi32, #tpu.memory_space<vmem>>
    %dma_wait3A_34 = tpu.memref_squeeze %dma_wait3A_33 : memref<1x2x128xi32, #tpu.memory_space<vmem>> -> memref<2x128xi32, #tpu.memory_space<vmem>>
    %dma_wait3A_35 = arith.constant 0 : i32
    %dma_wait3A_36 = arith.constant 0 : i32
    %dma_wait3A_37 = tpu.memref_slice %arg3[%add3A, %dma_wait3A, %dma_wait3A_35, %dma_wait3A_36] : memref<32x80x2x128xi32, #tpu.memory_space<hbm>> -> memref<1x1x2x128xi32, #tpu.memory_space<hbm>>
    %dma_wait3A_38 = tpu.memref_squeeze %dma_wait3A_37 : memref<1x1x2x128xi32, #tpu.memory_space<hbm>> -> memref<2x128xi32, #tpu.memory_space<hbm>>
    tpu.wait_dma2 semaphore(%arg10 : memref<!tpu.dma_semaphore, #tpu.memory_space<semaphore_mem>>) src(%dma_wait3A_38 : memref<2x128xi32, #tpu.memory_space<hbm>>) dst(%dma_wait3A_34 : memref<2x128xi32, #tpu.memory_space<vmem>>)
    %dma_start3A_39 = arith.constant 0 : i32
    %dma_start3A_40 = arith.constant 0 : i32
    %dma_start3A_41 = arith.constant 0 : i32
    %dma_start3A_42 = arith.constant 0 : i32
    %dma_start3A_43 = arith.constant 0 : i32
    %dma_start3A_44 = tpu.memref_slice %arg7[%dma_start3A_41, %dma_start3A_42, %dma_start3A_43] : memref<2x128x128xf32, #tpu.memory_space<vmem>> -> memref<1x128x128xf32, #tpu.memory_space<vmem>>
    %dma_start3A_45 = tpu.memref_squeeze %dma_start3A_44 : memref<1x128x128xf32, #tpu.memory_space<vmem>> -> memref<128x128xf32, #tpu.memory_space<vmem>>
    %dma_start3A_46 = arith.constant 0 : i32
    %dma_start3A_47 = tpu.memref_slice %arg6[%dma_start3A_39, %dma_start3A_40, %dma_start3A_46] : memref<3x2x128xi32, #tpu.memory_space<vmem>> -> memref<1x1x128xi32, #tpu.memory_space<vmem>>
    %dma_start3A_48 = tpu.memref_squeeze %dma_start3A_47 : memref<1x1x128xi32, #tpu.memory_space<vmem>> -> memref<128xi32, #tpu.memory_space<vmem>>
    %dma_start3A_49 = arith.constant 0 : i32
    %dma_start3A_50 = arith.constant 0 : i32
    %dma_start3A_51 = tpu.memref_slice %arg2[%dma_start3A_49, %dma_start3A_50] : memref<10000x128xf32, #tpu.memory_space<hbm>> -> memref<10000x128xf32, #tpu.memory_space<hbm>>
    tpu.enqueue_indirect_dma source(%dma_start3A_51 : memref<10000x128xf32, #tpu.memory_space<hbm>>) target(%dma_start3A_45 : memref<128x128xf32, #tpu.memory_space<vmem>>) offsets(%dma_start3A_48 : memref<128xi32, #tpu.memory_space<vmem>>) semaphore(%arg9 : memref<!tpu.dma_semaphore, #tpu.memory_space<semaphore_mem>>)
    %dma_start3A_52 = arith.constant 1 : i32
    %dma_start3A_53 = arith.constant 1 : i32
    %dma_start3A_54 = arith.constant 0 : i32
    %dma_start3A_55 = arith.constant 0 : i32
    %dma_start3A_56 = tpu.memref_slice %arg6[%dma_start3A_53, %dma_start3A_54, %dma_start3A_55] : memref<3x2x128xi32, #tpu.memory_space<vmem>> -> memref<1x2x128xi32, #tpu.memory_space<vmem>>
    %dma_start3A_57 = tpu.memref_squeeze %dma_start3A_56 : memref<1x2x128xi32, #tpu.memory_space<vmem>> -> memref<2x128xi32, #tpu.memory_space<vmem>>
    %dma_start3A_58 = arith.constant 0 : i32
    %dma_start3A_59 = arith.constant 0 : i32
    %dma_start3A_60 = tpu.memref_slice %arg3[%add3A, %dma_start3A_52, %dma_start3A_58, %dma_start3A_59] : memref<32x80x2x128xi32, #tpu.memory_space<hbm>> -> memref<1x1x2x128xi32, #tpu.memory_space<hbm>>
    %dma_start3A_61 = tpu.memref_squeeze %dma_start3A_60 : memref<1x1x2x128xi32, #tpu.memory_space<hbm>> -> memref<2x128xi32, #tpu.memory_space<hbm>>
    %dma_start3A_62 = arith.constant 0 : i32
    %dma_start3A_63 = arith.constant 0 : i32
    %dma_start3A_64 = tpu.memref_slice %arg6[%dma_start3A_53, %dma_start3A_62, %dma_start3A_63] : memref<3x2x128xi32, #tpu.memory_space<vmem>> -> memref<1x2x128xi32, #tpu.memory_space<vmem>>
    %dma_start3A_65 = tpu.memref_squeeze %dma_start3A_64 : memref<1x2x128xi32, #tpu.memory_space<vmem>> -> memref<2x128xi32, #tpu.memory_space<vmem>>
    %dma_start3A_66 = arith.constant 0 : i32
    %dma_start3A_67 = arith.constant 0 : i32
    %dma_start3A_68 = tpu.memref_slice %arg3[%add3A, %dma_start3A_52, %dma_start3A_66, %dma_start3A_67] : memref<32x80x2x128xi32, #tpu.memory_space<hbm>> -> memref<1x1x2x128xi32, #tpu.memory_space<hbm>>
    %dma_start3A_69 = tpu.memref_squeeze %dma_start3A_68 : memref<1x1x2x128xi32, #tpu.memory_space<hbm>> -> memref<2x128xi32, #tpu.memory_space<hbm>>
    tpu.enqueue_dma source(%dma_start3A_69 : memref<2x128xi32, #tpu.memory_space<hbm>>) target(%dma_start3A_65 : memref<2x128xi32, #tpu.memory_space<vmem>>) target_semaphore(%arg10 : memref<!tpu.dma_semaphore, #tpu.memory_space<semaphore_mem>>)
    %dma_wait3A_70 = arith.constant 1 : i32
    %dma_wait3A_71 = arith.constant 1 : i32
    %dma_wait3A_72 = arith.constant 0 : i32
    %dma_wait3A_73 = arith.constant 0 : i32
    %dma_wait3A_74 = tpu.memref_slice %arg6[%dma_wait3A_71, %dma_wait3A_72, %dma_wait3A_73] : memref<3x2x128xi32, #tpu.memory_space<vmem>> -> memref<1x2x128xi32, #tpu.memory_space<vmem>>
    %dma_wait3A_75 = tpu.memref_squeeze %dma_wait3A_74 : memref<1x2x128xi32, #tpu.memory_space<vmem>> -> memref<2x128xi32, #tpu.memory_space<vmem>>
    %dma_wait3A_76 = arith.constant 0 : i32
    %dma_wait3A_77 = arith.constant 0 : i32
    %dma_wait3A_78 = tpu.memref_slice %arg3[%add3A, %dma_wait3A_70, %dma_wait3A_76, %dma_wait3A_77] : memref<32x80x2x128xi32, #tpu.memory_space<hbm>> -> memref<1x1x2x128xi32, #tpu.memory_space<hbm>>
    %dma_wait3A_79 = tpu.memref_squeeze %dma_wait3A_78 : memref<1x1x2x128xi32, #tpu.memory_space<hbm>> -> memref<2x128xi32, #tpu.memory_space<hbm>>
    %dma_wait3A_80 = arith.constant 0 : i32
    %dma_wait3A_81 = arith.constant 0 : i32
    %dma_wait3A_82 = tpu.memref_slice %arg6[%dma_wait3A_71, %dma_wait3A_80, %dma_wait3A_81] : memref<3x2x128xi32, #tpu.memory_space<vmem>> -> memref<1x2x128xi32, #tpu.memory_space<vmem>>
    %dma_wait3A_83 = tpu.memref_squeeze %dma_wait3A_82 : memref<1x2x128xi32, #tpu.memory_space<vmem>> -> memref<2x128xi32, #tpu.memory_space<vmem>>
    %dma_wait3A_84 = arith.constant 0 : i32
    %dma_wait3A_85 = arith.constant 0 : i32
    %dma_wait3A_86 = tpu.memref_slice %arg3[%add3A, %dma_wait3A_70, %dma_wait3A_84, %dma_wait3A_85] : memref<32x80x2x128xi32, #tpu.memory_space<hbm>> -> memref<1x1x2x128xi32, #tpu.memory_space<hbm>>
    %dma_wait3A_87 = tpu.memref_squeeze %dma_wait3A_86 : memref<1x1x2x128xi32, #tpu.memory_space<hbm>> -> memref<2x128xi32, #tpu.memory_space<hbm>>
    tpu.wait_dma2 semaphore(%arg10 : memref<!tpu.dma_semaphore, #tpu.memory_space<semaphore_mem>>) src(%dma_wait3A_87 : memref<2x128xi32, #tpu.memory_space<hbm>>) dst(%dma_wait3A_83 : memref<2x128xi32, #tpu.memory_space<vmem>>)
    %dma_start3A_88 = arith.constant 1 : i32
    %dma_start3A_89 = arith.constant 0 : i32
    %dma_start3A_90 = arith.constant 1 : i32
    %dma_start3A_91 = arith.constant 0 : i32
    %dma_start3A_92 = arith.constant 0 : i32
    %dma_start3A_93 = tpu.memref_slice %arg7[%dma_start3A_90, %dma_start3A_91, %dma_start3A_92] : memref<2x128x128xf32, #tpu.memory_space<vmem>> -> memref<1x128x128xf32, #tpu.memory_space<vmem>>
    %dma_start3A_94 = tpu.memref_squeeze %dma_start3A_93 : memref<1x128x128xf32, #tpu.memory_space<vmem>> -> memref<128x128xf32, #tpu.memory_space<vmem>>
    %dma_start3A_95 = arith.constant 0 : i32
    %dma_start3A_96 = tpu.memref_slice %arg6[%dma_start3A_88, %dma_start3A_89, %dma_start3A_95] : memref<3x2x128xi32, #tpu.memory_space<vmem>> -> memref<1x1x128xi32, #tpu.memory_space<vmem>>
    %dma_start3A_97 = tpu.memref_squeeze %dma_start3A_96 : memref<1x1x128xi32, #tpu.memory_space<vmem>> -> memref<128xi32, #tpu.memory_space<vmem>>
    %dma_start3A_98 = arith.constant 0 : i32
    %dma_start3A_99 = arith.constant 0 : i32
    %dma_start3A_100 = tpu.memref_slice %arg2[%dma_start3A_98, %dma_start3A_99] : memref<10000x128xf32, #tpu.memory_space<hbm>> -> memref<10000x128xf32, #tpu.memory_space<hbm>>
    tpu.enqueue_indirect_dma source(%dma_start3A_100 : memref<10000x128xf32, #tpu.memory_space<hbm>>) target(%dma_start3A_94 : memref<128x128xf32, #tpu.memory_space<vmem>>) offsets(%dma_start3A_97 : memref<128xi32, #tpu.memory_space<vmem>>) semaphore(%arg9 : memref<!tpu.dma_semaphore, #tpu.memory_space<semaphore_mem>>)
    %dma_wait3A_101 = arith.constant 0 : i32
    %dma_wait3A_102 = arith.constant 0 : i32
    %dma_wait3A_103 = arith.constant 0 : i32
    %dma_wait3A_104 = arith.constant 0 : i32
    %dma_wait3A_105 = arith.constant 0 : i32
    %dma_wait3A_106 = tpu.memref_slice %arg7[%dma_wait3A_103, %dma_wait3A_104, %dma_wait3A_105] : memref<2x128x128xf32, #tpu.memory_space<vmem>> -> memref<1x128x128xf32, #tpu.memory_space<vmem>>
    %dma_wait3A_107 = tpu.memref_squeeze %dma_wait3A_106 : memref<1x128x128xf32, #tpu.memory_space<vmem>> -> memref<128x128xf32, #tpu.memory_space<vmem>>
    %dma_wait3A_108 = arith.constant 0 : i32
    %dma_wait3A_109 = tpu.memref_slice %arg6[%dma_wait3A_101, %dma_wait3A_102, %dma_wait3A_108] : memref<3x2x128xi32, #tpu.memory_space<vmem>> -> memref<1x1x128xi32, #tpu.memory_space<vmem>>
    %dma_wait3A_110 = tpu.memref_squeeze %dma_wait3A_109 : memref<1x1x128xi32, #tpu.memory_space<vmem>> -> memref<128xi32, #tpu.memory_space<vmem>>
    %dma_wait3A_111 = arith.constant 0 : i32
    %dma_wait3A_112 = arith.constant 0 : i32
    %dma_wait3A_113 = tpu.memref_slice %arg2[%dma_wait3A_111, %dma_wait3A_112] : memref<10000x128xf32, #tpu.memory_space<hbm>> -> memref<10000x128xf32, #tpu.memory_space<hbm>>
    tpu.wait_indirect_dma semaphore(%arg9 : memref<!tpu.dma_semaphore, #tpu.memory_space<semaphore_mem>>) src(%dma_wait3A_113 : memref<10000x128xf32, #tpu.memory_space<hbm>>) dst(%dma_wait3A_107 : memref<128x128xf32, #tpu.memory_space<vmem>>)
    %dma_start3A_114 = arith.constant 0 : i32
    %dma_start3A_115 = arith.constant 0 : i32
    %dma_start3A_116 = arith.constant 1 : i32
    %dma_start3A_117 = arith.constant 0 : i32
    %dma_start3A_118 = arith.constant 0 : i32
    %dma_start3A_119 = tpu.memref_slice %arg7[%dma_start3A_114, %dma_start3A_117, %dma_start3A_118] : memref<2x128x128xf32, #tpu.memory_space<vmem>> -> memref<1x128x128xf32, #tpu.memory_space<vmem>>
    %dma_start3A_120 = tpu.memref_squeeze %dma_start3A_119 : memref<1x128x128xf32, #tpu.memory_space<vmem>> -> memref<128x128xf32, #tpu.memory_space<vmem>>
    %dma_start3A_121 = arith.constant 0 : i32
    %dma_start3A_122 = tpu.memref_slice %arg6[%dma_start3A_115, %dma_start3A_116, %dma_start3A_121] : memref<3x2x128xi32, #tpu.memory_space<vmem>> -> memref<1x1x128xi32, #tpu.memory_space<vmem>>
    %dma_start3A_123 = tpu.memref_squeeze %dma_start3A_122 : memref<1x1x128xi32, #tpu.memory_space<vmem>> -> memref<128xi32, #tpu.memory_space<vmem>>
    %dma_start3A_124 = arith.constant 0 : i32
    %dma_start3A_125 = arith.constant 0 : i32
    %dma_start3A_126 = tpu.memref_slice %arg8[%dma_start3A_124, %dma_start3A_125] : memref<10112x128xf32, #tpu.memory_space<vmem_shared>> -> memref<10112x128xf32, #tpu.memory_space<vmem_shared>>
    tpu.enqueue_indirect_dma source(%dma_start3A_120 : memref<128x128xf32, #tpu.memory_space<vmem>>) target(%dma_start3A_126 : memref<10112x128xf32, #tpu.memory_space<vmem_shared>>) offsets(%dma_start3A_123 : memref<128xi32, #tpu.memory_space<vmem>>) semaphore(%arg11 : memref<!tpu.dma_semaphore, #tpu.memory_space<semaphore_mem>>) {add = true}
    %dma_start3A_127 = arith.constant 2 : i32
    %dma_start3A_128 = arith.constant 2 : i32
    %dma_start3A_129 = arith.constant 0 : i32
    %dma_start3A_130 = arith.constant 0 : i32
    %dma_start3A_131 = tpu.memref_slice %arg6[%dma_start3A_128, %dma_start3A_129, %dma_start3A_130] : memref<3x2x128xi32, #tpu.memory_space<vmem>> -> memref<1x2x128xi32, #tpu.memory_space<vmem>>
    %dma_start3A_132 = tpu.memref_squeeze %dma_start3A_131 : memref<1x2x128xi32, #tpu.memory_space<vmem>> -> memref<2x128xi32, #tpu.memory_space<vmem>>
    %dma_start3A_133 = arith.constant 0 : i32
    %dma_start3A_134 = arith.constant 0 : i32
    %dma_start3A_135 = tpu.memref_slice %arg3[%add3A, %dma_start3A_127, %dma_start3A_133, %dma_start3A_134] : memref<32x80x2x128xi32, #tpu.memory_space<hbm>> -> memref<1x1x2x128xi32, #tpu.memory_space<hbm>>
    %dma_start3A_136 = tpu.memref_squeeze %dma_start3A_135 : memref<1x1x2x128xi32, #tpu.memory_space<hbm>> -> memref<2x128xi32, #tpu.memory_space<hbm>>
    %dma_start3A_137 = arith.constant 0 : i32
    %dma_start3A_138 = arith.constant 0 : i32
    %dma_start3A_139 = tpu.memref_slice %arg6[%dma_start3A_128, %dma_start3A_137, %dma_start3A_138] : memref<3x2x128xi32, #tpu.memory_space<vmem>> -> memref<1x2x128xi32, #tpu.memory_space<vmem>>
    %dma_start3A_140 = tpu.memref_squeeze %dma_start3A_139 : memref<1x2x128xi32, #tpu.memory_space<vmem>> -> memref<2x128xi32, #tpu.memory_space<vmem>>
    %dma_start3A_141 = arith.constant 0 : i32
    %dma_start3A_142 = arith.constant 0 : i32
    %dma_start3A_143 = tpu.memref_slice %arg3[%add3A, %dma_start3A_127, %dma_start3A_141, %dma_start3A_142] : memref<32x80x2x128xi32, #tpu.memory_space<hbm>> -> memref<1x1x2x128xi32, #tpu.memory_space<hbm>>
    %dma_start3A_144 = tpu.memref_squeeze %dma_start3A_143 : memref<1x1x2x128xi32, #tpu.memory_space<hbm>> -> memref<2x128xi32, #tpu.memory_space<hbm>>
    tpu.enqueue_dma source(%dma_start3A_144 : memref<2x128xi32, #tpu.memory_space<hbm>>) target(%dma_start3A_140 : memref<2x128xi32, #tpu.memory_space<vmem>>) target_semaphore(%arg10 : memref<!tpu.dma_semaphore, #tpu.memory_space<semaphore_mem>>)
    %scan3A = arith.constant 0 : i32
    %scan3A_145 = arith.constant 77 : i32
    %scan3A_146 = arith.addi %scan3A, %scan3A_145 : i32
    %scan3A_147 = arith.constant 1 : i32
    scf.for %scan3A_224 = %scan3A to %scan3A_146 step %scan3A_147  : i32 {
      %mul3A_225 = arith.constant 1 : i32
      %mul3A_226 = arith.muli %scan3A_224, %mul3A_225 : i32
      %add3A_227 = arith.constant 1 : i32
      %add3A_228 = arith.addi %add3A_227, %mul3A_226 : i32
      %rem3A = arith.constant 2 : i32
      %rem3A_229 = arith.remsi %add3A_228, %rem3A : i32
      %sub3A = arith.constant 1 : i32
      %sub3A_230 = arith.subi %sub3A, %rem3A_229 : i32
      %rem3A_231 = arith.constant 3 : i32
      %rem3A_232 = arith.remsi %add3A_228, %rem3A_231 : i32
      %add3A_233 = arith.constant 1 : i32
      %add3A_234 = arith.addi %add3A_228, %add3A_233 : i32
      %rem3A_235 = arith.constant 3 : i32
      %rem3A_236 = arith.remsi %add3A_234, %rem3A_235 : i32
      %add3A_237 = arith.constant 2 : i32
      %add3A_238 = arith.addi %add3A_228, %add3A_237 : i32
      %rem3A_239 = arith.constant 3 : i32
      %rem3A_240 = arith.remsi %add3A_238, %rem3A_239 : i32
      %add3A_241 = arith.constant 1 : i32
      %add3A_242 = arith.addi %add3A_228, %add3A_241 : i32
      %dma_wait3A_243 = arith.constant 0 : i32
      %dma_wait3A_244 = arith.constant 0 : i32
      %dma_wait3A_245 = tpu.memref_slice %arg6[%rem3A_236, %dma_wait3A_243, %dma_wait3A_244] : memref<3x2x128xi32, #tpu.memory_space<vmem>> -> memref<1x2x128xi32, #tpu.memory_space<vmem>>
      %dma_wait3A_246 = tpu.memref_squeeze %dma_wait3A_245 : memref<1x2x128xi32, #tpu.memory_space<vmem>> -> memref<2x128xi32, #tpu.memory_space<vmem>>
      %dma_wait3A_247 = arith.constant 0 : i32
      %dma_wait3A_248 = arith.constant 0 : i32
      %dma_wait3A_249 = tpu.memref_slice %arg3[%add3A, %add3A_242, %dma_wait3A_247, %dma_wait3A_248] : memref<32x80x2x128xi32, #tpu.memory_space<hbm>> -> memref<1x1x2x128xi32, #tpu.memory_space<hbm>>
      %dma_wait3A_250 = tpu.memref_squeeze %dma_wait3A_249 : memref<1x1x2x128xi32, #tpu.memory_space<hbm>> -> memref<2x128xi32, #tpu.memory_space<hbm>>
      %dma_wait3A_251 = arith.constant 0 : i32
      %dma_wait3A_252 = arith.constant 0 : i32
      %dma_wait3A_253 = tpu.memref_slice %arg6[%rem3A_236, %dma_wait3A_251, %dma_wait3A_252] : memref<3x2x128xi32, #tpu.memory_space<vmem>> -> memref<1x2x128xi32, #tpu.memory_space<vmem>>
      %dma_wait3A_254 = tpu.memref_squeeze %dma_wait3A_253 : memref<1x2x128xi32, #tpu.memory_space<vmem>> -> memref<2x128xi32, #tpu.memory_space<vmem>>
      %dma_wait3A_255 = arith.constant 0 : i32
      %dma_wait3A_256 = arith.constant 0 : i32
      %dma_wait3A_257 = tpu.memref_slice %arg3[%add3A, %add3A_242, %dma_wait3A_255, %dma_wait3A_256] : memref<32x80x2x128xi32, #tpu.memory_space<hbm>> -> memref<1x1x2x128xi32, #tpu.memory_space<hbm>>
      %dma_wait3A_258 = tpu.memref_squeeze %dma_wait3A_257 : memref<1x1x2x128xi32, #tpu.memory_space<hbm>> -> memref<2x128xi32, #tpu.memory_space<hbm>>
      tpu.wait_dma2 semaphore(%arg10 : memref<!tpu.dma_semaphore, #tpu.memory_space<semaphore_mem>>) src(%dma_wait3A_258 : memref<2x128xi32, #tpu.memory_space<hbm>>) dst(%dma_wait3A_254 : memref<2x128xi32, #tpu.memory_space<vmem>>)
      %dma_wait3A_259 = arith.constant 0 : i32
      %dma_wait3A_260 = arith.constant 1 : i32
      %dma_wait3A_261 = arith.constant 0 : i32
      %dma_wait3A_262 = arith.constant 0 : i32
      %dma_wait3A_263 = tpu.memref_slice %arg7[%sub3A_230, %dma_wait3A_261, %dma_wait3A_262] : memref<2x128x128xf32, #tpu.memory_space<vmem>> -> memref<1x128x128xf32, #tpu.memory_space<vmem>>
      %dma_wait3A_264 = tpu.memref_squeeze %dma_wait3A_263 : memref<1x128x128xf32, #tpu.memory_space<vmem>> -> memref<128x128xf32, #tpu.memory_space<vmem>>
      %dma_wait3A_265 = arith.constant 0 : i32
      %dma_wait3A_266 = tpu.memref_slice %arg6[%dma_wait3A_259, %dma_wait3A_260, %dma_wait3A_265] : memref<3x2x128xi32, #tpu.memory_space<vmem>> -> memref<1x1x128xi32, #tpu.memory_space<vmem>>
      %dma_wait3A_267 = tpu.memref_squeeze %dma_wait3A_266 : memref<1x1x128xi32, #tpu.memory_space<vmem>> -> memref<128xi32, #tpu.memory_space<vmem>>
      %dma_wait3A_268 = arith.constant 0 : i32
      %dma_wait3A_269 = arith.constant 0 : i32
      %dma_wait3A_270 = tpu.memref_slice %arg8[%dma_wait3A_268, %dma_wait3A_269] : memref<10112x128xf32, #tpu.memory_space<vmem_shared>> -> memref<10112x128xf32, #tpu.memory_space<vmem_shared>>
      tpu.wait_indirect_dma semaphore(%arg11 : memref<!tpu.dma_semaphore, #tpu.memory_space<semaphore_mem>>) src(%dma_wait3A_264 : memref<128x128xf32, #tpu.memory_space<vmem>>) dst(%dma_wait3A_270 : memref<10112x128xf32, #tpu.memory_space<vmem_shared>>)
      %dma_start3A_271 = arith.constant 0 : i32
      %dma_start3A_272 = arith.constant 0 : i32
      %dma_start3A_273 = arith.constant 0 : i32
      %dma_start3A_274 = tpu.memref_slice %arg7[%sub3A_230, %dma_start3A_272, %dma_start3A_273] : memref<2x128x128xf32, #tpu.memory_space<vmem>> -> memref<1x128x128xf32, #tpu.memory_space<vmem>>
      %dma_start3A_275 = tpu.memref_squeeze %dma_start3A_274 : memref<1x128x128xf32, #tpu.memory_space<vmem>> -> memref<128x128xf32, #tpu.memory_space<vmem>>
      %dma_start3A_276 = arith.constant 0 : i32
      %dma_start3A_277 = tpu.memref_slice %arg6[%rem3A_236, %dma_start3A_271, %dma_start3A_276] : memref<3x2x128xi32, #tpu.memory_space<vmem>> -> memref<1x1x128xi32, #tpu.memory_space<vmem>>
      %dma_start3A_278 = tpu.memref_squeeze %dma_start3A_277 : memref<1x1x128xi32, #tpu.memory_space<vmem>> -> memref<128xi32, #tpu.memory_space<vmem>>
      %dma_start3A_279 = arith.constant 0 : i32
      %dma_start3A_280 = arith.constant 0 : i32
      %dma_start3A_281 = tpu.memref_slice %arg2[%dma_start3A_279, %dma_start3A_280] : memref<10000x128xf32, #tpu.memory_space<hbm>> -> memref<10000x128xf32, #tpu.memory_space<hbm>>
      tpu.enqueue_indirect_dma source(%dma_start3A_281 : memref<10000x128xf32, #tpu.memory_space<hbm>>) target(%dma_start3A_275 : memref<128x128xf32, #tpu.memory_space<vmem>>) offsets(%dma_start3A_278 : memref<128xi32, #tpu.memory_space<vmem>>) semaphore(%arg9 : memref<!tpu.dma_semaphore, #tpu.memory_space<semaphore_mem>>)
      %dma_wait3A_282 = arith.constant 0 : i32
      %dma_wait3A_283 = arith.constant 0 : i32
      %dma_wait3A_284 = arith.constant 0 : i32
      %dma_wait3A_285 = arith.constant 0 : i32
      %dma_wait3A_286 = tpu.memref_slice %arg7[%rem3A_229, %dma_wait3A_284, %dma_wait3A_285] : memref<2x128x128xf32, #tpu.memory_space<vmem>> -> memref<1x128x128xf32, #tpu.memory_space<vmem>>
      %dma_wait3A_287 = tpu.memref_squeeze %dma_wait3A_286 : memref<1x128x128xf32, #tpu.memory_space<vmem>> -> memref<128x128xf32, #tpu.memory_space<vmem>>
      %dma_wait3A_288 = arith.constant 0 : i32
      %dma_wait3A_289 = tpu.memref_slice %arg6[%dma_wait3A_282, %dma_wait3A_283, %dma_wait3A_288] : memref<3x2x128xi32, #tpu.memory_space<vmem>> -> memref<1x1x128xi32, #tpu.memory_space<vmem>>
      %dma_wait3A_290 = tpu.memref_squeeze %dma_wait3A_289 : memref<1x1x128xi32, #tpu.memory_space<vmem>> -> memref<128xi32, #tpu.memory_space<vmem>>
      %dma_wait3A_291 = arith.constant 0 : i32
      %dma_wait3A_292 = arith.constant 0 : i32
      %dma_wait3A_293 = tpu.memref_slice %arg2[%dma_wait3A_291, %dma_wait3A_292] : memref<10000x128xf32, #tpu.memory_space<hbm>> -> memref<10000x128xf32, #tpu.memory_space<hbm>>
      tpu.wait_indirect_dma semaphore(%arg9 : memref<!tpu.dma_semaphore, #tpu.memory_space<semaphore_mem>>) src(%dma_wait3A_293 : memref<10000x128xf32, #tpu.memory_space<hbm>>) dst(%dma_wait3A_287 : memref<128x128xf32, #tpu.memory_space<vmem>>)
      %dma_start3A_294 = arith.constant 1 : i32
      %dma_start3A_295 = arith.constant 0 : i32
      %dma_start3A_296 = arith.constant 0 : i32
      %dma_start3A_297 = tpu.memref_slice %arg7[%rem3A_229, %dma_start3A_295, %dma_start3A_296] : memref<2x128x128xf32, #tpu.memory_space<vmem>> -> memref<1x128x128xf32, #tpu.memory_space<vmem>>
      %dma_start3A_298 = tpu.memref_squeeze %dma_start3A_297 : memref<1x128x128xf32, #tpu.memory_space<vmem>> -> memref<128x128xf32, #tpu.memory_space<vmem>>
      %dma_start3A_299 = arith.constant 0 : i32
      %dma_start3A_300 = tpu.memref_slice %arg6[%rem3A_232, %dma_start3A_294, %dma_start3A_299] : memref<3x2x128xi32, #tpu.memory_space<vmem>> -> memref<1x1x128xi32, #tpu.memory_space<vmem>>
      %dma_start3A_301 = tpu.memref_squeeze %dma_start3A_300 : memref<1x1x128xi32, #tpu.memory_space<vmem>> -> memref<128xi32, #tpu.memory_space<vmem>>
      %dma_start3A_302 = arith.constant 0 : i32
      %dma_start3A_303 = arith.constant 0 : i32
      %dma_start3A_304 = tpu.memref_slice %arg8[%dma_start3A_302, %dma_start3A_303] : memref<10112x128xf32, #tpu.memory_space<vmem_shared>> -> memref<10112x128xf32, #tpu.memory_space<vmem_shared>>
      tpu.enqueue_indirect_dma source(%dma_start3A_298 : memref<128x128xf32, #tpu.memory_space<vmem>>) target(%dma_start3A_304 : memref<10112x128xf32, #tpu.memory_space<vmem_shared>>) offsets(%dma_start3A_301 : memref<128xi32, #tpu.memory_space<vmem>>) semaphore(%arg11 : memref<!tpu.dma_semaphore, #tpu.memory_space<semaphore_mem>>) {add = true}
      %add3A_305 = arith.constant 2 : i32
      %add3A_306 = arith.addi %add3A_228, %add3A_305 : i32
      %dma_start3A_307 = arith.constant 0 : i32
      %dma_start3A_308 = arith.constant 0 : i32
      %dma_start3A_309 = tpu.memref_slice %arg6[%rem3A_240, %dma_start3A_307, %dma_start3A_308] : memref<3x2x128xi32, #tpu.memory_space<vmem>> -> memref<1x2x128xi32, #tpu.memory_space<vmem>>
      %dma_start3A_310 = tpu.memref_squeeze %dma_start3A_309 : memref<1x2x128xi32, #tpu.memory_space<vmem>> -> memref<2x128xi32, #tpu.memory_space<vmem>>
      %dma_start3A_311 = arith.constant 0 : i32
      %dma_start3A_312 = arith.constant 0 : i32
      %dma_start3A_313 = tpu.memref_slice %arg3[%add3A, %add3A_306, %dma_start3A_311, %dma_start3A_312] : memref<32x80x2x128xi32, #tpu.memory_space<hbm>> -> memref<1x1x2x128xi32, #tpu.memory_space<hbm>>
      %dma_start3A_314 = tpu.memref_squeeze %dma_start3A_313 : memref<1x1x2x128xi32, #tpu.memory_space<hbm>> -> memref<2x128xi32, #tpu.memory_space<hbm>>
      %dma_start3A_315 = arith.constant 0 : i32
      %dma_start3A_316 = arith.constant 0 : i32
      %dma_start3A_317 = tpu.memref_slice %arg6[%rem3A_240, %dma_start3A_315, %dma_start3A_316] : memref<3x2x128xi32, #tpu.memory_space<vmem>> -> memref<1x2x128xi32, #tpu.memory_space<vmem>>
      %dma_start3A_318 = tpu.memref_squeeze %dma_start3A_317 : memref<1x2x128xi32, #tpu.memory_space<vmem>> -> memref<2x128xi32, #tpu.memory_space<vmem>>
      %dma_start3A_319 = arith.constant 0 : i32
      %dma_start3A_320 = arith.constant 0 : i32
      %dma_start3A_321 = tpu.memref_slice %arg3[%add3A, %add3A_306, %dma_start3A_319, %dma_start3A_320] : memref<32x80x2x128xi32, #tpu.memory_space<hbm>> -> memref<1x1x2x128xi32, #tpu.memory_space<hbm>>
      %dma_start3A_322 = tpu.memref_squeeze %dma_start3A_321 : memref<1x1x2x128xi32, #tpu.memory_space<hbm>> -> memref<2x128xi32, #tpu.memory_space<hbm>>
      tpu.enqueue_dma source(%dma_start3A_322 : memref<2x128xi32, #tpu.memory_space<hbm>>) target(%dma_start3A_318 : memref<2x128xi32, #tpu.memory_space<vmem>>) target_semaphore(%arg10 : memref<!tpu.dma_semaphore, #tpu.memory_space<semaphore_mem>>)
    }
    %scan3A_148 = arith.constant 77 : i32
    %dma_wait3A_149 = arith.constant 1 : i32
    %dma_wait3A_150 = arith.constant 0 : i32
    %dma_wait3A_151 = arith.constant 1 : i32
    %dma_wait3A_152 = arith.constant 0 : i32
    %dma_wait3A_153 = arith.constant 0 : i32
    %dma_wait3A_154 = tpu.memref_slice %arg7[%dma_wait3A_149, %dma_wait3A_152, %dma_wait3A_153] : memref<2x128x128xf32, #tpu.memory_space<vmem>> -> memref<1x128x128xf32, #tpu.memory_space<vmem>>
    %dma_wait3A_155 = tpu.memref_squeeze %dma_wait3A_154 : memref<1x128x128xf32, #tpu.memory_space<vmem>> -> memref<128x128xf32, #tpu.memory_space<vmem>>
    %dma_wait3A_156 = arith.constant 0 : i32
    %dma_wait3A_157 = tpu.memref_slice %arg6[%dma_wait3A_150, %dma_wait3A_151, %dma_wait3A_156] : memref<3x2x128xi32, #tpu.memory_space<vmem>> -> memref<1x1x128xi32, #tpu.memory_space<vmem>>
    %dma_wait3A_158 = tpu.memref_squeeze %dma_wait3A_157 : memref<1x1x128xi32, #tpu.memory_space<vmem>> -> memref<128xi32, #tpu.memory_space<vmem>>
    %dma_wait3A_159 = arith.constant 0 : i32
    %dma_wait3A_160 = arith.constant 0 : i32
    %dma_wait3A_161 = tpu.memref_slice %arg8[%dma_wait3A_159, %dma_wait3A_160] : memref<10112x128xf32, #tpu.memory_space<vmem_shared>> -> memref<10112x128xf32, #tpu.memory_space<vmem_shared>>
    tpu.wait_indirect_dma semaphore(%arg11 : memref<!tpu.dma_semaphore, #tpu.memory_space<semaphore_mem>>) src(%dma_wait3A_155 : memref<128x128xf32, #tpu.memory_space<vmem>>) dst(%dma_wait3A_161 : memref<10112x128xf32, #tpu.memory_space<vmem_shared>>)
    %dma_wait3A_162 = arith.constant 0 : i32
    %dma_wait3A_163 = arith.constant 0 : i32
    %dma_wait3A_164 = arith.constant 0 : i32
    %dma_wait3A_165 = arith.constant 0 : i32
    %dma_wait3A_166 = arith.constant 0 : i32
    %dma_wait3A_167 = tpu.memref_slice %arg7[%dma_wait3A_164, %dma_wait3A_165, %dma_wait3A_166] : memref<2x128x128xf32, #tpu.memory_space<vmem>> -> memref<1x128x128xf32, #tpu.memory_space<vmem>>
    %dma_wait3A_168 = tpu.memref_squeeze %dma_wait3A_167 : memref<1x128x128xf32, #tpu.memory_space<vmem>> -> memref<128x128xf32, #tpu.memory_space<vmem>>
    %dma_wait3A_169 = arith.constant 0 : i32
    %dma_wait3A_170 = tpu.memref_slice %arg6[%dma_wait3A_162, %dma_wait3A_163, %dma_wait3A_169] : memref<3x2x128xi32, #tpu.memory_space<vmem>> -> memref<1x1x128xi32, #tpu.memory_space<vmem>>
    %dma_wait3A_171 = tpu.memref_squeeze %dma_wait3A_170 : memref<1x1x128xi32, #tpu.memory_space<vmem>> -> memref<128xi32, #tpu.memory_space<vmem>>
    %dma_wait3A_172 = arith.constant 0 : i32
    %dma_wait3A_173 = arith.constant 0 : i32
    %dma_wait3A_174 = tpu.memref_slice %arg2[%dma_wait3A_172, %dma_wait3A_173] : memref<10000x128xf32, #tpu.memory_space<hbm>> -> memref<10000x128xf32, #tpu.memory_space<hbm>>
    tpu.wait_indirect_dma semaphore(%arg9 : memref<!tpu.dma_semaphore, #tpu.memory_space<semaphore_mem>>) src(%dma_wait3A_174 : memref<10000x128xf32, #tpu.memory_space<hbm>>) dst(%dma_wait3A_168 : memref<128x128xf32, #tpu.memory_space<vmem>>)
    %dma_start3A_175 = arith.constant 0 : i32
    %dma_start3A_176 = arith.constant 0 : i32
    %dma_start3A_177 = arith.constant 1 : i32
    %dma_start3A_178 = arith.constant 0 : i32
    %dma_start3A_179 = arith.constant 0 : i32
    %dma_start3A_180 = tpu.memref_slice %arg7[%dma_start3A_175, %dma_start3A_178, %dma_start3A_179] : memref<2x128x128xf32, #tpu.memory_space<vmem>> -> memref<1x128x128xf32, #tpu.memory_space<vmem>>
    %dma_start3A_181 = tpu.memref_squeeze %dma_start3A_180 : memref<1x128x128xf32, #tpu.memory_space<vmem>> -> memref<128x128xf32, #tpu.memory_space<vmem>>
    %dma_start3A_182 = arith.constant 0 : i32
    %dma_start3A_183 = tpu.memref_slice %arg6[%dma_start3A_176, %dma_start3A_177, %dma_start3A_182] : memref<3x2x128xi32, #tpu.memory_space<vmem>> -> memref<1x1x128xi32, #tpu.memory_space<vmem>>
    %dma_start3A_184 = tpu.memref_squeeze %dma_start3A_183 : memref<1x1x128xi32, #tpu.memory_space<vmem>> -> memref<128xi32, #tpu.memory_space<vmem>>
    %dma_start3A_185 = arith.constant 0 : i32
    %dma_start3A_186 = arith.constant 0 : i32
    %dma_start3A_187 = tpu.memref_slice %arg8[%dma_start3A_185, %dma_start3A_186] : memref<10112x128xf32, #tpu.memory_space<vmem_shared>> -> memref<10112x128xf32, #tpu.memory_space<vmem_shared>>
    tpu.enqueue_indirect_dma source(%dma_start3A_181 : memref<128x128xf32, #tpu.memory_space<vmem>>) target(%dma_start3A_187 : memref<10112x128xf32, #tpu.memory_space<vmem_shared>>) offsets(%dma_start3A_184 : memref<128xi32, #tpu.memory_space<vmem>>) semaphore(%arg11 : memref<!tpu.dma_semaphore, #tpu.memory_space<semaphore_mem>>) {add = true}
    %dma_wait3A_188 = arith.constant 0 : i32
    %dma_wait3A_189 = arith.constant 0 : i32
    %dma_wait3A_190 = arith.constant 1 : i32
    %dma_wait3A_191 = arith.constant 0 : i32
    %dma_wait3A_192 = arith.constant 0 : i32
    %dma_wait3A_193 = tpu.memref_slice %arg7[%dma_wait3A_188, %dma_wait3A_191, %dma_wait3A_192] : memref<2x128x128xf32, #tpu.memory_space<vmem>> -> memref<1x128x128xf32, #tpu.memory_space<vmem>>
    %dma_wait3A_194 = tpu.memref_squeeze %dma_wait3A_193 : memref<1x128x128xf32, #tpu.memory_space<vmem>> -> memref<128x128xf32, #tpu.memory_space<vmem>>
    %dma_wait3A_195 = arith.constant 0 : i32
    %dma_wait3A_196 = tpu.memref_slice %arg6[%dma_wait3A_189, %dma_wait3A_190, %dma_wait3A_195] : memref<3x2x128xi32, #tpu.memory_space<vmem>> -> memref<1x1x128xi32, #tpu.memory_space<vmem>>
    %dma_wait3A_197 = tpu.memref_squeeze %dma_wait3A_196 : memref<1x1x128xi32, #tpu.memory_space<vmem>> -> memref<128xi32, #tpu.memory_space<vmem>>
    %dma_wait3A_198 = arith.constant 0 : i32
    %dma_wait3A_199 = arith.constant 0 : i32
    %dma_wait3A_200 = tpu.memref_slice %arg8[%dma_wait3A_198, %dma_wait3A_199] : memref<10112x128xf32, #tpu.memory_space<vmem_shared>> -> memref<10112x128xf32, #tpu.memory_space<vmem_shared>>
    tpu.wait_indirect_dma semaphore(%arg11 : memref<!tpu.dma_semaphore, #tpu.memory_space<semaphore_mem>>) src(%dma_wait3A_194 : memref<128x128xf32, #tpu.memory_space<vmem>>) dst(%dma_wait3A_200 : memref<10112x128xf32, #tpu.memory_space<vmem_shared>>)
    %dma_wait3A_201 = arith.constant 79 : i32
    %dma_wait3A_202 = arith.constant 1 : i32
    %dma_wait3A_203 = arith.constant 0 : i32
    %dma_wait3A_204 = arith.constant 0 : i32
    %dma_wait3A_205 = tpu.memref_slice %arg6[%dma_wait3A_202, %dma_wait3A_203, %dma_wait3A_204] : memref<3x2x128xi32, #tpu.memory_space<vmem>> -> memref<1x2x128xi32, #tpu.memory_space<vmem>>
    %dma_wait3A_206 = tpu.memref_squeeze %dma_wait3A_205 : memref<1x2x128xi32, #tpu.memory_space<vmem>> -> memref<2x128xi32, #tpu.memory_space<vmem>>
    %dma_wait3A_207 = arith.constant 0 : i32
    %dma_wait3A_208 = arith.constant 0 : i32
    %dma_wait3A_209 = tpu.memref_slice %arg3[%add3A, %dma_wait3A_201, %dma_wait3A_207, %dma_wait3A_208] : memref<32x80x2x128xi32, #tpu.memory_space<hbm>> -> memref<1x1x2x128xi32, #tpu.memory_space<hbm>>
    %dma_wait3A_210 = tpu.memref_squeeze %dma_wait3A_209 : memref<1x1x2x128xi32, #tpu.memory_space<hbm>> -> memref<2x128xi32, #tpu.memory_space<hbm>>
    %dma_wait3A_211 = arith.constant 0 : i32
    %dma_wait3A_212 = arith.constant 0 : i32
    %dma_wait3A_213 = tpu.memref_slice %arg6[%dma_wait3A_202, %dma_wait3A_211, %dma_wait3A_212] : memref<3x2x128xi32, #tpu.memory_space<vmem>> -> memref<1x2x128xi32, #tpu.memory_space<vmem>>
    %dma_wait3A_214 = tpu.memref_squeeze %dma_wait3A_213 : memref<1x2x128xi32, #tpu.memory_space<vmem>> -> memref<2x128xi32, #tpu.memory_space<vmem>>
    %dma_wait3A_215 = arith.constant 0 : i32
    %dma_wait3A_216 = arith.constant 0 : i32
    %dma_wait3A_217 = tpu.memref_slice %arg3[%add3A, %dma_wait3A_201, %dma_wait3A_215, %dma_wait3A_216] : memref<32x80x2x128xi32, #tpu.memory_space<hbm>> -> memref<1x1x2x128xi32, #tpu.memory_space<hbm>>
    %dma_wait3A_218 = tpu.memref_squeeze %dma_wait3A_217 : memref<1x1x2x128xi32, #tpu.memory_space<hbm>> -> memref<2x128xi32, #tpu.memory_space<hbm>>
    tpu.wait_dma2 semaphore(%arg10 : memref<!tpu.dma_semaphore, #tpu.memory_space<semaphore_mem>>) src(%dma_wait3A_218 : memref<2x128xi32, #tpu.memory_space<hbm>>) dst(%dma_wait3A_214 : memref<2x128xi32, #tpu.memory_space<vmem>>)
    %barrier3A_219 = arith.constant 0 : index
    tpu.barrier barrier_id(%barrier3A_219)
    %mul3A_220 = arith.constant 632 : i32
    %mul3A_221 = arith.muli %arg1, %mul3A_220 : i32
    %mul3A_222 = arith.constant 632 : i32
    %mul3A_223 = arith.muli %arg1, %mul3A_222 : i32
    "tpu.region"() ({
      %run_scoped3A = tpu.sem_alloc : memref<!tpu.dma_semaphore, #tpu.memory_space<semaphore_mem>>
      %dma_start3A_224 = arith.constant 0 : i32
      %dma_start3A_225 = tpu.memref_slice %arg5[%arg0, %mul3A_223, %dma_start3A_224] : memref<2x10112x128xf32, #tpu.memory_space<hbm>> -> memref<1x632x128xf32, #tpu.memory_space<hbm>>
      %dma_start3A_226 = tpu.memref_squeeze %dma_start3A_225 : memref<1x632x128xf32, #tpu.memory_space<hbm>> -> memref<632x128xf32, #tpu.memory_space<hbm>>
      %dma_start3A_227 = arith.constant 0 : i32
      %dma_start3A_228 = tpu.memref_slice %arg8[%mul3A_221, %dma_start3A_227] : memref<10112x128xf32, #tpu.memory_space<vmem_shared>> -> memref<632x128xf32, #tpu.memory_space<vmem_shared>>
      tpu.enqueue_dma source(%dma_start3A_228 : memref<632x128xf32, #tpu.memory_space<vmem_shared>>) target(%dma_start3A_226 : memref<632x128xf32, #tpu.memory_space<hbm>>) target_semaphore(%run_scoped3A : memref<!tpu.dma_semaphore, #tpu.memory_space<semaphore_mem>>)
      %dma_wait3A_229 = arith.constant 0 : i32
      %dma_wait3A_230 = tpu.memref_slice %arg5[%arg0, %mul3A_223, %dma_wait3A_229] : memref<2x10112x128xf32, #tpu.memory_space<hbm>> -> memref<1x632x128xf32, #tpu.memory_space<hbm>>
      %dma_wait3A_231 = tpu.memref_squeeze %dma_wait3A_230 : memref<1x632x128xf32, #tpu.memory_space<hbm>> -> memref<632x128xf32, #tpu.memory_space<hbm>>
      %dma_wait3A_232 = arith.constant 0 : i32
      %dma_wait3A_233 = tpu.memref_slice %arg8[%mul3A_221, %dma_wait3A_232] : memref<10112x128xf32, #tpu.memory_space<vmem_shared>> -> memref<632x128xf32, #tpu.memory_space<vmem_shared>>
      tpu.wait_dma2 semaphore(%run_scoped3A : memref<!tpu.dma_semaphore, #tpu.memory_space<semaphore_mem>>) src(%dma_wait3A_233 : memref<632x128xf32, #tpu.memory_space<vmem_shared>>) dst(%dma_wait3A_231 : memref<632x128xf32, #tpu.memory_space<hbm>>)
      tpu.yield
    }) : () -> ()
    return
  }
}

module attributes {stable_mosaic.version = 14 : i64} {
  func.func @body(%arg0: memref<2x10112x128xf32, #tpu.memory_space<vmem>>, %arg1: memref<2x10112x128xf32, #tpu.memory_space<vmem>>, %arg2: memref<10000x128xf32, #tpu.memory_space<vmem>>, %arg3: memref<128x128xf32, #tpu.memory_space<vmem>>, %arg4: memref<128x128xf32, #tpu.memory_space<vmem>>, %arg5: memref<1x128xf32, #tpu.memory_space<vmem>>, %arg6: memref<1x128xf32, #tpu.memory_space<vmem>>, %arg7: memref<1x128xf32, #tpu.memory_space<vmem>>, %arg8: memref<10000x128xf32, #tpu.memory_space<vmem>>) attributes {dimension_semantics = [], scalar_prefetch = 0 : i64, scratch_operands = 0 : i64, tpu.core_type = #tpu.core_type<tc>} {
    %get3A = arith.constant 0 : index
    %get3A_0 = arith.constant 0 : index
    %get3A_1 = arith.constant 0 : index
    %get3A_2 = vector.load %arg1[%get3A, %get3A_0, %get3A_1] : memref<2x10112x128xf32, #tpu.memory_space<vmem>>, vector<1x10000x1xf32>
    %get3A_3 = vector.shape_cast %get3A_2 : vector<1x10000x1xf32> to vector<10000x1xf32>
    %get3A_4 = arith.constant 1 : index
    %get3A_5 = arith.constant 0 : index
    %get3A_6 = arith.constant 0 : index
    %get3A_7 = vector.load %arg1[%get3A_4, %get3A_5, %get3A_6] : memref<2x10112x128xf32, #tpu.memory_space<vmem>>, vector<1x10000x1xf32>
    %get3A_8 = vector.shape_cast %get3A_7 : vector<1x10000x1xf32> to vector<10000x1xf32>
    %add3A = arith.addf %get3A_3, %get3A_8 : vector<10000x1xf32>
    %max3A = arith.constant 1.000000e+00 : f32
    %max3A_9 = vector.broadcast %max3A : f32 to vector<10000x1xf32>
    %max3A_10 = arith.maximumf %add3A, %max3A_9 : vector<10000x1xf32>
    %div3A = arith.constant 1.000000e+00 : f32
    %div3A_11 = vector.broadcast %div3A : f32 to vector<10000x1xf32>
    %div3A_12 = arith.divf %div3A_11, %max3A_10 : vector<10000x1xf32>
    %get3A_13 = arith.constant 0 : index
    %get3A_14 = arith.constant 0 : index
    %get3A_15 = arith.constant 0 : index
    %get3A_16 = vector.load %arg0[%get3A_13, %get3A_14, %get3A_15] : memref<2x10112x128xf32, #tpu.memory_space<vmem>>, vector<1x10000x128xf32>
    %get3A_17 = vector.shape_cast %get3A_16 : vector<1x10000x128xf32> to vector<10000x128xf32>
    %get3A_18 = arith.constant 1 : index
    %get3A_19 = arith.constant 0 : index
    %get3A_20 = arith.constant 0 : index
    %get3A_21 = vector.load %arg0[%get3A_18, %get3A_19, %get3A_20] : memref<2x10112x128xf32, #tpu.memory_space<vmem>>, vector<1x10000x128xf32>
    %get3A_22 = vector.shape_cast %get3A_21 : vector<1x10000x128xf32> to vector<10000x128xf32>
    %add3A_23 = arith.addf %get3A_17, %get3A_22 : vector<10000x128xf32>
    %mul3A = vector.broadcast %div3A_12 : vector<10000x1xf32> to vector<10000x128xf32>
    %mul3A_24 = arith.mulf %add3A_23, %mul3A : vector<10000x128xf32>
    %get3A_25 = arith.constant 0 : index
    %get3A_26 = arith.constant 0 : index
    %get3A_27 = vector.load %arg3[%get3A_25, %get3A_26] : memref<128x128xf32, #tpu.memory_space<vmem>>, vector<128x128xf32>
    %dot_general3A = arith.constant dense<0.000000e+00> : vector<10000x128xf32>
    %dot_general3A_28 = tpu.matmul %mul3A_24, %get3A_27, %dot_general3A {dimension_numbers = #tpu.dot_dimension_numbers<[1], [0], [0], [1], [0, 0, 1, 1], [], []>, transpose_lhs_hint = false} : vector<10000x128xf32>, vector<128x128xf32>, vector<10000x128xf32> -> vector<10000x128xf32>
    %get3A_29 = arith.constant 0 : index
    %get3A_30 = arith.constant 0 : index
    %get3A_31 = vector.load %arg2[%get3A_29, %get3A_30] : memref<10000x128xf32, #tpu.memory_space<vmem>>, vector<10000x128xf32>
    %get3A_32 = arith.constant 0 : index
    %get3A_33 = arith.constant 0 : index
    %get3A_34 = vector.load %arg4[%get3A_32, %get3A_33] : memref<128x128xf32, #tpu.memory_space<vmem>>, vector<128x128xf32>
    %dot_general3A_35 = arith.constant dense<0.000000e+00> : vector<10000x128xf32>
    %dot_general3A_36 = tpu.matmul %get3A_31, %get3A_34, %dot_general3A_35 {dimension_numbers = #tpu.dot_dimension_numbers<[1], [0], [0], [1], [0, 0, 1, 1], [], []>, transpose_lhs_hint = false} : vector<10000x128xf32>, vector<128x128xf32>, vector<10000x128xf32> -> vector<10000x128xf32>
    %add3A_37 = arith.addf %dot_general3A_28, %dot_general3A_36 : vector<10000x128xf32>
    %get3A_38 = arith.constant 0 : index
    %get3A_39 = arith.constant 0 : index
    %get3A_40 = vector.load %arg5[%get3A_38, %get3A_39] : memref<1x128xf32, #tpu.memory_space<vmem>>, vector<1x128xf32>
    %add3A_41 = vector.broadcast %get3A_40 : vector<1x128xf32> to vector<10000x128xf32>
    %add3A_42 = arith.addf %add3A_37, %add3A_41 : vector<10000x128xf32>
    %reduce_sum3A = arith.constant dense<0.000000e+00> : vector<128xf32>
    %reduce_sum3A_43 = vector.multi_reduction <add>, %add3A_42, %reduce_sum3A [0] : vector<10000x128xf32> to vector<128xf32>
    %broadcast_in_dim3A = vector.shape_cast %reduce_sum3A_43 : vector<128xf32> to vector<1x128xf32>
    %div3A_44 = arith.constant 1.000000e+04 : f32
    %div3A_45 = vector.broadcast %div3A_44 : f32 to vector<1x128xf32>
    %div3A_46 = arith.divf %broadcast_in_dim3A, %div3A_45 : vector<1x128xf32>
    %sub3A = vector.broadcast %div3A_46 : vector<1x128xf32> to vector<10000x128xf32>
    %sub3A_47 = arith.subf %add3A_42, %sub3A : vector<10000x128xf32>
    %sub3A_48 = vector.broadcast %div3A_46 : vector<1x128xf32> to vector<10000x128xf32>
    %sub3A_49 = arith.subf %add3A_42, %sub3A_48 : vector<10000x128xf32>
    %mul3A_50 = arith.mulf %sub3A_47, %sub3A_49 : vector<10000x128xf32>
    %reduce_sum3A_51 = arith.constant dense<0.000000e+00> : vector<128xf32>
    %reduce_sum3A_52 = vector.multi_reduction <add>, %mul3A_50, %reduce_sum3A_51 [0] : vector<10000x128xf32> to vector<128xf32>
    %broadcast_in_dim3A_53 = vector.shape_cast %reduce_sum3A_52 : vector<128xf32> to vector<1x128xf32>
    %div3A_54 = arith.constant 1.000000e+04 : f32
    %div3A_55 = vector.broadcast %div3A_54 : f32 to vector<1x128xf32>
    %div3A_56 = arith.divf %broadcast_in_dim3A_53, %div3A_55 : vector<1x128xf32>
    %sub3A_57 = vector.broadcast %div3A_46 : vector<1x128xf32> to vector<10000x128xf32>
    %sub3A_58 = arith.subf %add3A_42, %sub3A_57 : vector<10000x128xf32>
    %add3A_59 = arith.constant 9.99999974E-6 : f32
    %add3A_60 = vector.broadcast %add3A_59 : f32 to vector<1x128xf32>
    %add3A_61 = arith.addf %div3A_56, %add3A_60 : vector<1x128xf32>
    %rsqrt3A = math.rsqrt %add3A_61 : vector<1x128xf32>
    %mul3A_62 = vector.broadcast %rsqrt3A : vector<1x128xf32> to vector<10000x128xf32>
    %mul3A_63 = arith.mulf %sub3A_58, %mul3A_62 : vector<10000x128xf32>
    %get3A_64 = arith.constant 0 : index
    %get3A_65 = arith.constant 0 : index
    %get3A_66 = vector.load %arg6[%get3A_64, %get3A_65] : memref<1x128xf32, #tpu.memory_space<vmem>>, vector<1x128xf32>
    %mul3A_67 = vector.broadcast %get3A_66 : vector<1x128xf32> to vector<10000x128xf32>
    %mul3A_68 = arith.mulf %mul3A_63, %mul3A_67 : vector<10000x128xf32>
    %get3A_69 = arith.constant 0 : index
    %get3A_70 = arith.constant 0 : index
    %get3A_71 = vector.load %arg7[%get3A_69, %get3A_70] : memref<1x128xf32, #tpu.memory_space<vmem>>, vector<1x128xf32>
    %add3A_72 = vector.broadcast %get3A_71 : vector<1x128xf32> to vector<10000x128xf32>
    %add3A_73 = arith.addf %mul3A_68, %add3A_72 : vector<10000x128xf32>
    %max3A_74 = arith.constant 0.000000e+00 : f32
    %max3A_75 = vector.broadcast %max3A_74 : f32 to vector<10000x128xf32>
    %max3A_76 = arith.maximumf %add3A_73, %max3A_75 : vector<10000x128xf32>
    %swap3A = arith.constant 0 : index
    %swap3A_77 = arith.constant 0 : index
    %swap3A_78 = vector.load %arg8[%swap3A, %swap3A_77] : memref<10000x128xf32, #tpu.memory_space<vmem>>, vector<10000x128xf32>
    tpu.vector_store %arg8[%swap3A, %swap3A_77], %max3A_76 {strides = array<i32>} : memref<10000x128xf32, #tpu.memory_space<vmem>>, vector<10000x128xf32>,
    return
  }
}

module attributes {stable_mosaic.version = 14 : i64} {
  func.func @body(%arg0: memref<2x10112x128xf32, #tpu.memory_space<vmem>>, %arg1: memref<2x10112x128xf32, #tpu.memory_space<vmem>>, %arg2: memref<10000x128xf32, #tpu.memory_space<vmem>>, %arg3: memref<128x128xf32, #tpu.memory_space<vmem>>, %arg4: memref<128x128xf32, #tpu.memory_space<vmem>>, %arg5: memref<1x128xf32, #tpu.memory_space<vmem>>, %arg6: memref<1x128xf32, #tpu.memory_space<vmem>>, %arg7: memref<1x128xf32, #tpu.memory_space<vmem>>, %arg8: memref<10000x128xf32, #tpu.memory_space<vmem>>) attributes {dimension_semantics = [], scalar_prefetch = 0 : i64, scratch_operands = 0 : i64, tpu.core_type = #tpu.core_type<tc>} {
    %get3A = arith.constant 0 : index
    %get3A_0 = arith.constant 0 : index
    %get3A_1 = arith.constant 0 : index
    %get3A_2 = vector.load %arg1[%get3A, %get3A_0, %get3A_1] : memref<2x10112x128xf32, #tpu.memory_space<vmem>>, vector<1x10000x1xf32>
    %get3A_3 = vector.shape_cast %get3A_2 : vector<1x10000x1xf32> to vector<10000x1xf32>
    %get3A_4 = arith.constant 1 : index
    %get3A_5 = arith.constant 0 : index
    %get3A_6 = arith.constant 0 : index
    %get3A_7 = vector.load %arg1[%get3A_4, %get3A_5, %get3A_6] : memref<2x10112x128xf32, #tpu.memory_space<vmem>>, vector<1x10000x1xf32>
    %get3A_8 = vector.shape_cast %get3A_7 : vector<1x10000x1xf32> to vector<10000x1xf32>
    %add3A = arith.addf %get3A_3, %get3A_8 : vector<10000x1xf32>
    %max3A = arith.constant 1.000000e+00 : f32
    %max3A_9 = vector.broadcast %max3A : f32 to vector<10000x1xf32>
    %max3A_10 = arith.maximumf %add3A, %max3A_9 : vector<10000x1xf32>
    %div3A = arith.constant 1.000000e+00 : f32
    %div3A_11 = vector.broadcast %div3A : f32 to vector<10000x1xf32>
    %div3A_12 = arith.divf %div3A_11, %max3A_10 : vector<10000x1xf32>
    %get3A_13 = arith.constant 0 : index
    %get3A_14 = arith.constant 0 : index
    %get3A_15 = arith.constant 0 : index
    %get3A_16 = vector.load %arg0[%get3A_13, %get3A_14, %get3A_15] : memref<2x10112x128xf32, #tpu.memory_space<vmem>>, vector<1x10000x128xf32>
    %get3A_17 = vector.shape_cast %get3A_16 : vector<1x10000x128xf32> to vector<10000x128xf32>
    %get3A_18 = arith.constant 1 : index
    %get3A_19 = arith.constant 0 : index
    %get3A_20 = arith.constant 0 : index
    %get3A_21 = vector.load %arg0[%get3A_18, %get3A_19, %get3A_20] : memref<2x10112x128xf32, #tpu.memory_space<vmem>>, vector<1x10000x128xf32>
    %get3A_22 = vector.shape_cast %get3A_21 : vector<1x10000x128xf32> to vector<10000x128xf32>
    %add3A_23 = arith.addf %get3A_17, %get3A_22 : vector<10000x128xf32>
    %mul3A = vector.broadcast %div3A_12 : vector<10000x1xf32> to vector<10000x128xf32>
    %mul3A_24 = arith.mulf %add3A_23, %mul3A : vector<10000x128xf32>
    %get3A_25 = arith.constant 0 : index
    %get3A_26 = arith.constant 0 : index
    %get3A_27 = vector.load %arg3[%get3A_25, %get3A_26] : memref<128x128xf32, #tpu.memory_space<vmem>>, vector<128x128xf32>
    %dot_general3A = arith.constant dense<0.000000e+00> : vector<10000x128xf32>
    %dot_general3A_28 = tpu.matmul %mul3A_24, %get3A_27, %dot_general3A {dimension_numbers = #tpu.dot_dimension_numbers<[1], [0], [0], [1], [0, 0, 1, 1], [], []>, transpose_lhs_hint = false} : vector<10000x128xf32>, vector<128x128xf32>, vector<10000x128xf32> -> vector<10000x128xf32>
    %get3A_29 = arith.constant 0 : index
    %get3A_30 = arith.constant 0 : index
    %get3A_31 = vector.load %arg2[%get3A_29, %get3A_30] : memref<10000x128xf32, #tpu.memory_space<vmem>>, vector<10000x128xf32>
    %get3A_32 = arith.constant 0 : index
    %get3A_33 = arith.constant 0 : index
    %get3A_34 = vector.load %arg4[%get3A_32, %get3A_33] : memref<128x128xf32, #tpu.memory_space<vmem>>, vector<128x128xf32>
    %dot_general3A_35 = arith.constant dense<0.000000e+00> : vector<10000x128xf32>
    %dot_general3A_36 = tpu.matmul %get3A_31, %get3A_34, %dot_general3A_35 {dimension_numbers = #tpu.dot_dimension_numbers<[1], [0], [0], [1], [0, 0, 1, 1], [], []>, transpose_lhs_hint = false} : vector<10000x128xf32>, vector<128x128xf32>, vector<10000x128xf32> -> vector<10000x128xf32>
    %add3A_37 = arith.addf %dot_general3A_28, %dot_general3A_36 : vector<10000x128xf32>
    %get3A_38 = arith.constant 0 : index
    %get3A_39 = arith.constant 0 : index
    %get3A_40 = vector.load %arg5[%get3A_38, %get3A_39] : memref<1x128xf32, #tpu.memory_space<vmem>>, vector<1x128xf32>
    %add3A_41 = vector.broadcast %get3A_40 : vector<1x128xf32> to vector<10000x128xf32>
    %add3A_42 = arith.addf %add3A_37, %add3A_41 : vector<10000x128xf32>
    %swap3A = arith.constant 0 : index
    %swap3A_43 = arith.constant 0 : index
    %swap3A_44 = vector.load %arg8[%swap3A, %swap3A_43] : memref<10000x128xf32, #tpu.memory_space<vmem>>, vector<10000x128xf32>
    tpu.vector_store %arg8[%swap3A, %swap3A_43], %add3A_42 {strides = array<i32>} : memref<10000x128xf32, #tpu.memory_space<vmem>>, vector<10000x128xf32>,
    return
  }
}

</mosaic_0001>

<sc_bundles>
// kernel: kernel.12.cloned.1.call-start
scs
__scs_entry_jumppad:
0x0: {  	(pc) =	sbr.rel $0x88, $3  }
0x1: {  	(tag) =	ssettag $0x0;
	lr =	simm.s32 $0x1  }
0x2: {  	[smem:$0x3F92] =	sst lr;
	_ =	strace $0xD0000000  }
0x3: {  	_ = 	snop  }
0x4: {  	_ = 	snop  }
0x5: {  	_ = 	snop  }
0x6: {  	_ = 	snop  }
0x7: {  	_ = 	snop  }
__scs_overlays_trampoline_lowered:
0x8: {  	[smem:$0x3FA1] =	sst s0  }
0x9: {  	[smem:$0x3FA2] =	sst s1  }
0xa: {  	[smem:$0x3FA3] =	sst s2  }
0xb: {  	[smem:$0x3FA4] =	sst s3  }
0xc: {  	[smem:$0x3FA5] =	sst s4  }
0xd: {  	[smem:$0x3FA6] =	sst s5  }
0xe: {  	[smem:$0x3FA7] =	sst s6  }
0xf: {  	[smem:$0x3FA8] =	sst s7  }
0x10: {  	[smem:$0x3FA9] =	sst s8  }
0x11: {  	[smem:$0x3FAA] =	sst s9;
	s0 =	simm.s32 @!p0 $0x0  }
0x12: {  	s1 =	sld [smem:$0x3F90];
	s0 =	simm.s32 @p0 $0x1  }
0x13: {  	[smem:$0x3FAB] =	sst s0;
	s0 =	simm.s32 @!p1 $0x0  }
0x14: {  	s2 =	sld [smem:$0x3F8F];
	s0 =	simm.s32 @p1 $0x1  }
0x15: {  	[smem:$0x3FAC] =	sst s0;
	s0 =	simm.s32 @!p2 $0x0  }
0x16: {  	s3 =	sld [smem:$0x3FDB];
	s0 =	simm.s32 @p2 $0x1  }
0x17: {  	s4 =	simm.s32 $0x1BF5;
	[smem:$0x3FAE] =	sst s0  }
0x18: {  	s0 =	sld [smem:$0x3F91];
	_ =	swait.ge [sflag:s4], $0x0  }
0x19: {  	s7 =	sld [smem:$0x3F92]  }
0x1a: {  	s8 =	sadd.s32 $0xFFFFE003, lr  }
0x1b: {  	s9 =	sadd.s32 $0xFFFFFEF7, lr;
	s5 =	simm.s32 $0xFFFFFFFF;
	p2 =	slt.u32 s8, $0xFFFFF086  }
0x1c: {  	p1 =	slt.u32 s9, $0xF7A;
	s5 =	simm.s32 @!p2 $0x0  }
0x1d: {  	s5 =	simm.s32 @p1 $0x1;
	p0 =	seq.s32 s7, s2  }
0x1e: {  	s7 =	smul.u32 @!p0 $0xF7A, s2;
	p2 =	seq.s32 @!p0 s5, $0x0  }
0x1f: {  	s9 =	smul.u32 $0xF7A, s1;
	s8 =	simm.s32 @!p0 $0x1BF5;
	p2 =	por !p2, p0  }
0x20: {  	[sflag:s8] =	ssyncset.s32 @!p0 $0xFFFFF086;
	s6 =	sadd.s32 @!p0 s3, s7;
	s7 =	simm.s32 @!p0 $0x108  }
0x21: {  	s3 =	sadd.s32 s3, s9;
	s6 =	sadd.s32 @!p0 $0x88, s6;
	s7 =	simm.s32 @p2 $0x1082  }
0x22: {  	[simem:s7], [sflag:s8] =	dma.local @!p0 [hbm:s6], $0xF7A  }
0x23: {  	s9 =	sor.u32 $0xD0000000, s2;
	s6 =	simm.s32 $0x108;
	_ =	swait.ge @!p0 [sflag:s8], $0x0  }
0x24: {  	s3 =	sadd.s32 $0x88, s3;
	s6 =	simm.s32 @!p1 $0x1082;
	[sflag:s4] =	ssyncset.s32 $0xFFFFF086  }
0x25: {  	[simem:s6], [sflag:s4] =	dma.local [hbm:s3], $0xF7A  }
0x26: {  	[smem:$0x3F92] =	sst s1;
	(tag) =	ssettag s2;
	_ =	strace s9  }
0x27: {  	s1 =	sld [smem:$0x3FA2]  }
0x28: {  	s2 =	sld [smem:$0x3FA3]  }
0x29: {  	s4 =	sld [smem:$0x3FA5]  }
0x2a: {  	p0 =	seq.s32 s5, $0x0;
	s5 =	sld [smem:$0x3FA6]  }
0x2b: {  	s6 =	sld [smem:$0x3FA7]  }
0x2c: {  	s7 =	sld [smem:$0x3FA8]  }
0x2d: {  	s3 =	simm.s32 $0x108;
	s8 =	sld [smem:$0x3FA9]  }
0x2e: {  	s3 =	simm.s32 @!p0 $0x1082;
	s9 =	sld [smem:$0x3FAA]  }
0x2f: {  	lr =	sadd.s32 s0, s3;
	s0 =	sld [smem:$0x3FA1]  }
0x30: {  	s3 =	sld [smem:$0x3FA4]  }
0x31: {  	[smem:$0x3FAD] =	sst s10  }
0x32: {  	s10 =	sld [smem:$0x3FAB];
	_ =	sdelay $0x3  }
0x33: {  	p0 =	seq.s32 s10, $0x1;
	s10 =	sld [smem:$0x3FAD];
	_ =	sdelay $0x3  }
0x34: {  	[smem:$0x3FAD] =	sst s10  }
0x35: {  	s10 =	sld [smem:$0x3FAC];
	_ =	sdelay $0x3  }
0x36: {  	p1 =	seq.s32 s10, $0x1;
	s10 =	sld [smem:$0x3FAD];
	_ =	sdelay $0x3  }
0x37: {  	[smem:$0x3FAD] =	sst s10  }
0x38: {  	s10 =	sld [smem:$0x3FAE]  }
0x39: {  	_ = 	snop;
	(pc) =	sbr.ind lr, $3  }
0x3a: {  	_ = 	snop  }
0x3b: {  	_ = 	snop  }
0x3c: {  	p2 =	seq.s32 s10, $0x1;
	s10 =	sld [smem:$0x3FAD]  }
0x3d: {  	_ =	shalt  }
0x3e: {  	_ =	shalt  }
0x3f: {  	_ =	shalt  }
0x40: {  	_ =	shalt  }
0x41: {  	_ =	shalt  }
0x42: {  	_ =	shalt  }
0x43: {  	_ =	shalt  }
0x44: {  	_ =	shalt  }
0x45: {  	_ =	shalt  }
0x46: {  	_ =	shalt  }
0x47: {  	_ =	shalt  }
0x48: {  	_ =	shalt  }
0x49: {  	_ =	shalt  }
0x4a: {  	_ =	shalt  }
0x4b: {  	_ =	shalt  }
0x4c: {  	_ =	shalt  }
0x4d: {  	_ =	shalt  }
0x4e: {  	_ =	shalt  }
0x4f: {  	_ =	shalt  }
0x50: {  	_ =	shalt  }
0x51: {  	_ =	shalt  }
0x52: {  	_ =	shalt  }
0x53: {  	_ =	shalt  }
0x54: {  	_ =	shalt  }
0x55: {  	_ =	shalt  }
0x56: {  	_ =	shalt  }
0x57: {  	_ =	shalt  }
0x58: {  	_ =	shalt  }
0x59: {  	_ =	shalt  }
0x5a: {  	_ =	shalt  }
0x5b: {  	_ =	shalt  }
0x5c: {  	_ =	shalt  }
0x5d: {  	_ =	shalt  }
0x5e: {  	_ =	shalt  }
0x5f: {  	_ =	shalt  }
0x60: {  	_ =	shalt  }
0x61: {  	_ =	shalt  }
0x62: {  	_ =	shalt  }
0x63: {  	_ =	shalt  }
0x64: {  	_ =	shalt  }
0x65: {  	_ =	shalt  }
0x66: {  	_ =	shalt  }
0x67: {  	_ =	shalt  }
0x68: {  	_ =	shalt  }
0x69: {  	_ =	shalt  }
0x6a: {  	_ =	shalt  }
0x6b: {  	_ =	shalt  }
0x6c: {  	_ =	shalt  }
0x6d: {  	_ =	shalt  }
0x6e: {  	_ =	shalt  }
0x6f: {  	_ =	shalt  }
0x70: {  	_ =	shalt  }
0x71: {  	_ =	shalt  }
0x72: {  	_ =	shalt  }
0x73: {  	_ =	shalt  }
0x74: {  	_ =	shalt  }
0x75: {  	_ =	shalt  }
0x76: {  	_ =	shalt  }
0x77: {  	_ =	shalt  }
0x78: {  	_ =	shalt  }
0x79: {  	_ =	shalt  }
0x7a: {  	_ =	shalt  }
0x7b: {  	_ =	shalt  }
0x7c: {  	_ =	shalt  }
0x7d: {  	_ =	shalt  }
0x7e: {  	_ =	shalt  }
0x7f: {  	_ =	shalt  }
0x80: {  	_ =	shalt  }
0x81: {  	_ =	shalt  }
0x82: {  	_ =	shalt  }
0x83: {  	_ =	shalt  }
0x84: {  	_ =	shalt  }
0x85: {  	_ =	shalt  }
0x86: {  	_ =	shalt  }
0x87: {  	_ =	shalt  }
.Lfunc_end0:
.L_simem_size_0:
called_computation.1_lowered:
.L_overlay_start_0:
0x88: {  	s2 =	sld [smem:$0x3FD9]  }
0x89: {  	s3 =	sld [smem:$0x3FFE];
	_ =	sdelay $0x1  }
0x8a: {  	s1 =	srdreg.scid  }
0x8b: {  	s0 =	sand.u32 $0x1, s1  }
0x8c: {  	s17 =	sshll.u32 s0, $0xA;
	s2 =	sadd.s32 s3, s2  }
0x8d: {  	s2 =	sadd.s32 s2, s17  }
0x8e: {  	[smem:$0x3FB9] =	sst s2  }
0x8f: {  	_ = 	snop  }
0x90: {  	s18 =	sld [smem:$0x3FC9];
	(tm) =	ssettm $0x1  }
0x91: {  	s19 =	sld [smem:$0x3FFB];
	_ =	sdelay $0x3  }
0x92: {  	_ =	strace s19  }
0x93: {  	s2 =	sld [smem:$0x3FFC];
	_ =	sdelay $0x3  }
0x94: {  	_ =	strace s2  }
0x95: {  	s2 =	sld [smem:$0x3FFD];
	_ =	sdelay $0x3  }
0x96: {  	_ =	strace s2  }
0x97: {  	_ =	strace $0x8FFFFFFF  }
0x98: {  	s20 =	sld [smem:$0x3FDB];
	_ =	sdelay $0x1  }
0x99: {  	s4 =	simm.s32 $_scs_section_size  }
0x9a: {  	s5 =	simm.s32 $_size__tile_overlayer_lowered;
	s6 =	simm.s32 $_tile_overlayer_lowered  }
0x9b: {  	s7 =	simm.s32 $0x1BFF;
	s21 =	sshll.u32 s6, $0x1;
	s4 =	sadd.s32 s4, s20  }
0x9c: {  	s22 =	simm.s32 $0x0;
	s5 =	sshll.u32 s5, $0x1;
	s6 =	sadd.s32 s21, s4  }
0x9d: {  	[timem:s22], [sflag:s7] =	dma.local [hbm:s6], s5  }
0x9e: {  	_ =	swait.ge [sflag:s7], s5  }
0x9f: {  	s5 =	ssub.s32 $0x0, s5;
	[sflag:s7] =	ssyncset.done $0x0  }
0xa0: {  	[sflag:s7] =	ssyncadd.s32 s5;
	_ =	sdelay $0x1  }
0xa1: {  	s23 =	simm.s32 $0x1B8B  }
0xa2: {  	_ =	swait.ge [sflag:s23], $0x1  }
0xa3: {  	[sflag:s23] =	ssyncset.done $0x0  }
0xa4: {  	[sflag:s23] =	ssyncadd.s32 $0xFFFFFFFF  }
0xa5: {  	s5 =	sld [smem:$0x0]  }
0xa6: {  	s6 =	sand.u32 $0xFFFFFFFE, s1  }
0xa7: {  	p0 =	sne.s32 s1, s6  }
0xa8: {  	s6 =	sshll.u32 @p0 s6, $0xE  }
0xa9: {  	s6 =	sadd.s32 @p0 $0x11B8D, s6;
	s7 =	sshll.u32 @p0 s5, $0x11  }
0xaa: {  	s6 =	sor.u32 @p0 s7, s6  }
0xab: {  	[sflag:s6] =	ssyncadd.remote.s32 @p0 $0x1;
	_ =	sdelay $0x1  }
0xac: {  	s6 =	simm.s32 @p0 $0x1B8D  }
0xad: {  	_ =	swait.eq @p0 [sflag:s6], $0x1  }
0xae: {  	[sflag:s6] =	ssyncadd.s32 @p0 $0xFFFFFFFF  }
0xaf: {  	s7 =	sshll.u32 @!p0 s1, $0xE  }
0xb0: {  	s7 =	sor.u32 @!p0 $0x4000, s7;
	s6 =	simm.s32 @!p0 $0x1B8D  }
0xb1: {  	s5 =	sshll.u32 @!p0 s5, $0x11;
	s7 =	sadd.s32 @!p0 $0x11B8D, s7;
	_ =	swait.eq @!p0 [sflag:s6], $0x1  }
0xb2: {  	s5 =	sor.u32 @!p0 s5, s7;
	[sflag:s6] =	ssyncadd.s32 @!p0 $0xFFFFFFFF  }
0xb3: {  	s25 =	simm.s32 $0x1B8E;
	s24 =	sld [smem:$0x3FFE];
	[sflag:s5] =	ssyncadd.remote.s32 @!p0 $0x1  }
0xb4: {  	s26 =	simm.s32 $execute0_lowered;
	[smem:$0x3FD2] =	sst s25  }
0xb5: {  	s6 =	sshll.u32 s26, $0x1;
	_ =	strace $0x80000049;
	[dreg:$0x1] =	wrdreg $0xFFFFFFFF  }
0xb6: {  	s28 =	simm.s32 $_size_execute0_lowered;
	s4 =	sadd.s32 s4, s6;
	[dreg:$0x0] =	wrdreg $0x0  }
0xb7: {  	s6 =	sshll.u32 s28, $0x1;
	[dreg:$0x2] =	wrdreg s4  }
0xb8: {  	[dreg:$0x3] =	wrdreg s6  }
0xb9: {  	[dreg:$0x4] =	wrdreg $0xC0  }
0xba: {  	_ =	task [dreg:s22], $0x5FFFF  }
0xbb: {  	[dreg:$0x1] =	wrdreg $0xFFFFFFFF  }
0xbc: {  	[dreg:$0x0] =	wrdreg $0x60  }
0xbd: {  	[dreg:$0x2] =	wrdreg s18  }
0xbe: {  	[dreg:$0x3] =	wrdreg s24  }
0xbf: {  	[dreg:$0x4] =	wrdreg $0x83000  }
0xc0: {  	[dreg:$0x5] =	wrdreg $0xA  }
0xc1: {  	_ =	task.clear_ibuf [dreg:s22], $0x6FFFF;
	_ =	strace $0x90000049  }
0xc2: {  	s29 =	simm.s32 $0xA;
	_ =	strace $0x8000004B  }
0xc3: {  	_ =	swait.ge [sflag:s29], $0x1  }
0xc4: {  	[sflag:s29] =	ssyncadd.s32 $0xFFFFFFFF  }
0xc5: {  	_ =	strace $0x9000004B  }
0xc6: {  	_ =	sfence  }
0xc7: {  	s30 =	sld [smem:$0x0];
	_ =	sdelay $0x2  }
0xc8: {  	s31 =	sshll.u32 s1, $0xD;
	s1 =	sshrl.u32 s1, $0x2  }
0xc9: {  	s4 =	sand.u32 $0x4000, s31;
	s1 =	sadd.s32 s1, s30  }
0xca: {  	s0 =	sor.u32 s4, s0;
	s1 =	sshll.u32 s1, $0x11  }
0xcb: {  	s0 =	sor.u32 s1, s0  }
0xcc: {  	s0 =	sadd.s32 $0x8F2B, s0  }
0xcd: {  	[sflag:s0] =	ssyncadd.remote.s32 $0x1  }
0xce: {  	_ =	sfence.sel $0xFFFF  }
0xcf: {  	[dreg:$0x0] =	wrdreg $0xFFFFFFFF;
	(pc) =	sbr.abs _section_cstart, $3  }
0xd0: {  	[dreg:$0x1] =	wrdreg $0xFFFFFFFF  }
0xd1: {  	_ =	task.clear_ibuf [dreg:s22], $0x2FFFF;
	_ =	strace $0x9FFFFFFF  }
0xd2: {  	(tm) =	ssettm $0x7FFFFFFF  }
0xd3: {  	_ =	shalt  }
tec
execute0_lowered:
.L_overlay_start_1:
0x0: {  	(tag) =	ssettag $0x1  }
0x1: {  	s2 =	rddreg [dreg:$0x0]  }
0x2: {  	s5 =	rddreg [dreg:$0x1]  }
0x3: {  	s3 =	rddreg [dreg:$0x2];
	s0 =	stileid.u32  }
0x4: {  	s6 =	srdreg.scid;
	s4 =	simm.s32 $0x0;
	s16 =	simm.s32 $0x80  }
0x5: {  	s17 =	simm.s32 $0x300;
	s18 =	simm.s32 $0x100;
	s19 =	simm.s32 $0x4300  }
0x6: {  	s20 =	simm.s32 $0x1;
	s21 =	simm.s32 $0x200;
	s7 =	smul.u32 $0x13C00, s0  }
0x7: {  	s22 =	simm.s32 $0x3;
	s23 =	simm.s32 $0x0;
	s10 =	smul.u32 $0x4F000, s0  }
0x8: {  	s6 =	sand.u32 $0x1, s6;
	[smem:$0x7FF] =	sst s4;
	s29 =	smul.u32 $0x5000, s0  }
0x9: {  	s12 =	sadd.s32 $0x7AA00, s5;
	s30 =	sshll.u32 s0, $0x6;
	s8 =	smul.u32 $0x13C000, s6  }
0xa: {  	_ =	strace $0x8000004A;
	s24 =	sshll.u32 s6, $0x4;
	s25 =	ssub.s32 $0x2, s6  }
0xb: {  	s13 =	smul.u32 $0x50000, s6;
	s6 =	sor.u32 $0x1C04, s30;
	s9 =	sshrl.u32 s7, $0x3  }
0xc: {  	s28 =	sshrl.u32 s25, $0x1;
	s10 =	sshrl.u32 s10, $0x2;
	s9 =	sadd.s32 s9, s5  }
0xd: {  	s7 =	sadd.s32 s7, s8;
	s8 =	sor.u32 s0, s24;
	s14 =	ssub.s32 s25, s28  }
0xe: {  	s31 =	sadd.s32 s29, s13;
	s7 =	sshrl.u32 s7, $0x3;
	s26 =	smul.u32 $0x5000, s8  }
0xf: {  	s15 =	sadd.s32 s10, s3;
	s13 =	sor.u32 $0x300, s31;
	s11 =	sadd.s32 s7, s5  }
0x10: {  	s5 =	sadd.s32 $0x4200, s9;
	s13 =	sshrl.u32 s13, $0x3;
	s7 =	sshrl.u32 s26, $0x3  }
0x11: {  	s10 =	sadd.s32 $0x8EA00, s11;
	s11 =	smax.u32 s14, $0x1;
	s14 =	simm.s32 $0x4  }
0x12: {  	s7 =	sadd.s32 s12, s7;
	s12 =	sadd.s32 s13, s12;
	s13 =	sshrl.u32 s15, $0x3  }
0x13: {  	s15 =	simm.s32 $0x2;
	s8 =	sadd.s32 $0x20, s7;
	s9 =	sadd.s32 $0x40, s7  }
.LBB2_1:
0x14: {  	[spmem:s13], [sflag:s6] =	dma.local [hbm:s5], $0x2780  }
0x15: {  	_ =	swait.ge [sflag:s14], $0x2780  }
0x16: {  	[sflag:s14] =	ssyncset.done $0x0  }
0x17: {  	[sflag:s14] =	ssyncadd.s32 $0xFFFFD880  }
0x18: {  	[bflag:$0x0] =	sbarrier.arrive $0xFFFF  }
0x19: {  	[tilespmem:s4], [sflag:$0x2] =	stream.linear.gather [hbm4b:s7+s4], $0x100, $0x38;
	[tilespmem:$0x1BF00] =	vst v63  }
0x1a: {  	_ =	swait.ge [sflag:s15], $0x100  }
0x1b: {  	[sflag:s15] =	ssyncset.done $0x0  }
0x1c: {  	[sflag:s15] =	ssyncadd.s32 $0xFFFFFF00  }
0x1d: {  	[tilespmem:s17], [sflag:$0x1] =	stream.indirect.gather [hbm4b:s2+s16], $0x80, s4, s16, $0xb8;
	[tilespmem:$0x1BF00] =	vst v63  }
0x1e: {  	_ = 	snop  }
0x1f: {  	[tilespmem:s18], [sflag:$0x2] =	stream.linear.gather [hbm4b:s8+s4], $0x100, $0x38;
	[tilespmem:$0x1BF00] =	vst v63  }
0x20: {  	_ =	swait.ge [sflag:s15], $0x100  }
0x21: {  	[sflag:s15] =	ssyncset.done $0x0  }
0x22: {  	s24 =	simm.s32 $0x2;
	[sflag:s15] =	ssyncadd.s32 $0xFFFFFF00  }
0x23: {  	[tilespmem:s19], [sflag:$0x1] =	stream.indirect.gather [hbm4b:s2+s16], $0x80, s18, s16, $0xb8;
	[tilespmem:$0x1BF00] =	vst v63  }
0x24: {  	s25 =	smul.u32 $0xAB, s22;
	s26 =	simm.s32 $0x1;
	_ =	swait.ge [sflag:s20], $0x4000  }
0x25: {  	s24 =	sand.u32 $0xFF, s24;
	s26 =	sand.u32 $0x1, s26;
	[sflag:s20] =	ssyncset.done $0x0  }
0x26: {  	s24 =	smul.u32 $0xAB, s24;
	s28 =	sadd.s32 $0xFFFFFEAA, s25;
	[sflag:s20] =	ssyncadd.s32 $0xFFFFC000  }
0x27: {  	[spmem:s3] =	stream.indirect.scatter.add.f32 [tilespmem:s17], [sflag:$0x3], $0x80, s16, s16, $0xb8;
	[tilespmem:$0x1BF00] =	vst v63  }
0x28: {  	s25 =	sshrl.u32 s25, $0x9;
	s26 =	sshll.u32 s26, $0xE;
	s28 =	sshrl.u32 s28, $0x9  }
0x29: {  	[tilespmem:s21], [sflag:$0x2] =	stream.linear.gather [hbm4b:s9+s4], $0x100, $0x38;
	[tilespmem:$0x1BF00] =	vst v63  }
0x2a: {  	s25 =	sand.u32 $0x7F, s25;
	s24 =	sshrl.u32 s24, $0x9;
	_ =	swait.ge [sflag:s15], $0x100  }
0x2b: {  	s29 =	sxor.u32 $0x4300, s26;
	s24 =	smul.u32 $0x3, s24;
	[sflag:s15] =	ssyncset.done $0x0  }
0x2c: {  	s26 =	sor.u32 $0x300, s26;
	s28 =	sand.u32 $0x7F, s28;
	[sflag:s15] =	ssyncadd.s32 $0xFFFFFF00  }
0x2d: {  	s28 =	smul.u32 $0x3, s28;
	s24 =	ssub.s32 $0x2, s24;
	_ =	swait.ge [sflag:s22], $0x4000  }
0x2e: {  	s25 =	smul.u32 $0x3, s25;
	s24 =	sand.u32 $0xFF, s24;
	[sflag:s22] =	ssyncset.done $0x0  }
0x2f: {  	s28 =	ssub.s32 $0x1, s28;
	s24 =	sshll.u32 s24, $0x8;
	[sflag:s22] =	ssyncadd.s32 $0xFFFFC000  }
0x30: {  	[tilespmem:s29], [sflag:$0x1] =	stream.indirect.gather [hbm4b:s2+s16], $0x80, s24, s16, $0xb8;
	[tilespmem:$0x1BF00] =	vst v63  }
0x31: {  	s25 =	ssub.s32 $0x3, s25;
	s31 =	sand.u32 $0xFF, s28;
	_ =	swait.ge [sflag:s20], $0x4000  }
0x32: {  	s25 =	sand.u32 $0xFF, s25;
	s24 =	sshll.u32 s31, $0x8;
	[sflag:s20] =	ssyncset.done $0x0  }
0x33: {  	s28 =	sshll.u32 s25, $0x8;
	s24 =	sor.u32 $0x80, s24;
	[sflag:s20] =	ssyncadd.s32 $0xFFFFC000  }
0x34: {  	[spmem:s3] =	stream.indirect.scatter.add.f32 [tilespmem:s26], [sflag:$0x3], $0x80, s24, s16, $0xb8;
	[tilespmem:$0x1BF00] =	vst v63  }
0x35: {  	s25 =	smov.u32 s12;
	s24 =	simm.s32 $0x4;
	s26 =	smov.u32 s12  }
.LBB2_2:
0x36: {  	p0 =	sne.s32 s24, $0x4F  }
0x37: {  	s25 =	sadd.s32 $0x20, s25;
	s29 =	smov.u32 s24;
	s24 =	sadd.s32 $0x1, s24  }
0x38: {  	[tilespmem:s28], [sflag:$0x2] =	stream.linear.gather [hbm4b:s26+s4], $0x100, $0x38;
	[tilespmem:$0x1BF00] =	vst v63  }
0x39: {  	s28 =	sadd.s32 $0xFFFFFFFF, s29;
	s26 =	smov.u32 s25;
	_ =	swait.ge [sflag:s15], $0x100  }
0x3a: {  	s30 =	sand.u32 $0xFF, s28;
	[sflag:s15] =	ssyncset.done $0x0  }
0x3b: {  	s30 =	smul.u32 $0xAB, s30;
	[sflag:s15] =	ssyncadd.s32 $0xFFFFFF00  }
0x3c: {  	s31 =	smul.u32 $0xAB, s29  }
0x3d: {  	s0 =	sadd.s32 $0xFFFFFFFE, s29;
	s30 =	sshrl.u32 s30, $0x9;
	_ =	swait.ge [sflag:s22], $0x4000  }
0x3e: {  	s1 =	sadd.s32 $0xFFFFFEAA, s31;
	s31 =	sshrl.u32 s31, $0x9;
	s30 =	smul.u32 $0x3, s30  }
0x3f: {  	s1 =	sshrl.u32 s1, $0x9;
	s31 =	sand.u32 $0x7F, s31;
	[sflag:s22] =	ssyncset.done $0x0  }
0x40: {  	s1 =	sand.u32 $0x7F, s1;
	s28 =	ssub.s32 s28, s30;
	s30 =	smul.u32 $0x3, s31  }
0x41: {  	s1 =	smul.u32 $0x3, s1;
	s31 =	sand.u32 $0x1, s0;
	s28 =	sand.u32 $0xFF, s28  }
0x42: {  	s31 =	sshll.u32 s31, $0xE;
	s28 =	sshll.u32 s28, $0x8;
	s29 =	ssub.s32 s29, s30  }
0x43: {  	s0 =	ssub.s32 s0, s1;
	s1 =	sxor.u32 $0x4300, s31;
	[sflag:s22] =	ssyncadd.s32 $0xFFFFC000  }
0x44: {  	[tilespmem:s1], [sflag:$0x1] =	stream.indirect.gather [hbm4b:s2+s16], $0x80, s28, s16, $0xb8;
	[tilespmem:$0x1BF00] =	vst v63  }
.Ltmp0:
0x45: {  	_ = 	snop;
	(pc) =	sbr.rel @p0 .LBB2_2-.Ltmp0, $4  }
0x46: {  	s0 =	sand.u32 $0xFF, s0;
	s1 =	sor.u32 $0x300, s31;
	_ =	swait.ge [sflag:s20], $0x4000  }
0x47: {  	s0 =	sshll.u32 s0, $0x8;
	s28 =	sand.u32 $0xFF, s29;
	[sflag:s20] =	ssyncset.done $0x0  }
0x48: {  	s0 =	sor.u32 $0x80, s0;
	s28 =	sshll.u32 s28, $0x8;
	[sflag:s20] =	ssyncadd.s32 $0xFFFFC000  }
0x49: {  	[spmem:s3] =	stream.indirect.scatter.add.f32 [tilespmem:s1], [sflag:$0x3], $0x80, s0, s16, $0xb8;
	[tilespmem:$0x1BF00] =	vst v63  }
0x4a: {  	[tilespmem:s28], [sflag:$0x2] =	stream.linear.gather [hbm4b:s26+s4], $0x100, $0x38;
	[tilespmem:$0x1BF00] =	vst v63  }
0x4b: {  	_ =	swait.ge [sflag:s22], $0x4000  }
0x4c: {  	[sflag:s22] =	ssyncset.done $0x0  }
0x4d: {  	[sflag:s22] =	ssyncadd.s32 $0xFFFFC000  }
0x4e: {  	_ =	swait.ge [sflag:s20], $0x4000  }
0x4f: {  	[sflag:s20] =	ssyncset.done $0x0  }
0x50: {  	[sflag:s20] =	ssyncadd.s32 $0xFFFFC000  }
0x51: {  	[spmem:s3] =	stream.indirect.scatter.add.f32 [tilespmem:s17], [sflag:$0x3], $0x80, s16, s16, $0xb8;
	[tilespmem:$0x1BF00] =	vst v63  }
0x52: {  	_ =	swait.ge [sflag:s22], $0x4000  }
0x53: {  	[sflag:s22] =	ssyncset.done $0x0  }
0x54: {  	[sflag:s22] =	ssyncadd.s32 $0xFFFFC000  }
0x55: {  	_ =	swait.ge [sflag:s15], $0x100  }
0x56: {  	s23 =	sadd.s32 $0x1, s23;
	[sflag:s15] =	ssyncset.done $0x0  }
0x57: {  	p0 =	sne.s32 s23, s11;
	[sflag:s15] =	ssyncadd.s32 $0xFFFFFF00  }
.Ltmp1:
0x58: {  	[bflag:$0x0] =	sbarrier.arrive $0xFFFF;
	(pc) =	sbr.rel @p0 .LBB2_1-.Ltmp1, $4  }
0x59: {  	[hbm:s10], [sflag:s6] =	dma.local [spmem:s13], $0x2780  }
0x5a: {  	_ =	swait.ge [sflag:s14], $0x2780  }
0x5b: {  	[sflag:s14] =	ssyncset.done $0x0  }
0x5c: {  	[sflag:s14] =	ssyncadd.s32 $0xFFFFD880  }
0x5d: {  	_ =	sfence.sel $0x180000  }
0x5e: {  	[bflag:$0x0] =	sbarrier.arrive $0xFFFF  }
0x5f: {  	_ =	strace $0x9000004A  }
0x60: {  	s0 =	stileid.u32;
	[bflag:$0x2] =	sbarrier.arrive $0xFFFF  }
0x61: {  	p0 =	sne.s32 s0, $0x0;
	s0 =	rddreg [dreg:$0x3]  }
0x62: {  	s0 =	sadd.s32 @!p0 $0x100000, s0  }
0x63: {  	[sflag:s0] =	ssyncadd.tile.s32 @!p0 $0x1;
	_ =	shalt  }
.Lfunc_end2:
_tile_overlayer_lowered:
.L_overlay_start_2:
0x64: {  	(tag) =	ssettag $0x2  }
0x65: {  	s0 =	rddreg [dreg:$0x0];
	s2 =	stileid.u32  }
0x66: {  	s1 =	rddreg [dreg:$0x1];
	p0 =	sne.s32 s2, $0x0  }
0x67: {  	s3 =	rddreg [dreg:$0x2];
	[bflag:$0x3] =	sbarrier.arrive $0xFFFF;
	s2 =	simm.s32 @!p0 $0x1C04  }
0x68: {  	[timem:s3], [sflag:s2] =	dma.local @!p0 [hbm:s0], s1  }
0x69: {  	s0 =	simm.s32 @!p0 $0x4  }
0x6a: {  	_ =	swait.ge @!p0 [sflag:s0], s1  }
0x6b: {  	s1 =	ssub.s32 @!p0 $0x0, s1;
	[sflag:s0] =	ssyncset.done @!p0 $0x0  }
0x6c: {  	[sflag:s0] =	ssyncadd.s32 @!p0 s1  }
0x6d: {  	[bflag:$0x3] =	sbarrier.arrive $0xFFFF  }
0x6e: {  	_ =	shalt  }

// kernel: kernel.15.cloned.1.call-start
scs
__scs_entry_jumppad:
0x0: {  	(pc) =	sbr.rel $0x88, $3  }
0x1: {  	(tag) =	ssettag $0x0;
	lr =	simm.s32 $0x1  }
0x2: {  	[smem:$0x3F92] =	sst lr;
	_ =	strace $0xD0000000  }
0x3: {  	_ = 	snop  }
0x4: {  	_ = 	snop  }
0x5: {  	_ = 	snop  }
0x6: {  	_ = 	snop  }
0x7: {  	_ = 	snop  }
__scs_overlays_trampoline_lowered:
0x8: {  	[smem:$0x3FA1] =	sst s0  }
0x9: {  	[smem:$0x3FA2] =	sst s1  }
0xa: {  	[smem:$0x3FA3] =	sst s2  }
0xb: {  	[smem:$0x3FA4] =	sst s3  }
0xc: {  	[smem:$0x3FA5] =	sst s4  }
0xd: {  	[smem:$0x3FA6] =	sst s5  }
0xe: {  	[smem:$0x3FA7] =	sst s6  }
0xf: {  	[smem:$0x3FA8] =	sst s7  }
0x10: {  	[smem:$0x3FA9] =	sst s8  }
0x11: {  	[smem:$0x3FAA] =	sst s9;
	s0 =	simm.s32 @!p0 $0x0  }
0x12: {  	s1 =	sld [smem:$0x3F90];
	s0 =	simm.s32 @p0 $0x1  }
0x13: {  	[smem:$0x3FAB] =	sst s0;
	s0 =	simm.s32 @!p1 $0x0  }
0x14: {  	s2 =	sld [smem:$0x3F8F];
	s0 =	simm.s32 @p1 $0x1  }
0x15: {  	[smem:$0x3FAC] =	sst s0;
	s0 =	simm.s32 @!p2 $0x0  }
0x16: {  	s3 =	sld [smem:$0x3FDB];
	s0 =	simm.s32 @p2 $0x1  }
0x17: {  	s4 =	simm.s32 $0x1BF5;
	[smem:$0x3FAE] =	sst s0  }
0x18: {  	s0 =	sld [smem:$0x3F91];
	_ =	swait.ge [sflag:s4], $0x0  }
0x19: {  	s7 =	sld [smem:$0x3F92]  }
0x1a: {  	s8 =	sadd.s32 $0xFFFFE003, lr  }
0x1b: {  	s9 =	sadd.s32 $0xFFFFFEF7, lr;
	s5 =	simm.s32 $0xFFFFFFFF;
	p2 =	slt.u32 s8, $0xFFFFF086  }
0x1c: {  	p1 =	slt.u32 s9, $0xF7A;
	s5 =	simm.s32 @!p2 $0x0  }
0x1d: {  	s5 =	simm.s32 @p1 $0x1;
	p0 =	seq.s32 s7, s2  }
0x1e: {  	s7 =	smul.u32 @!p0 $0xF7A, s2;
	p2 =	seq.s32 @!p0 s5, $0x0  }
0x1f: {  	s9 =	smul.u32 $0xF7A, s1;
	s8 =	simm.s32 @!p0 $0x1BF5;
	p2 =	por !p2, p0  }
0x20: {  	[sflag:s8] =	ssyncset.s32 @!p0 $0xFFFFF086;
	s6 =	sadd.s32 @!p0 s3, s7;
	s7 =	simm.s32 @!p0 $0x108  }
0x21: {  	s3 =	sadd.s32 s3, s9;
	s6 =	sadd.s32 @!p0 $0x88, s6;
	s7 =	simm.s32 @p2 $0x1082  }
0x22: {  	[simem:s7], [sflag:s8] =	dma.local @!p0 [hbm:s6], $0xF7A  }
0x23: {  	s9 =	sor.u32 $0xD0000000, s2;
	s6 =	simm.s32 $0x108;
	_ =	swait.ge @!p0 [sflag:s8], $0x0  }
0x24: {  	s3 =	sadd.s32 $0x88, s3;
	s6 =	simm.s32 @!p1 $0x1082;
	[sflag:s4] =	ssyncset.s32 $0xFFFFF086  }
0x25: {  	[simem:s6], [sflag:s4] =	dma.local [hbm:s3], $0xF7A  }
0x26: {  	[smem:$0x3F92] =	sst s1;
	(tag) =	ssettag s2;
	_ =	strace s9  }
0x27: {  	s1 =	sld [smem:$0x3FA2]  }
0x28: {  	s2 =	sld [smem:$0x3FA3]  }
0x29: {  	s4 =	sld [smem:$0x3FA5]  }
0x2a: {  	p0 =	seq.s32 s5, $0x0;
	s5 =	sld [smem:$0x3FA6]  }
0x2b: {  	s6 =	sld [smem:$0x3FA7]  }
0x2c: {  	s7 =	sld [smem:$0x3FA8]  }
0x2d: {  	s3 =	simm.s32 $0x108;
	s8 =	sld [smem:$0x3FA9]  }
0x2e: {  	s3 =	simm.s32 @!p0 $0x1082;
	s9 =	sld [smem:$0x3FAA]  }
0x2f: {  	lr =	sadd.s32 s0, s3;
	s0 =	sld [smem:$0x3FA1]  }
0x30: {  	s3 =	sld [smem:$0x3FA4]  }
0x31: {  	[smem:$0x3FAD] =	sst s10  }
0x32: {  	s10 =	sld [smem:$0x3FAB];
	_ =	sdelay $0x3  }
0x33: {  	p0 =	seq.s32 s10, $0x1;
	s10 =	sld [smem:$0x3FAD];
	_ =	sdelay $0x3  }
0x34: {  	[smem:$0x3FAD] =	sst s10  }
0x35: {  	s10 =	sld [smem:$0x3FAC];
	_ =	sdelay $0x3  }
0x36: {  	p1 =	seq.s32 s10, $0x1;
	s10 =	sld [smem:$0x3FAD];
	_ =	sdelay $0x3  }
0x37: {  	[smem:$0x3FAD] =	sst s10  }
0x38: {  	s10 =	sld [smem:$0x3FAE]  }
0x39: {  	_ = 	snop;
	(pc) =	sbr.ind lr, $3  }
0x3a: {  	_ = 	snop  }
0x3b: {  	_ = 	snop  }
0x3c: {  	p2 =	seq.s32 s10, $0x1;
	s10 =	sld [smem:$0x3FAD]  }
0x3d: {  	_ =	shalt  }
0x3e: {  	_ =	shalt  }
0x3f: {  	_ =	shalt  }
0x40: {  	_ =	shalt  }
0x41: {  	_ =	shalt  }
0x42: {  	_ =	shalt  }
0x43: {  	_ =	shalt  }
0x44: {  	_ =	shalt  }
0x45: {  	_ =	shalt  }
0x46: {  	_ =	shalt  }
0x47: {  	_ =	shalt  }
0x48: {  	_ =	shalt  }
0x49: {  	_ =	shalt  }
0x4a: {  	_ =	shalt  }
0x4b: {  	_ =	shalt  }
0x4c: {  	_ =	shalt  }
0x4d: {  	_ =	shalt  }
0x4e: {  	_ =	shalt  }
0x4f: {  	_ =	shalt  }
0x50: {  	_ =	shalt  }
0x51: {  	_ =	shalt  }
0x52: {  	_ =	shalt  }
0x53: {  	_ =	shalt  }
0x54: {  	_ =	shalt  }
0x55: {  	_ =	shalt  }
0x56: {  	_ =	shalt  }
0x57: {  	_ =	shalt  }
0x58: {  	_ =	shalt  }
0x59: {  	_ =	shalt  }
0x5a: {  	_ =	shalt  }
0x5b: {  	_ =	shalt  }
0x5c: {  	_ =	shalt  }
0x5d: {  	_ =	shalt  }
0x5e: {  	_ =	shalt  }
0x5f: {  	_ =	shalt  }
0x60: {  	_ =	shalt  }
0x61: {  	_ =	shalt  }
0x62: {  	_ =	shalt  }
0x63: {  	_ =	shalt  }
0x64: {  	_ =	shalt  }
0x65: {  	_ =	shalt  }
0x66: {  	_ =	shalt  }
0x67: {  	_ =	shalt  }
0x68: {  	_ =	shalt  }
0x69: {  	_ =	shalt  }
0x6a: {  	_ =	shalt  }
0x6b: {  	_ =	shalt  }
0x6c: {  	_ =	shalt  }
0x6d: {  	_ =	shalt  }
0x6e: {  	_ =	shalt  }
0x6f: {  	_ =	shalt  }
0x70: {  	_ =	shalt  }
0x71: {  	_ =	shalt  }
0x72: {  	_ =	shalt  }
0x73: {  	_ =	shalt  }
0x74: {  	_ =	shalt  }
0x75: {  	_ =	shalt  }
0x76: {  	_ =	shalt  }
0x77: {  	_ =	shalt  }
0x78: {  	_ =	shalt  }
0x79: {  	_ =	shalt  }
0x7a: {  	_ =	shalt  }
0x7b: {  	_ =	shalt  }
0x7c: {  	_ =	shalt  }
0x7d: {  	_ =	shalt  }
0x7e: {  	_ =	shalt  }
0x7f: {  	_ =	shalt  }
0x80: {  	_ =	shalt  }
0x81: {  	_ =	shalt  }
0x82: {  	_ =	shalt  }
0x83: {  	_ =	shalt  }
0x84: {  	_ =	shalt  }
0x85: {  	_ =	shalt  }
0x86: {  	_ =	shalt  }
0x87: {  	_ =	shalt  }
.Lfunc_end0:
.L_simem_size_0:
called_computation.2_lowered:
.L_overlay_start_0:
0x88: {  	s2 =	sld [smem:$0x3FD9]  }
0x89: {  	s3 =	sld [smem:$0x3FFE];
	_ =	sdelay $0x1  }
0x8a: {  	s1 =	srdreg.scid  }
0x8b: {  	s0 =	sand.u32 $0x1, s1  }
0x8c: {  	s17 =	sshll.u32 s0, $0xA;
	s2 =	sadd.s32 s3, s2  }
0x8d: {  	s2 =	sadd.s32 s2, s17  }
0x8e: {  	[smem:$0x3FB9] =	sst s2  }
0x8f: {  	_ = 	snop  }
0x90: {  	s2 =	sld [smem:$0x3FD0];
	(tm) =	ssettm $0x1  }
0x91: {  	s18 =	sld [smem:$0x3FFB];
	_ =	sdelay $0x3  }
0x92: {  	_ =	strace s18  }
0x93: {  	s3 =	sld [smem:$0x3FFC];
	_ =	sdelay $0x3  }
0x94: {  	_ =	strace s3  }
0x95: {  	s3 =	sld [smem:$0x3FFD];
	_ =	sdelay $0x3  }
0x96: {  	_ =	strace s3  }
0x97: {  	_ =	strace $0x8FFFFFFF  }
0x98: {  	s19 =	sld [smem:$0x3FDB];
	_ =	sdelay $0x1  }
0x99: {  	s4 =	simm.s32 $_scs_section_size  }
0x9a: {  	s5 =	simm.s32 $_size__tile_overlayer_lowered;
	s6 =	simm.s32 $_tile_overlayer_lowered  }
0x9b: {  	s22 =	simm.s32 $0x1BFF;
	s21 =	sshll.u32 s6, $0x1;
	s3 =	sadd.s32 s4, s19  }
0x9c: {  	s7 =	simm.s32 $0x0;
	s20 =	sshll.u32 s5, $0x1;
	s5 =	sadd.s32 s21, s3  }
0x9d: {  	[timem:s7], [sflag:s22] =	dma.local [hbm:s5], s20  }
0x9e: {  	_ =	swait.ge [sflag:s22], s20  }
0x9f: {  	s4 =	ssub.s32 $0x0, s20;
	[sflag:s22] =	ssyncset.done $0x0  }
0xa0: {  	[sflag:s22] =	ssyncadd.s32 s4;
	_ =	sdelay $0x1  }
0xa1: {  	s23 =	simm.s32 $0x1B8B  }
0xa2: {  	_ =	swait.ge [sflag:s23], $0x1  }
0xa3: {  	[sflag:s23] =	ssyncset.done $0x0  }
0xa4: {  	s25 =	simm.s32 $0x1B8E;
	s24 =	sld [smem:$0x3FFE];
	[sflag:s23] =	ssyncadd.s32 $0xFFFFFFFF  }
0xa5: {  	s26 =	simm.s32 $execute0_lowered;
	[smem:$0x3FD2] =	sst s25  }
0xa6: {  	s5 =	sshll.u32 s26, $0x1;
	_ =	strace $0x8000004C;
	[dreg:$0x1] =	wrdreg $0xFFFFFFFF  }
0xa7: {  	s28 =	simm.s32 $_size_execute0_lowered;
	s3 =	sadd.s32 s3, s5;
	[dreg:$0x0] =	wrdreg $0x0  }
0xa8: {  	s5 =	sshll.u32 s28, $0x1;
	[dreg:$0x2] =	wrdreg s3  }
0xa9: {  	[dreg:$0x3] =	wrdreg s5  }
0xaa: {  	[dreg:$0x4] =	wrdreg $0xC0  }
0xab: {  	_ =	task [dreg:s7], $0x5FFFF  }
0xac: {  	[dreg:$0x1] =	wrdreg $0xFFFFFFFF  }
0xad: {  	[dreg:$0x0] =	wrdreg $0x60  }
0xae: {  	[dreg:$0x2] =	wrdreg s2  }
0xaf: {  	[dreg:$0x3] =	wrdreg s24  }
0xb0: {  	[dreg:$0x4] =	wrdreg $0x83000  }
0xb1: {  	[dreg:$0x5] =	wrdreg $0x9  }
0xb2: {  	_ =	task.clear_ibuf [dreg:s7], $0x6FFFF;
	_ =	strace $0x9000004C  }
0xb3: {  	s29 =	simm.s32 $0x9;
	_ =	strace $0x8000004E  }
0xb4: {  	_ =	swait.ge [sflag:s29], $0x1  }
0xb5: {  	[sflag:s29] =	ssyncadd.s32 $0xFFFFFFFF  }
0xb6: {  	_ =	strace $0x9000004E  }
0xb7: {  	_ =	sfence  }
0xb8: {  	s30 =	sld [smem:$0x0];
	_ =	sdelay $0x2  }
0xb9: {  	s31 =	sshll.u32 s1, $0xD;
	s1 =	sshrl.u32 s1, $0x2  }
0xba: {  	s3 =	sand.u32 $0x4000, s31;
	s1 =	sadd.s32 s1, s30  }
0xbb: {  	s0 =	sor.u32 s3, s0;
	s1 =	sshll.u32 s1, $0x11  }
0xbc: {  	s0 =	sor.u32 s1, s0  }
0xbd: {  	s0 =	sadd.s32 $0x8F2B, s0  }
0xbe: {  	[sflag:s0] =	ssyncadd.remote.s32 $0x1  }
0xbf: {  	_ =	sfence.sel $0xFFFF  }
0xc0: {  	[dreg:$0x0] =	wrdreg $0xFFFFFFFF;
	(pc) =	sbr.abs _section_cstart, $3  }
0xc1: {  	[dreg:$0x1] =	wrdreg $0xFFFFFFFF  }
0xc2: {  	_ =	task.clear_ibuf [dreg:s7], $0x2FFFF;
	_ =	strace $0x9FFFFFFF  }
0xc3: {  	(tm) =	ssettm $0x7FFFFFFF  }
tec
execute0_lowered:
.L_overlay_start_1:
0x0: {  	(tag) =	ssettag $0x1  }
0x1: {  	s2 =	rddreg [dreg:$0x0]  }
0x2: {  	s5 =	rddreg [dreg:$0x1]  }
0x3: {  	s3 =	rddreg [dreg:$0x2];
	s0 =	stileid.u32  }
0x4: {  	s6 =	srdreg.scid;
	s4 =	simm.s32 $0x0;
	s16 =	simm.s32 $0x80  }
0x5: {  	s17 =	simm.s32 $0x300;
	s18 =	simm.s32 $0x100;
	s19 =	simm.s32 $0x4300  }
0x6: {  	s20 =	simm.s32 $0x1;
	s21 =	simm.s32 $0x200;
	s7 =	smul.u32 $0x13C00, s0  }
0x7: {  	s22 =	simm.s32 $0x3;
	s23 =	simm.s32 $0x0;
	s10 =	smul.u32 $0x4F000, s0  }
0x8: {  	s6 =	sand.u32 $0x1, s6;
	[smem:$0x7FF] =	sst s4;
	s29 =	smul.u32 $0x5000, s0  }
0x9: {  	s12 =	sadd.s32 $0x7AA00, s5;
	s30 =	sshll.u32 s0, $0x6;
	s8 =	smul.u32 $0x13C000, s6  }
0xa: {  	_ =	strace $0x8000004D;
	s24 =	sshll.u32 s6, $0x4;
	s25 =	ssub.s32 $0x2, s6  }
0xb: {  	s13 =	smul.u32 $0x50000, s6;
	s6 =	sor.u32 $0x1C04, s30;
	s9 =	sshrl.u32 s7, $0x3  }
0xc: {  	s28 =	sshrl.u32 s25, $0x1;
	s10 =	sshrl.u32 s10, $0x2;
	s9 =	sadd.s32 s9, s5  }
0xd: {  	s7 =	sadd.s32 s7, s8;
	s8 =	sor.u32 s0, s24;
	s14 =	ssub.s32 s25, s28  }
0xe: {  	s31 =	sadd.s32 s29, s13;
	s7 =	sshrl.u32 s7, $0x3;
	s26 =	smul.u32 $0x5000, s8  }
0xf: {  	s15 =	sadd.s32 s10, s3;
	s13 =	sor.u32 $0x300, s31;
	s11 =	sadd.s32 s7, s5  }
0x10: {  	s5 =	sadd.s32 $0x4200, s9;
	s13 =	sshrl.u32 s13, $0x3;
	s7 =	sshrl.u32 s26, $0x3  }
0x11: {  	s10 =	sadd.s32 $0x8EA00, s11;
	s11 =	smax.u32 s14, $0x1;
	s14 =	simm.s32 $0x4  }
0x12: {  	s7 =	sadd.s32 s12, s7;
	s12 =	sadd.s32 s13, s12;
	s13 =	sshrl.u32 s15, $0x3  }
0x13: {  	s15 =	simm.s32 $0x2;
	s8 =	sadd.s32 $0x20, s7;
	s9 =	sadd.s32 $0x40, s7  }
.LBB2_1:
0x14: {  	[spmem:s13], [sflag:s6] =	dma.local [hbm:s5], $0x2780  }
0x15: {  	_ =	swait.ge [sflag:s14], $0x2780  }
0x16: {  	[sflag:s14] =	ssyncset.done $0x0  }
0x17: {  	[sflag:s14] =	ssyncadd.s32 $0xFFFFD880  }
0x18: {  	[bflag:$0x0] =	sbarrier.arrive $0xFFFF  }
0x19: {  	[tilespmem:s4], [sflag:$0x2] =	stream.linear.gather [hbm4b:s7+s4], $0x100, $0x38;
	[tilespmem:$0x1BF00] =	vst v63  }
0x1a: {  	_ =	swait.ge [sflag:s15], $0x100  }
0x1b: {  	[sflag:s15] =	ssyncset.done $0x0  }
0x1c: {  	[sflag:s15] =	ssyncadd.s32 $0xFFFFFF00  }
0x1d: {  	[tilespmem:s17], [sflag:$0x1] =	stream.indirect.gather [hbm4b:s2+s16], $0x80, s4, s16, $0xb8;
	[tilespmem:$0x1BF00] =	vst v63  }
0x1e: {  	_ = 	snop  }
0x1f: {  	[tilespmem:s18], [sflag:$0x2] =	stream.linear.gather [hbm4b:s8+s4], $0x100, $0x38;
	[tilespmem:$0x1BF00] =	vst v63  }
0x20: {  	_ =	swait.ge [sflag:s15], $0x100  }
0x21: {  	[sflag:s15] =	ssyncset.done $0x0  }
0x22: {  	s24 =	simm.s32 $0x2;
	[sflag:s15] =	ssyncadd.s32 $0xFFFFFF00  }
0x23: {  	[tilespmem:s19], [sflag:$0x1] =	stream.indirect.gather [hbm4b:s2+s16], $0x80, s18, s16, $0xb8;
	[tilespmem:$0x1BF00] =	vst v63  }
0x24: {  	s25 =	smul.u32 $0xAB, s22;
	s26 =	simm.s32 $0x1;
	_ =	swait.ge [sflag:s20], $0x4000  }
0x25: {  	s24 =	sand.u32 $0xFF, s24;
	s26 =	sand.u32 $0x1, s26;
	[sflag:s20] =	ssyncset.done $0x0  }
0x26: {  	s24 =	smul.u32 $0xAB, s24;
	s28 =	sadd.s32 $0xFFFFFEAA, s25;
	[sflag:s20] =	ssyncadd.s32 $0xFFFFC000  }
0x27: {  	[spmem:s3] =	stream.indirect.scatter.add.f32 [tilespmem:s17], [sflag:$0x3], $0x80, s16, s16, $0xb8;
	[tilespmem:$0x1BF00] =	vst v63  }
0x28: {  	s25 =	sshrl.u32 s25, $0x9;
	s26 =	sshll.u32 s26, $0xE;
	s28 =	sshrl.u32 s28, $0x9  }
0x29: {  	[tilespmem:s21], [sflag:$0x2] =	stream.linear.gather [hbm4b:s9+s4], $0x100, $0x38;
	[tilespmem:$0x1BF00] =	vst v63  }
0x2a: {  	s25 =	sand.u32 $0x7F, s25;
	s24 =	sshrl.u32 s24, $0x9;
	_ =	swait.ge [sflag:s15], $0x100  }
0x2b: {  	s29 =	sxor.u32 $0x4300, s26;
	s24 =	smul.u32 $0x3, s24;
	[sflag:s15] =	ssyncset.done $0x0  }
0x2c: {  	s26 =	sor.u32 $0x300, s26;
	s28 =	sand.u32 $0x7F, s28;
	[sflag:s15] =	ssyncadd.s32 $0xFFFFFF00  }
0x2d: {  	s28 =	smul.u32 $0x3, s28;
	s24 =	ssub.s32 $0x2, s24;
	_ =	swait.ge [sflag:s22], $0x4000  }
0x2e: {  	s25 =	smul.u32 $0x3, s25;
	s24 =	sand.u32 $0xFF, s24;
	[sflag:s22] =	ssyncset.done $0x0  }
0x2f: {  	s28 =	ssub.s32 $0x1, s28;
	s24 =	sshll.u32 s24, $0x8;
	[sflag:s22] =	ssyncadd.s32 $0xFFFFC000  }
0x30: {  	[tilespmem:s29], [sflag:$0x1] =	stream.indirect.gather [hbm4b:s2+s16], $0x80, s24, s16, $0xb8;
	[tilespmem:$0x1BF00] =	vst v63  }
0x31: {  	s25 =	ssub.s32 $0x3, s25;
	s31 =	sand.u32 $0xFF, s28;
	_ =	swait.ge [sflag:s20], $0x4000  }
0x32: {  	s25 =	sand.u32 $0xFF, s25;
	s24 =	sshll.u32 s31, $0x8;
	[sflag:s20] =	ssyncset.done $0x0  }
0x33: {  	s28 =	sshll.u32 s25, $0x8;
	s24 =	sor.u32 $0x80, s24;
	[sflag:s20] =	ssyncadd.s32 $0xFFFFC000  }
0x34: {  	[spmem:s3] =	stream.indirect.scatter.add.f32 [tilespmem:s26], [sflag:$0x3], $0x80, s24, s16, $0xb8;
	[tilespmem:$0x1BF00] =	vst v63  }
0x35: {  	s25 =	smov.u32 s12;
	s24 =	simm.s32 $0x4;
	s26 =	smov.u32 s12  }
.LBB2_2:
0x36: {  	p0 =	sne.s32 s24, $0x4F  }
0x37: {  	s25 =	sadd.s32 $0x20, s25;
	s29 =	smov.u32 s24;
	s24 =	sadd.s32 $0x1, s24  }
0x38: {  	[tilespmem:s28], [sflag:$0x2] =	stream.linear.gather [hbm4b:s26+s4], $0x100, $0x38;
	[tilespmem:$0x1BF00] =	vst v63  }
0x39: {  	s28 =	sadd.s32 $0xFFFFFFFF, s29;
	s26 =	smov.u32 s25;
	_ =	swait.ge [sflag:s15], $0x100  }
0x3a: {  	s30 =	sand.u32 $0xFF, s28;
	[sflag:s15] =	ssyncset.done $0x0  }
0x3b: {  	s30 =	smul.u32 $0xAB, s30;
	[sflag:s15] =	ssyncadd.s32 $0xFFFFFF00  }
0x3c: {  	s31 =	smul.u32 $0xAB, s29  }
0x3d: {  	s0 =	sadd.s32 $0xFFFFFFFE, s29;
	s30 =	sshrl.u32 s30, $0x9;
	_ =	swait.ge [sflag:s22], $0x4000  }
0x3e: {  	s1 =	sadd.s32 $0xFFFFFEAA, s31;
	s31 =	sshrl.u32 s31, $0x9;
	s30 =	smul.u32 $0x3, s30  }
0x3f: {  	s1 =	sshrl.u32 s1, $0x9;
	s31 =	sand.u32 $0x7F, s31;
	[sflag:s22] =	ssyncset.done $0x0  }
0x40: {  	s1 =	sand.u32 $0x7F, s1;
	s28 =	ssub.s32 s28, s30;
	s30 =	smul.u32 $0x3, s31  }
0x41: {  	s1 =	smul.u32 $0x3, s1;
	s31 =	sand.u32 $0x1, s0;
	s28 =	sand.u32 $0xFF, s28  }
0x42: {  	s31 =	sshll.u32 s31, $0xE;
	s28 =	sshll.u32 s28, $0x8;
	s29 =	ssub.s32 s29, s30  }
0x43: {  	s0 =	ssub.s32 s0, s1;
	s1 =	sxor.u32 $0x4300, s31;
	[sflag:s22] =	ssyncadd.s32 $0xFFFFC000  }
0x44: {  	[tilespmem:s1], [sflag:$0x1] =	stream.indirect.gather [hbm4b:s2+s16], $0x80, s28, s16, $0xb8;
	[tilespmem:$0x1BF00] =	vst v63  }
.Ltmp0:
0x45: {  	_ = 	snop;
	(pc) =	sbr.rel @p0 .LBB2_2-.Ltmp0, $4  }
0x46: {  	s0 =	sand.u32 $0xFF, s0;
	s1 =	sor.u32 $0x300, s31;
	_ =	swait.ge [sflag:s20], $0x4000  }
0x47: {  	s0 =	sshll.u32 s0, $0x8;
	s28 =	sand.u32 $0xFF, s29;
	[sflag:s20] =	ssyncset.done $0x0  }
0x48: {  	s0 =	sor.u32 $0x80, s0;
	s28 =	sshll.u32 s28, $0x8;
	[sflag:s20] =	ssyncadd.s32 $0xFFFFC000  }
0x49: {  	[spmem:s3] =	stream.indirect.scatter.add.f32 [tilespmem:s1], [sflag:$0x3], $0x80, s0, s16, $0xb8;
	[tilespmem:$0x1BF00] =	vst v63  }
0x4a: {  	[tilespmem:s28], [sflag:$0x2] =	stream.linear.gather [hbm4b:s26+s4], $0x100, $0x38;
	[tilespmem:$0x1BF00] =	vst v63  }
0x4b: {  	_ =	swait.ge [sflag:s22], $0x4000  }
0x4c: {  	[sflag:s22] =	ssyncset.done $0x0  }
0x4d: {  	[sflag:s22] =	ssyncadd.s32 $0xFFFFC000  }
0x4e: {  	_ =	swait.ge [sflag:s20], $0x4000  }
0x4f: {  	[sflag:s20] =	ssyncset.done $0x0  }
0x50: {  	[sflag:s20] =	ssyncadd.s32 $0xFFFFC000  }
0x51: {  	[spmem:s3] =	stream.indirect.scatter.add.f32 [tilespmem:s17], [sflag:$0x3], $0x80, s16, s16, $0xb8;
	[tilespmem:$0x1BF00] =	vst v63  }
0x52: {  	_ =	swait.ge [sflag:s22], $0x4000  }
0x53: {  	[sflag:s22] =	ssyncset.done $0x0  }
0x54: {  	[sflag:s22] =	ssyncadd.s32 $0xFFFFC000  }
0x55: {  	_ =	swait.ge [sflag:s15], $0x100  }
0x56: {  	s23 =	sadd.s32 $0x1, s23;
	[sflag:s15] =	ssyncset.done $0x0  }
0x57: {  	p0 =	sne.s32 s23, s11;
	[sflag:s15] =	ssyncadd.s32 $0xFFFFFF00  }
.Ltmp1:
0x58: {  	[bflag:$0x0] =	sbarrier.arrive $0xFFFF;
	(pc) =	sbr.rel @p0 .LBB2_1-.Ltmp1, $4  }
0x59: {  	[hbm:s10], [sflag:s6] =	dma.local [spmem:s13], $0x2780  }
0x5a: {  	_ =	swait.ge [sflag:s14], $0x2780  }
0x5b: {  	[sflag:s14] =	ssyncset.done $0x0  }
0x5c: {  	[sflag:s14] =	ssyncadd.s32 $0xFFFFD880  }
0x5d: {  	_ =	sfence.sel $0x180000  }
0x5e: {  	[bflag:$0x0] =	sbarrier.arrive $0xFFFF  }
0x5f: {  	_ =	strace $0x9000004D  }
0x60: {  	s0 =	stileid.u32;
	[bflag:$0x2] =	sbarrier.arrive $0xFFFF  }
0x61: {  	p0 =	sne.s32 s0, $0x0;
	s0 =	rddreg [dreg:$0x3]  }
0x62: {  	s0 =	sadd.s32 @!p0 $0x100000, s0  }
0x63: {  	[sflag:s0] =	ssyncadd.tile.s32 @!p0 $0x1;
	_ =	shalt  }
.Lfunc_end2:
_tile_overlayer_lowered:
.L_overlay_start_2:
0x64: {  	(tag) =	ssettag $0x2  }
0x65: {  	s0 =	rddreg [dreg:$0x0];
	s2 =	stileid.u32  }
0x66: {  	s1 =	rddreg [dreg:$0x1];
	p0 =	sne.s32 s2, $0x0  }
0x67: {  	s3 =	rddreg [dreg:$0x2];
	[bflag:$0x3] =	sbarrier.arrive $0xFFFF;
	s2 =	simm.s32 @!p0 $0x1C04  }
0x68: {  	[timem:s3], [sflag:s2] =	dma.local @!p0 [hbm:s0], s1  }
0x69: {  	s0 =	simm.s32 @!p0 $0x4  }
0x6a: {  	_ =	swait.ge @!p0 [sflag:s0], s1  }
0x6b: {  	s1 =	ssub.s32 @!p0 $0x0, s1;
	[sflag:s0] =	ssyncset.done @!p0 $0x0  }
0x6c: {  	[sflag:s0] =	ssyncadd.s32 @!p0 s1  }
0x6d: {  	[bflag:$0x3] =	sbarrier.arrive $0xFFFF  }
0x6e: {  	_ =	shalt  }

// kernel: kernel.18.cloned.1.call-start
scs
__scs_entry_jumppad:
0x0: {  	(pc) =	sbr.rel $0x88, $3  }
0x1: {  	(tag) =	ssettag $0x0;
	lr =	simm.s32 $0x1  }
0x2: {  	[smem:$0x3F92] =	sst lr;
	_ =	strace $0xD0000000  }
0x3: {  	_ = 	snop  }
0x4: {  	_ = 	snop  }
0x5: {  	_ = 	snop  }
0x6: {  	_ = 	snop  }
0x7: {  	_ = 	snop  }
__scs_overlays_trampoline_lowered:
0x8: {  	[smem:$0x3FA1] =	sst s0  }
0x9: {  	[smem:$0x3FA2] =	sst s1  }
0xa: {  	[smem:$0x3FA3] =	sst s2  }
0xb: {  	[smem:$0x3FA4] =	sst s3  }
0xc: {  	[smem:$0x3FA5] =	sst s4  }
0xd: {  	[smem:$0x3FA6] =	sst s5  }
0xe: {  	[smem:$0x3FA7] =	sst s6  }
0xf: {  	[smem:$0x3FA8] =	sst s7  }
0x10: {  	[smem:$0x3FA9] =	sst s8  }
0x11: {  	[smem:$0x3FAA] =	sst s9;
	s0 =	simm.s32 @!p0 $0x0  }
0x12: {  	s1 =	sld [smem:$0x3F90];
	s0 =	simm.s32 @p0 $0x1  }
0x13: {  	[smem:$0x3FAB] =	sst s0;
	s0 =	simm.s32 @!p1 $0x0  }
0x14: {  	s2 =	sld [smem:$0x3F8F];
	s0 =	simm.s32 @p1 $0x1  }
0x15: {  	[smem:$0x3FAC] =	sst s0;
	s0 =	simm.s32 @!p2 $0x0  }
0x16: {  	s3 =	sld [smem:$0x3FDB];
	s0 =	simm.s32 @p2 $0x1  }
0x17: {  	s4 =	simm.s32 $0x1BF5;
	[smem:$0x3FAE] =	sst s0  }
0x18: {  	s0 =	sld [smem:$0x3F91];
	_ =	swait.ge [sflag:s4], $0x0  }
0x19: {  	s7 =	sld [smem:$0x3F92]  }
0x1a: {  	s8 =	sadd.s32 $0xFFFFE003, lr  }
0x1b: {  	s9 =	sadd.s32 $0xFFFFFEF7, lr;
	s5 =	simm.s32 $0xFFFFFFFF;
	p2 =	slt.u32 s8, $0xFFFFF086  }
0x1c: {  	p1 =	slt.u32 s9, $0xF7A;
	s5 =	simm.s32 @!p2 $0x0  }
0x1d: {  	s5 =	simm.s32 @p1 $0x1;
	p0 =	seq.s32 s7, s2  }
0x1e: {  	s7 =	smul.u32 @!p0 $0xF7A, s2;
	p2 =	seq.s32 @!p0 s5, $0x0  }
0x1f: {  	s9 =	smul.u32 $0xF7A, s1;
	s8 =	simm.s32 @!p0 $0x1BF5;
	p2 =	por !p2, p0  }
0x20: {  	[sflag:s8] =	ssyncset.s32 @!p0 $0xFFFFF086;
	s6 =	sadd.s32 @!p0 s3, s7;
	s7 =	simm.s32 @!p0 $0x108  }
0x21: {  	s3 =	sadd.s32 s3, s9;
	s6 =	sadd.s32 @!p0 $0x88, s6;
	s7 =	simm.s32 @p2 $0x1082  }
0x22: {  	[simem:s7], [sflag:s8] =	dma.local @!p0 [hbm:s6], $0xF7A  }
0x23: {  	s9 =	sor.u32 $0xD0000000, s2;
	s6 =	simm.s32 $0x108;
	_ =	swait.ge @!p0 [sflag:s8], $0x0  }
0x24: {  	s3 =	sadd.s32 $0x88, s3;
	s6 =	simm.s32 @!p1 $0x1082;
	[sflag:s4] =	ssyncset.s32 $0xFFFFF086  }
0x25: {  	[simem:s6], [sflag:s4] =	dma.local [hbm:s3], $0xF7A  }
0x26: {  	[smem:$0x3F92] =	sst s1;
	(tag) =	ssettag s2;
	_ =	strace s9  }
0x27: {  	s1 =	sld [smem:$0x3FA2]  }
0x28: {  	s2 =	sld [smem:$0x3FA3]  }
0x29: {  	s4 =	sld [smem:$0x3FA5]  }
0x2a: {  	p0 =	seq.s32 s5, $0x0;
	s5 =	sld [smem:$0x3FA6]  }
0x2b: {  	s6 =	sld [smem:$0x3FA7]  }
0x2c: {  	s7 =	sld [smem:$0x3FA8]  }
0x2d: {  	s3 =	simm.s32 $0x108;
	s8 =	sld [smem:$0x3FA9]  }
0x2e: {  	s3 =	simm.s32 @!p0 $0x1082;
	s9 =	sld [smem:$0x3FAA]  }
0x2f: {  	lr =	sadd.s32 s0, s3;
	s0 =	sld [smem:$0x3FA1]  }
0x30: {  	s3 =	sld [smem:$0x3FA4]  }
0x31: {  	[smem:$0x3FAD] =	sst s10  }
0x32: {  	s10 =	sld [smem:$0x3FAB];
	_ =	sdelay $0x3  }
0x33: {  	p0 =	seq.s32 s10, $0x1;
	s10 =	sld [smem:$0x3FAD];
	_ =	sdelay $0x3  }
0x34: {  	[smem:$0x3FAD] =	sst s10  }
0x35: {  	s10 =	sld [smem:$0x3FAC];
	_ =	sdelay $0x3  }
0x36: {  	p1 =	seq.s32 s10, $0x1;
	s10 =	sld [smem:$0x3FAD];
	_ =	sdelay $0x3  }
0x37: {  	[smem:$0x3FAD] =	sst s10  }
0x38: {  	s10 =	sld [smem:$0x3FAE]  }
0x39: {  	_ = 	snop;
	(pc) =	sbr.ind lr, $3  }
0x3a: {  	_ = 	snop  }
0x3b: {  	_ = 	snop  }
0x3c: {  	p2 =	seq.s32 s10, $0x1;
	s10 =	sld [smem:$0x3FAD]  }
0x3d: {  	_ =	shalt  }
0x3e: {  	_ =	shalt  }
0x3f: {  	_ =	shalt  }
0x40: {  	_ =	shalt  }
0x41: {  	_ =	shalt  }
0x42: {  	_ =	shalt  }
0x43: {  	_ =	shalt  }
0x44: {  	_ =	shalt  }
0x45: {  	_ =	shalt  }
0x46: {  	_ =	shalt  }
0x47: {  	_ =	shalt  }
0x48: {  	_ =	shalt  }
0x49: {  	_ =	shalt  }
0x4a: {  	_ =	shalt  }
0x4b: {  	_ =	shalt  }
0x4c: {  	_ =	shalt  }
0x4d: {  	_ =	shalt  }
0x4e: {  	_ =	shalt  }
0x4f: {  	_ =	shalt  }
0x50: {  	_ =	shalt  }
0x51: {  	_ =	shalt  }
0x52: {  	_ =	shalt  }
0x53: {  	_ =	shalt  }
0x54: {  	_ =	shalt  }
0x55: {  	_ =	shalt  }
0x56: {  	_ =	shalt  }
0x57: {  	_ =	shalt  }
0x58: {  	_ =	shalt  }
0x59: {  	_ =	shalt  }
0x5a: {  	_ =	shalt  }
0x5b: {  	_ =	shalt  }
0x5c: {  	_ =	shalt  }
0x5d: {  	_ =	shalt  }
0x5e: {  	_ =	shalt  }
0x5f: {  	_ =	shalt  }
0x60: {  	_ =	shalt  }
0x61: {  	_ =	shalt  }
0x62: {  	_ =	shalt  }
0x63: {  	_ =	shalt  }
0x64: {  	_ =	shalt  }
0x65: {  	_ =	shalt  }
0x66: {  	_ =	shalt  }
0x67: {  	_ =	shalt  }
0x68: {  	_ =	shalt  }
0x69: {  	_ =	shalt  }
0x6a: {  	_ =	shalt  }
0x6b: {  	_ =	shalt  }
0x6c: {  	_ =	shalt  }
0x6d: {  	_ =	shalt  }
0x6e: {  	_ =	shalt  }
0x6f: {  	_ =	shalt  }
0x70: {  	_ =	shalt  }
0x71: {  	_ =	shalt  }
0x72: {  	_ =	shalt  }
0x73: {  	_ =	shalt  }
0x74: {  	_ =	shalt  }
0x75: {  	_ =	shalt  }
0x76: {  	_ =	shalt  }
0x77: {  	_ =	shalt  }
0x78: {  	_ =	shalt  }
0x79: {  	_ =	shalt  }
0x7a: {  	_ =	shalt  }
0x7b: {  	_ =	shalt  }
0x7c: {  	_ =	shalt  }
0x7d: {  	_ =	shalt  }
0x7e: {  	_ =	shalt  }
0x7f: {  	_ =	shalt  }
0x80: {  	_ =	shalt  }
0x81: {  	_ =	shalt  }
0x82: {  	_ =	shalt  }
0x83: {  	_ =	shalt  }
0x84: {  	_ =	shalt  }
0x85: {  	_ =	shalt  }
0x86: {  	_ =	shalt  }
0x87: {  	_ =	shalt  }
.Lfunc_end0:
.L_simem_size_0:
called_computation.3_lowered:
.L_overlay_start_0:
0x88: {  	s2 =	sld [smem:$0x3FD9]  }
0x89: {  	s3 =	sld [smem:$0x3FFE];
	_ =	sdelay $0x1  }
0x8a: {  	s1 =	srdreg.scid  }
0x8b: {  	s0 =	sand.u32 $0x1, s1  }
0x8c: {  	s17 =	sshll.u32 s0, $0xA;
	s2 =	sadd.s32 s3, s2  }
0x8d: {  	s2 =	sadd.s32 s2, s17  }
0x8e: {  	[smem:$0x3FB9] =	sst s2  }
0x8f: {  	_ = 	snop  }
0x90: {  	s2 =	sld [smem:$0x3FD0];
	(tm) =	ssettm $0x1  }
0x91: {  	s18 =	sld [smem:$0x3FFB];
	_ =	sdelay $0x3  }
0x92: {  	_ =	strace s18  }
0x93: {  	s3 =	sld [smem:$0x3FFC];
	_ =	sdelay $0x3  }
0x94: {  	_ =	strace s3  }
0x95: {  	s3 =	sld [smem:$0x3FFD];
	_ =	sdelay $0x3  }
0x96: {  	_ =	strace s3  }
0x97: {  	_ =	strace $0x8FFFFFFF  }
0x98: {  	s19 =	sld [smem:$0x3FDB];
	_ =	sdelay $0x1  }
0x99: {  	s4 =	simm.s32 $_scs_section_size  }
0x9a: {  	s5 =	simm.s32 $_size__tile_overlayer_lowered;
	s6 =	simm.s32 $_tile_overlayer_lowered  }
0x9b: {  	s22 =	simm.s32 $0x1BFF;
	s21 =	sshll.u32 s6, $0x1;
	s3 =	sadd.s32 s4, s19  }
0x9c: {  	s7 =	simm.s32 $0x0;
	s20 =	sshll.u32 s5, $0x1;
	s5 =	sadd.s32 s21, s3  }
0x9d: {  	[timem:s7], [sflag:s22] =	dma.local [hbm:s5], s20  }
0x9e: {  	_ =	swait.ge [sflag:s22], s20  }
0x9f: {  	s4 =	ssub.s32 $0x0, s20;
	[sflag:s22] =	ssyncset.done $0x0  }
0xa0: {  	[sflag:s22] =	ssyncadd.s32 s4;
	_ =	sdelay $0x1  }
0xa1: {  	s23 =	simm.s32 $0x1B8B  }
0xa2: {  	_ =	swait.ge [sflag:s23], $0x1  }
0xa3: {  	[sflag:s23] =	ssyncset.done $0x0  }
0xa4: {  	s25 =	simm.s32 $0x1B8E;
	s24 =	sld [smem:$0x3FFE];
	[sflag:s23] =	ssyncadd.s32 $0xFFFFFFFF  }
0xa5: {  	s26 =	simm.s32 $execute0_lowered;
	[smem:$0x3FD2] =	sst s25  }
0xa6: {  	s5 =	sshll.u32 s26, $0x1;
	_ =	strace $0x8000004F;
	[dreg:$0x1] =	wrdreg $0xFFFFFFFF  }
0xa7: {  	s28 =	simm.s32 $_size_execute0_lowered;
	s3 =	sadd.s32 s3, s5;
	[dreg:$0x0] =	wrdreg $0x0  }
0xa8: {  	s5 =	sshll.u32 s28, $0x1;
	[dreg:$0x2] =	wrdreg s3  }
0xa9: {  	[dreg:$0x3] =	wrdreg s5  }
0xaa: {  	[dreg:$0x4] =	wrdreg $0xC0  }
0xab: {  	_ =	task [dreg:s7], $0x5FFFF  }
0xac: {  	[dreg:$0x1] =	wrdreg $0xFFFFFFFF  }
0xad: {  	[dreg:$0x0] =	wrdreg $0x60  }
0xae: {  	[dreg:$0x2] =	wrdreg s2  }
0xaf: {  	[dreg:$0x3] =	wrdreg s24  }
0xb0: {  	[dreg:$0x4] =	wrdreg $0x83000  }
0xb1: {  	[dreg:$0x5] =	wrdreg $0x9  }
0xb2: {  	_ =	task.clear_ibuf [dreg:s7], $0x6FFFF;
	_ =	strace $0x9000004F  }
0xb3: {  	s29 =	simm.s32 $0x9;
	_ =	strace $0x80000051  }
0xb4: {  	_ =	swait.ge [sflag:s29], $0x1  }
0xb5: {  	[sflag:s29] =	ssyncadd.s32 $0xFFFFFFFF  }
0xb6: {  	_ =	strace $0x90000051  }
0xb7: {  	_ =	sfence  }
0xb8: {  	s30 =	sld [smem:$0x0];
	_ =	sdelay $0x2  }
0xb9: {  	s31 =	sshll.u32 s1, $0xD;
	s1 =	sshrl.u32 s1, $0x2  }
0xba: {  	s3 =	sand.u32 $0x4000, s31;
	s1 =	sadd.s32 s1, s30  }
0xbb: {  	s0 =	sor.u32 s3, s0;
	s1 =	sshll.u32 s1, $0x11  }
0xbc: {  	s0 =	sor.u32 s1, s0  }
0xbd: {  	s0 =	sadd.s32 $0x8F2B, s0  }
0xbe: {  	[sflag:s0] =	ssyncadd.remote.s32 $0x1  }
0xbf: {  	_ =	sfence.sel $0xFFFF  }
0xc0: {  	[dreg:$0x0] =	wrdreg $0xFFFFFFFF;
	(pc) =	sbr.abs _section_cstart, $3  }
0xc1: {  	[dreg:$0x1] =	wrdreg $0xFFFFFFFF  }
0xc2: {  	_ =	task.clear_ibuf [dreg:s7], $0x2FFFF;
	_ =	strace $0x9FFFFFFF  }
0xc3: {  	(tm) =	ssettm $0x7FFFFFFF  }
tec
execute0_lowered:
.L_overlay_start_1:
0x0: {  	(tag) =	ssettag $0x1  }
0x1: {  	s2 =	rddreg [dreg:$0x0]  }
0x2: {  	s5 =	rddreg [dreg:$0x1]  }
0x3: {  	s3 =	rddreg [dreg:$0x2];
	s0 =	stileid.u32  }
0x4: {  	s6 =	srdreg.scid;
	s4 =	simm.s32 $0x0;
	s16 =	simm.s32 $0x80  }
0x5: {  	s17 =	simm.s32 $0x300;
	s18 =	simm.s32 $0x100;
	s19 =	simm.s32 $0x4300  }
0x6: {  	s20 =	simm.s32 $0x1;
	s21 =	simm.s32 $0x200;
	s7 =	smul.u32 $0x13C00, s0  }
0x7: {  	s22 =	simm.s32 $0x3;
	s23 =	simm.s32 $0x0;
	s10 =	smul.u32 $0x4F000, s0  }
0x8: {  	s6 =	sand.u32 $0x1, s6;
	[smem:$0x7FF] =	sst s4;
	s29 =	smul.u32 $0x5000, s0  }
0x9: {  	s12 =	sadd.s32 $0x7AA00, s5;
	s30 =	sshll.u32 s0, $0x6;
	s8 =	smul.u32 $0x13C000, s6  }
0xa: {  	_ =	strace $0x80000050;
	s24 =	sshll.u32 s6, $0x4;
	s25 =	ssub.s32 $0x2, s6  }
0xb: {  	s13 =	smul.u32 $0x50000, s6;
	s6 =	sor.u32 $0x1C04, s30;
	s9 =	sshrl.u32 s7, $0x3  }
0xc: {  	s28 =	sshrl.u32 s25, $0x1;
	s10 =	sshrl.u32 s10, $0x2;
	s9 =	sadd.s32 s9, s5  }
0xd: {  	s7 =	sadd.s32 s7, s8;
	s8 =	sor.u32 s0, s24;
	s14 =	ssub.s32 s25, s28  }
0xe: {  	s31 =	sadd.s32 s29, s13;
	s7 =	sshrl.u32 s7, $0x3;
	s26 =	smul.u32 $0x5000, s8  }
0xf: {  	s15 =	sadd.s32 s10, s3;
	s13 =	sor.u32 $0x300, s31;
	s11 =	sadd.s32 s7, s5  }
0x10: {  	s5 =	sadd.s32 $0x4200, s9;
	s13 =	sshrl.u32 s13, $0x3;
	s7 =	sshrl.u32 s26, $0x3  }
0x11: {  	s10 =	sadd.s32 $0x8EA00, s11;
	s11 =	smax.u32 s14, $0x1;
	s14 =	simm.s32 $0x4  }
0x12: {  	s7 =	sadd.s32 s12, s7;
	s12 =	sadd.s32 s13, s12;
	s13 =	sshrl.u32 s15, $0x3  }
0x13: {  	s15 =	simm.s32 $0x2;
	s8 =	sadd.s32 $0x20, s7;
	s9 =	sadd.s32 $0x40, s7  }
.LBB2_1:
0x14: {  	[spmem:s13], [sflag:s6] =	dma.local [hbm:s5], $0x2780  }
0x15: {  	_ =	swait.ge [sflag:s14], $0x2780  }
0x16: {  	[sflag:s14] =	ssyncset.done $0x0  }
0x17: {  	[sflag:s14] =	ssyncadd.s32 $0xFFFFD880  }
0x18: {  	[bflag:$0x0] =	sbarrier.arrive $0xFFFF  }
0x19: {  	[tilespmem:s4], [sflag:$0x2] =	stream.linear.gather [hbm4b:s7+s4], $0x100, $0x38;
	[tilespmem:$0x1BF00] =	vst v63  }
0x1a: {  	_ =	swait.ge [sflag:s15], $0x100  }
0x1b: {  	[sflag:s15] =	ssyncset.done $0x0  }
0x1c: {  	[sflag:s15] =	ssyncadd.s32 $0xFFFFFF00  }
0x1d: {  	[tilespmem:s17], [sflag:$0x1] =	stream.indirect.gather [hbm4b:s2+s16], $0x80, s4, s16, $0xb8;
	[tilespmem:$0x1BF00] =	vst v63  }
0x1e: {  	_ = 	snop  }
0x1f: {  	[tilespmem:s18], [sflag:$0x2] =	stream.linear.gather [hbm4b:s8+s4], $0x100, $0x38;
	[tilespmem:$0x1BF00] =	vst v63  }
0x20: {  	_ =	swait.ge [sflag:s15], $0x100  }
0x21: {  	[sflag:s15] =	ssyncset.done $0x0  }
0x22: {  	s24 =	simm.s32 $0x2;
	[sflag:s15] =	ssyncadd.s32 $0xFFFFFF00  }
0x23: {  	[tilespmem:s19], [sflag:$0x1] =	stream.indirect.gather [hbm4b:s2+s16], $0x80, s18, s16, $0xb8;
	[tilespmem:$0x1BF00] =	vst v63  }
0x24: {  	s25 =	smul.u32 $0xAB, s22;
	s26 =	simm.s32 $0x1;
	_ =	swait.ge [sflag:s20], $0x4000  }
0x25: {  	s24 =	sand.u32 $0xFF, s24;
	s26 =	sand.u32 $0x1, s26;
	[sflag:s20] =	ssyncset.done $0x0  }
0x26: {  	s24 =	smul.u32 $0xAB, s24;
	s28 =	sadd.s32 $0xFFFFFEAA, s25;
	[sflag:s20] =	ssyncadd.s32 $0xFFFFC000  }
0x27: {  	[spmem:s3] =	stream.indirect.scatter.add.f32 [tilespmem:s17], [sflag:$0x3], $0x80, s16, s16, $0xb8;
	[tilespmem:$0x1BF00] =	vst v63  }
0x28: {  	s25 =	sshrl.u32 s25, $0x9;
	s26 =	sshll.u32 s26, $0xE;
	s28 =	sshrl.u32 s28, $0x9  }
0x29: {  	[tilespmem:s21], [sflag:$0x2] =	stream.linear.gather [hbm4b:s9+s4], $0x100, $0x38;
	[tilespmem:$0x1BF00] =	vst v63  }
0x2a: {  	s25 =	sand.u32 $0x7F, s25;
	s24 =	sshrl.u32 s24, $0x9;
	_ =	swait.ge [sflag:s15], $0x100  }
0x2b: {  	s29 =	sxor.u32 $0x4300, s26;
	s24 =	smul.u32 $0x3, s24;
	[sflag:s15] =	ssyncset.done $0x0  }
0x2c: {  	s26 =	sor.u32 $0x300, s26;
	s28 =	sand.u32 $0x7F, s28;
	[sflag:s15] =	ssyncadd.s32 $0xFFFFFF00  }
0x2d: {  	s28 =	smul.u32 $0x3, s28;
	s24 =	ssub.s32 $0x2, s24;
	_ =	swait.ge [sflag:s22], $0x4000  }
0x2e: {  	s25 =	smul.u32 $0x3, s25;
	s24 =	sand.u32 $0xFF, s24;
	[sflag:s22] =	ssyncset.done $0x0  }
0x2f: {  	s28 =	ssub.s32 $0x1, s28;
	s24 =	sshll.u32 s24, $0x8;
	[sflag:s22] =	ssyncadd.s32 $0xFFFFC000  }
0x30: {  	[tilespmem:s29], [sflag:$0x1] =	stream.indirect.gather [hbm4b:s2+s16], $0x80, s24, s16, $0xb8;
	[tilespmem:$0x1BF00] =	vst v63  }
0x31: {  	s25 =	ssub.s32 $0x3, s25;
	s31 =	sand.u32 $0xFF, s28;
	_ =	swait.ge [sflag:s20], $0x4000  }
0x32: {  	s25 =	sand.u32 $0xFF, s25;
	s24 =	sshll.u32 s31, $0x8;
	[sflag:s20] =	ssyncset.done $0x0  }
0x33: {  	s28 =	sshll.u32 s25, $0x8;
	s24 =	sor.u32 $0x80, s24;
	[sflag:s20] =	ssyncadd.s32 $0xFFFFC000  }
0x34: {  	[spmem:s3] =	stream.indirect.scatter.add.f32 [tilespmem:s26], [sflag:$0x3], $0x80, s24, s16, $0xb8;
	[tilespmem:$0x1BF00] =	vst v63  }
0x35: {  	s25 =	smov.u32 s12;
	s24 =	simm.s32 $0x4;
	s26 =	smov.u32 s12  }
.LBB2_2:
0x36: {  	p0 =	sne.s32 s24, $0x4F  }
0x37: {  	s25 =	sadd.s32 $0x20, s25;
	s29 =	smov.u32 s24;
	s24 =	sadd.s32 $0x1, s24  }
0x38: {  	[tilespmem:s28], [sflag:$0x2] =	stream.linear.gather [hbm4b:s26+s4], $0x100, $0x38;
	[tilespmem:$0x1BF00] =	vst v63  }
0x39: {  	s28 =	sadd.s32 $0xFFFFFFFF, s29;
	s26 =	smov.u32 s25;
	_ =	swait.ge [sflag:s15], $0x100  }
0x3a: {  	s30 =	sand.u32 $0xFF, s28;
	[sflag:s15] =	ssyncset.done $0x0  }
0x3b: {  	s30 =	smul.u32 $0xAB, s30;
	[sflag:s15] =	ssyncadd.s32 $0xFFFFFF00  }
0x3c: {  	s31 =	smul.u32 $0xAB, s29  }
0x3d: {  	s0 =	sadd.s32 $0xFFFFFFFE, s29;
	s30 =	sshrl.u32 s30, $0x9;
	_ =	swait.ge [sflag:s22], $0x4000  }
0x3e: {  	s1 =	sadd.s32 $0xFFFFFEAA, s31;
	s31 =	sshrl.u32 s31, $0x9;
	s30 =	smul.u32 $0x3, s30  }
0x3f: {  	s1 =	sshrl.u32 s1, $0x9;
	s31 =	sand.u32 $0x7F, s31;
	[sflag:s22] =	ssyncset.done $0x0  }
0x40: {  	s1 =	sand.u32 $0x7F, s1;
	s28 =	ssub.s32 s28, s30;
	s30 =	smul.u32 $0x3, s31  }
0x41: {  	s1 =	smul.u32 $0x3, s1;
	s31 =	sand.u32 $0x1, s0;
	s28 =	sand.u32 $0xFF, s28  }
0x42: {  	s31 =	sshll.u32 s31, $0xE;
	s28 =	sshll.u32 s28, $0x8;
	s29 =	ssub.s32 s29, s30  }
0x43: {  	s0 =	ssub.s32 s0, s1;
	s1 =	sxor.u32 $0x4300, s31;
	[sflag:s22] =	ssyncadd.s32 $0xFFFFC000  }
0x44: {  	[tilespmem:s1], [sflag:$0x1] =	stream.indirect.gather [hbm4b:s2+s16], $0x80, s28, s16, $0xb8;
	[tilespmem:$0x1BF00] =	vst v63  }
.Ltmp0:
0x45: {  	_ = 	snop;
	(pc) =	sbr.rel @p0 .LBB2_2-.Ltmp0, $4  }
0x46: {  	s0 =	sand.u32 $0xFF, s0;
	s1 =	sor.u32 $0x300, s31;
	_ =	swait.ge [sflag:s20], $0x4000  }
0x47: {  	s0 =	sshll.u32 s0, $0x8;
	s28 =	sand.u32 $0xFF, s29;
	[sflag:s20] =	ssyncset.done $0x0  }
0x48: {  	s0 =	sor.u32 $0x80, s0;
	s28 =	sshll.u32 s28, $0x8;
	[sflag:s20] =	ssyncadd.s32 $0xFFFFC000  }
0x49: {  	[spmem:s3] =	stream.indirect.scatter.add.f32 [tilespmem:s1], [sflag:$0x3], $0x80, s0, s16, $0xb8;
	[tilespmem:$0x1BF00] =	vst v63  }
0x4a: {  	[tilespmem:s28], [sflag:$0x2] =	stream.linear.gather [hbm4b:s26+s4], $0x100, $0x38;
	[tilespmem:$0x1BF00] =	vst v63  }
0x4b: {  	_ =	swait.ge [sflag:s22], $0x4000  }
0x4c: {  	[sflag:s22] =	ssyncset.done $0x0  }
0x4d: {  	[sflag:s22] =	ssyncadd.s32 $0xFFFFC000  }
0x4e: {  	_ =	swait.ge [sflag:s20], $0x4000  }
0x4f: {  	[sflag:s20] =	ssyncset.done $0x0  }
0x50: {  	[sflag:s20] =	ssyncadd.s32 $0xFFFFC000  }
0x51: {  	[spmem:s3] =	stream.indirect.scatter.add.f32 [tilespmem:s17], [sflag:$0x3], $0x80, s16, s16, $0xb8;
	[tilespmem:$0x1BF00] =	vst v63  }
0x52: {  	_ =	swait.ge [sflag:s22], $0x4000  }
0x53: {  	[sflag:s22] =	ssyncset.done $0x0  }
0x54: {  	[sflag:s22] =	ssyncadd.s32 $0xFFFFC000  }
0x55: {  	_ =	swait.ge [sflag:s15], $0x100  }
0x56: {  	s23 =	sadd.s32 $0x1, s23;
	[sflag:s15] =	ssyncset.done $0x0  }
0x57: {  	p0 =	sne.s32 s23, s11;
	[sflag:s15] =	ssyncadd.s32 $0xFFFFFF00  }
.Ltmp1:
0x58: {  	[bflag:$0x0] =	sbarrier.arrive $0xFFFF;
	(pc) =	sbr.rel @p0 .LBB2_1-.Ltmp1, $4  }
0x59: {  	[hbm:s10], [sflag:s6] =	dma.local [spmem:s13], $0x2780  }
0x5a: {  	_ =	swait.ge [sflag:s14], $0x2780  }
0x5b: {  	[sflag:s14] =	ssyncset.done $0x0  }
0x5c: {  	[sflag:s14] =	ssyncadd.s32 $0xFFFFD880  }
0x5d: {  	_ =	sfence.sel $0x180000  }
0x5e: {  	[bflag:$0x0] =	sbarrier.arrive $0xFFFF  }
0x5f: {  	_ =	strace $0x90000050  }
0x60: {  	s0 =	stileid.u32;
	[bflag:$0x2] =	sbarrier.arrive $0xFFFF  }
0x61: {  	p0 =	sne.s32 s0, $0x0;
	s0 =	rddreg [dreg:$0x3]  }
0x62: {  	s0 =	sadd.s32 @!p0 $0x100000, s0  }
0x63: {  	[sflag:s0] =	ssyncadd.tile.s32 @!p0 $0x1;
	_ =	shalt  }
.Lfunc_end2:
_tile_overlayer_lowered:
.L_overlay_start_2:
0x64: {  	(tag) =	ssettag $0x2  }
0x65: {  	s0 =	rddreg [dreg:$0x0];
	s2 =	stileid.u32  }
0x66: {  	s1 =	rddreg [dreg:$0x1];
	p0 =	sne.s32 s2, $0x0  }
0x67: {  	s3 =	rddreg [dreg:$0x2];
	[bflag:$0x3] =	sbarrier.arrive $0xFFFF;
	s2 =	simm.s32 @!p0 $0x1C04  }
0x68: {  	[timem:s3], [sflag:s2] =	dma.local @!p0 [hbm:s0], s1  }
0x69: {  	s0 =	simm.s32 @!p0 $0x4  }
0x6a: {  	_ =	swait.ge @!p0 [sflag:s0], s1  }
0x6b: {  	s1 =	ssub.s32 @!p0 $0x0, s1;
	[sflag:s0] =	ssyncset.done @!p0 $0x0  }
0x6c: {  	[sflag:s0] =	ssyncadd.s32 @!p0 s1  }
0x6d: {  	[bflag:$0x3] =	sbarrier.arrive $0xFFFF  }
0x6e: {  	_ =	shalt  }

// kernel: kernel.9.cloned.1.call-start
scs
__scs_entry_jumppad:
0x0: {  	(pc) =	sbr.rel $0x88, $3  }
0x1: {  	(tag) =	ssettag $0x0;
	lr =	simm.s32 $0x1  }
0x2: {  	[smem:$0x3F92] =	sst lr;
	_ =	strace $0xD0000000  }
0x3: {  	_ = 	snop  }
0x4: {  	_ = 	snop  }
0x5: {  	_ = 	snop  }
0x6: {  	_ = 	snop  }
0x7: {  	_ = 	snop  }
__scs_overlays_trampoline_lowered:
0x8: {  	[smem:$0x3FA1] =	sst s0  }
0x9: {  	[smem:$0x3FA2] =	sst s1  }
0xa: {  	[smem:$0x3FA3] =	sst s2  }
0xb: {  	[smem:$0x3FA4] =	sst s3  }
0xc: {  	[smem:$0x3FA5] =	sst s4  }
0xd: {  	[smem:$0x3FA6] =	sst s5  }
0xe: {  	[smem:$0x3FA7] =	sst s6  }
0xf: {  	[smem:$0x3FA8] =	sst s7  }
0x10: {  	[smem:$0x3FA9] =	sst s8  }
0x11: {  	[smem:$0x3FAA] =	sst s9;
	s0 =	simm.s32 @!p0 $0x0  }
0x12: {  	s1 =	sld [smem:$0x3F90];
	s0 =	simm.s32 @p0 $0x1  }
0x13: {  	[smem:$0x3FAB] =	sst s0;
	s0 =	simm.s32 @!p1 $0x0  }
0x14: {  	s2 =	sld [smem:$0x3F8F];
	s0 =	simm.s32 @p1 $0x1  }
0x15: {  	[smem:$0x3FAC] =	sst s0;
	s0 =	simm.s32 @!p2 $0x0  }
0x16: {  	s3 =	sld [smem:$0x3FDB];
	s0 =	simm.s32 @p2 $0x1  }
0x17: {  	s4 =	simm.s32 $0x1BF5;
	[smem:$0x3FAE] =	sst s0  }
0x18: {  	s0 =	sld [smem:$0x3F91];
	_ =	swait.ge [sflag:s4], $0x0  }
0x19: {  	s7 =	sld [smem:$0x3F92]  }
0x1a: {  	s8 =	sadd.s32 $0xFFFFE003, lr  }
0x1b: {  	s9 =	sadd.s32 $0xFFFFFEF7, lr;
	s5 =	simm.s32 $0xFFFFFFFF;
	p2 =	slt.u32 s8, $0xFFFFF086  }
0x1c: {  	p1 =	slt.u32 s9, $0xF7A;
	s5 =	simm.s32 @!p2 $0x0  }
0x1d: {  	s5 =	simm.s32 @p1 $0x1;
	p0 =	seq.s32 s7, s2  }
0x1e: {  	s7 =	smul.u32 @!p0 $0xF7A, s2;
	p2 =	seq.s32 @!p0 s5, $0x0  }
0x1f: {  	s9 =	smul.u32 $0xF7A, s1;
	s8 =	simm.s32 @!p0 $0x1BF5;
	p2 =	por !p2, p0  }
0x20: {  	[sflag:s8] =	ssyncset.s32 @!p0 $0xFFFFF086;
	s6 =	sadd.s32 @!p0 s3, s7;
	s7 =	simm.s32 @!p0 $0x108  }
0x21: {  	s3 =	sadd.s32 s3, s9;
	s6 =	sadd.s32 @!p0 $0x88, s6;
	s7 =	simm.s32 @p2 $0x1082  }
0x22: {  	[simem:s7], [sflag:s8] =	dma.local @!p0 [hbm:s6], $0xF7A  }
0x23: {  	s9 =	sor.u32 $0xD0000000, s2;
	s6 =	simm.s32 $0x108;
	_ =	swait.ge @!p0 [sflag:s8], $0x0  }
0x24: {  	s3 =	sadd.s32 $0x88, s3;
	s6 =	simm.s32 @!p1 $0x1082;
	[sflag:s4] =	ssyncset.s32 $0xFFFFF086  }
0x25: {  	[simem:s6], [sflag:s4] =	dma.local [hbm:s3], $0xF7A  }
0x26: {  	[smem:$0x3F92] =	sst s1;
	(tag) =	ssettag s2;
	_ =	strace s9  }
0x27: {  	s1 =	sld [smem:$0x3FA2]  }
0x28: {  	s2 =	sld [smem:$0x3FA3]  }
0x29: {  	s4 =	sld [smem:$0x3FA5]  }
0x2a: {  	p0 =	seq.s32 s5, $0x0;
	s5 =	sld [smem:$0x3FA6]  }
0x2b: {  	s6 =	sld [smem:$0x3FA7]  }
0x2c: {  	s7 =	sld [smem:$0x3FA8]  }
0x2d: {  	s3 =	simm.s32 $0x108;
	s8 =	sld [smem:$0x3FA9]  }
0x2e: {  	s3 =	simm.s32 @!p0 $0x1082;
	s9 =	sld [smem:$0x3FAA]  }
0x2f: {  	lr =	sadd.s32 s0, s3;
	s0 =	sld [smem:$0x3FA1]  }
0x30: {  	s3 =	sld [smem:$0x3FA4]  }
0x31: {  	[smem:$0x3FAD] =	sst s10  }
0x32: {  	s10 =	sld [smem:$0x3FAB];
	_ =	sdelay $0x3  }
0x33: {  	p0 =	seq.s32 s10, $0x1;
	s10 =	sld [smem:$0x3FAD];
	_ =	sdelay $0x3  }
0x34: {  	[smem:$0x3FAD] =	sst s10  }
0x35: {  	s10 =	sld [smem:$0x3FAC];
	_ =	sdelay $0x3  }
0x36: {  	p1 =	seq.s32 s10, $0x1;
	s10 =	sld [smem:$0x3FAD];
	_ =	sdelay $0x3  }
0x37: {  	[smem:$0x3FAD] =	sst s10  }
0x38: {  	s10 =	sld [smem:$0x3FAE]  }
0x39: {  	_ = 	snop;
	(pc) =	sbr.ind lr, $3  }
0x3a: {  	_ = 	snop  }
0x3b: {  	_ = 	snop  }
0x3c: {  	p2 =	seq.s32 s10, $0x1;
	s10 =	sld [smem:$0x3FAD]  }
0x3d: {  	_ =	shalt  }
0x3e: {  	_ =	shalt  }
0x3f: {  	_ =	shalt  }
0x40: {  	_ =	shalt  }
0x41: {  	_ =	shalt  }
0x42: {  	_ =	shalt  }
0x43: {  	_ =	shalt  }
0x44: {  	_ =	shalt  }
0x45: {  	_ =	shalt  }
0x46: {  	_ =	shalt  }
0x47: {  	_ =	shalt  }
0x48: {  	_ =	shalt  }
0x49: {  	_ =	shalt  }
0x4a: {  	_ =	shalt  }
0x4b: {  	_ =	shalt  }
0x4c: {  	_ =	shalt  }
0x4d: {  	_ =	shalt  }
0x4e: {  	_ =	shalt  }
0x4f: {  	_ =	shalt  }
0x50: {  	_ =	shalt  }
0x51: {  	_ =	shalt  }
0x52: {  	_ =	shalt  }
0x53: {  	_ =	shalt  }
0x54: {  	_ =	shalt  }
0x55: {  	_ =	shalt  }
0x56: {  	_ =	shalt  }
0x57: {  	_ =	shalt  }
0x58: {  	_ =	shalt  }
0x59: {  	_ =	shalt  }
0x5a: {  	_ =	shalt  }
0x5b: {  	_ =	shalt  }
0x5c: {  	_ =	shalt  }
0x5d: {  	_ =	shalt  }
0x5e: {  	_ =	shalt  }
0x5f: {  	_ =	shalt  }
0x60: {  	_ =	shalt  }
0x61: {  	_ =	shalt  }
0x62: {  	_ =	shalt  }
0x63: {  	_ =	shalt  }
0x64: {  	_ =	shalt  }
0x65: {  	_ =	shalt  }
0x66: {  	_ =	shalt  }
0x67: {  	_ =	shalt  }
0x68: {  	_ =	shalt  }
0x69: {  	_ =	shalt  }
0x6a: {  	_ =	shalt  }
0x6b: {  	_ =	shalt  }
0x6c: {  	_ =	shalt  }
0x6d: {  	_ =	shalt  }
0x6e: {  	_ =	shalt  }
0x6f: {  	_ =	shalt  }
0x70: {  	_ =	shalt  }
0x71: {  	_ =	shalt  }
0x72: {  	_ =	shalt  }
0x73: {  	_ =	shalt  }
0x74: {  	_ =	shalt  }
0x75: {  	_ =	shalt  }
0x76: {  	_ =	shalt  }
0x77: {  	_ =	shalt  }
0x78: {  	_ =	shalt  }
0x79: {  	_ =	shalt  }
0x7a: {  	_ =	shalt  }
0x7b: {  	_ =	shalt  }
0x7c: {  	_ =	shalt  }
0x7d: {  	_ =	shalt  }
0x7e: {  	_ =	shalt  }
0x7f: {  	_ =	shalt  }
0x80: {  	_ =	shalt  }
0x81: {  	_ =	shalt  }
0x82: {  	_ =	shalt  }
0x83: {  	_ =	shalt  }
0x84: {  	_ =	shalt  }
0x85: {  	_ =	shalt  }
0x86: {  	_ =	shalt  }
0x87: {  	_ =	shalt  }
.Lfunc_end0:
.L_simem_size_0:
called_computation_lowered:
.L_overlay_start_0:
0x88: {  	s2 =	sld [smem:$0x3FD9]  }
0x89: {  	s3 =	sld [smem:$0x3FFE];
	_ =	sdelay $0x1  }
0x8a: {  	s1 =	srdreg.scid  }
0x8b: {  	s0 =	sand.u32 $0x1, s1  }
0x8c: {  	s17 =	sshll.u32 s0, $0xA;
	s2 =	sadd.s32 s3, s2  }
0x8d: {  	s2 =	sadd.s32 s2, s17  }
0x8e: {  	[smem:$0x3FB9] =	sst s2  }
0x8f: {  	_ = 	snop  }
0x90: {  	s2 =	sld [smem:$0x3FD0];
	(tm) =	ssettm $0x1  }
0x91: {  	s18 =	sld [smem:$0x3FFB];
	_ =	sdelay $0x3  }
0x92: {  	_ =	strace s18  }
0x93: {  	s3 =	sld [smem:$0x3FFC];
	_ =	sdelay $0x3  }
0x94: {  	_ =	strace s3  }
0x95: {  	s3 =	sld [smem:$0x3FFD];
	_ =	sdelay $0x3  }
0x96: {  	_ =	strace s3  }
0x97: {  	_ =	strace $0x8FFFFFFF  }
0x98: {  	s19 =	sld [smem:$0x3FDB];
	_ =	sdelay $0x1  }
0x99: {  	s4 =	simm.s32 $_scs_section_size  }
0x9a: {  	s5 =	simm.s32 $_size__tile_overlayer_lowered;
	s6 =	simm.s32 $_tile_overlayer_lowered  }
0x9b: {  	s22 =	simm.s32 $0x1BFF;
	s21 =	sshll.u32 s6, $0x1;
	s3 =	sadd.s32 s4, s19  }
0x9c: {  	s7 =	simm.s32 $0x0;
	s20 =	sshll.u32 s5, $0x1;
	s5 =	sadd.s32 s21, s3  }
0x9d: {  	[timem:s7], [sflag:s22] =	dma.local [hbm:s5], s20  }
0x9e: {  	_ =	swait.ge [sflag:s22], s20  }
0x9f: {  	s4 =	ssub.s32 $0x0, s20;
	[sflag:s22] =	ssyncset.done $0x0  }
0xa0: {  	[sflag:s22] =	ssyncadd.s32 s4;
	_ =	sdelay $0x1  }
0xa1: {  	s23 =	simm.s32 $0x1B8B  }
0xa2: {  	_ =	swait.ge [sflag:s23], $0x1  }
0xa3: {  	[sflag:s23] =	ssyncset.done $0x0  }
0xa4: {  	s25 =	simm.s32 $0x1B8E;
	s24 =	sld [smem:$0x3FFE];
	[sflag:s23] =	ssyncadd.s32 $0xFFFFFFFF  }
0xa5: {  	s26 =	simm.s32 $execute0_lowered;
	[smem:$0x3FD2] =	sst s25  }
0xa6: {  	s5 =	sshll.u32 s26, $0x1;
	_ =	strace $0x80000046;
	[dreg:$0x1] =	wrdreg $0xFFFFFFFF  }
0xa7: {  	s28 =	simm.s32 $_size_execute0_lowered;
	s3 =	sadd.s32 s3, s5;
	[dreg:$0x0] =	wrdreg $0x0  }
0xa8: {  	s5 =	sshll.u32 s28, $0x1;
	[dreg:$0x2] =	wrdreg s3  }
0xa9: {  	[dreg:$0x3] =	wrdreg s5  }
0xaa: {  	[dreg:$0x4] =	wrdreg $0xC0  }
0xab: {  	_ =	task [dreg:s7], $0x5FFFF  }
0xac: {  	[dreg:$0x1] =	wrdreg $0xFFFFFFFF  }
0xad: {  	[dreg:$0x0] =	wrdreg $0x60  }
0xae: {  	[dreg:$0x2] =	wrdreg s2  }
0xaf: {  	[dreg:$0x3] =	wrdreg s24  }
0xb0: {  	[dreg:$0x4] =	wrdreg $0x68000  }
0xb1: {  	[dreg:$0x5] =	wrdreg $0x9  }
0xb2: {  	_ =	task.clear_ibuf [dreg:s7], $0x6FFFF;
	_ =	strace $0x90000046  }
0xb3: {  	s29 =	simm.s32 $0x9;
	_ =	strace $0x80000048  }
0xb4: {  	_ =	swait.ge [sflag:s29], $0x1  }
0xb5: {  	[sflag:s29] =	ssyncadd.s32 $0xFFFFFFFF  }
0xb6: {  	_ =	strace $0x90000048  }
0xb7: {  	_ =	sfence  }
0xb8: {  	s30 =	sld [smem:$0x0];
	_ =	sdelay $0x2  }
0xb9: {  	s31 =	sshll.u32 s1, $0xD;
	s1 =	sshrl.u32 s1, $0x2  }
0xba: {  	s3 =	sand.u32 $0x4000, s31;
	s1 =	sadd.s32 s1, s30  }
0xbb: {  	s0 =	sor.u32 s3, s0;
	s1 =	sshll.u32 s1, $0x11  }
0xbc: {  	s0 =	sor.u32 s1, s0  }
0xbd: {  	s0 =	sadd.s32 $0x8F2B, s0  }
0xbe: {  	[sflag:s0] =	ssyncadd.remote.s32 $0x1  }
0xbf: {  	_ =	sfence.sel $0xFFFF  }
0xc0: {  	[dreg:$0x0] =	wrdreg $0xFFFFFFFF;
	(pc) =	sbr.abs _section_cstart, $3  }
0xc1: {  	[dreg:$0x1] =	wrdreg $0xFFFFFFFF  }
0xc2: {  	_ =	task.clear_ibuf [dreg:s7], $0x2FFFF;
	_ =	strace $0x9FFFFFFF  }
0xc3: {  	(tm) =	ssettm $0x7FFFFFFF  }
tec
execute0_lowered:
.L_overlay_start_1:
0x0: {  	(tag) =	ssettag $0x1  }
0x1: {  	s5 =	rddreg [dreg:$0x0]  }
0x2: {  	s6 =	rddreg [dreg:$0x1]  }
0x3: {  	s2 =	rddreg [dreg:$0x2]  }
0x4: {  	s0 =	stileid.u32;
	s4 =	srdreg.scid  }
0x5: {  	s1 =	rddreg [dreg:$0x3];
	s3 =	simm.s32 $0x0;
	s13 =	simm.s32 $0x80  }
0x6: {  	s14 =	simm.s32 $0x0;
	s7 =	smul.u32 $0x13C00, s0;
	s8 =	sand.u32 $0x1, s4  }
0x7: {  	[smem:$0x7FF] =	sst s3;
	s4 =	sadd.s32 $0x3A00, s6;
	s11 =	smul.u32 $0x4F000, s0  }
0x8: {  	s31 =	sshll.u32 s0, $0x6;
	s9 =	smul.u32 $0x13C000, s8;
	_ =	strace $0x80000047  }
0x9: {  	s28 =	sshll.u32 s8, $0x4;
	s8 =	ssub.s32 $0x2, s8;
	s26 =	sshrl.u32 s7, $0x3  }
0xa: {  	s12 =	sshrl.u32 s8, $0x1;
	s29 =	sshrl.u32 s11, $0x2;
	s11 =	sor.u32 $0x1C01, s31  }
0xb: {  	s10 =	sadd.s32 s26, s6;
	s7 =	sadd.s32 s7, s9;
	s9 =	sor.u32 s0, s28  }
0xc: {  	s8 =	ssub.s32 s8, s12;
	s30 =	sadd.s32 s29, s2;
	s7 =	sshrl.u32 s7, $0x3  }
0xd: {  	s9 =	smul.u32 $0x500, s9;
	s8 =	smax.u32 s8, $0x1;
	s12 =	sshrl.u32 s30, $0x3  }
0xe: {  	s7 =	sadd.s32 s7, s6;
	s6 =	sadd.s32 $0x4200, s10;
	s10 =	simm.s32 $0x2800  }
0xf: {  	s5 =	sadd.s32 s5, s9;
	s7 =	sadd.s32 $0x2BA00, s7;
	s9 =	simm.s32 $0x1  }
.LBB2_1:
0x10: {  	[tilespmem:s3], [sflag:$0x1] =	stream.linear.gather [hbm4b:s5+s3], $0x2780, $0x38;
	[tilespmem:$0x1A400] =	vst v63  }
0x11: {  	_ =	swait.ge [sflag:s9], $0x2780  }
0x12: {  	[sflag:s9] =	ssyncset.done $0x0  }
0x13: {  	[sflag:s9] =	ssyncadd.s32 $0xFFFFD880  }
0x14: {  	[tilespmem:s10], [sflag:$0x1] =	stream.linear.gather [hbm4b:s4+s3], $0x4000, $0x38;
	[tilespmem:$0x1A400] =	vst v63  }
0x15: {  	_ =	swait.ge [sflag:s9], $0x4000  }
0x16: {  	[sflag:s9] =	ssyncset.done $0x0  }
0x17: {  	[sflag:s9] =	ssyncadd.s32 $0xFFFFC000  }
0x18: {  	[spmem:s12], [sflag:s11] =	dma.local [hbm:s6], $0x2780  }
0x19: {  	_ =	swait.ge [sflag:s9], $0x2780  }
0x1a: {  	[sflag:s9] =	ssyncset.done $0x0  }
0x1b: {  	[sflag:s9] =	ssyncadd.s32 $0xFFFFD880  }
0x1c: {  	s15 =	simm.s32 $0x0;
	[bflag:$0x0] =	sbarrier.arrive $0xFFFF  }
0x1d: {  	[spmem:s2] =	stream.indirect.scatter.add.f32 [tilespmem:s10], [sflag:$0x1], $0x80, s15, s13, $0xb8;
	[tilespmem:$0x1A400] =	vst v63  }
0x1e: {  	_ =	swait.ge [sflag:s9], $0x4000  }
0x1f: {  	s15 =	simm.s32 $0x200;
	[sflag:s9] =	ssyncset.done $0x0  }
.LBB2_2:
0x20: {  	s16 =	sshra.s32 s15, $0x2;
	[sflag:s9] =	ssyncadd.s32 $0xFFFFC000;
	p0 =	sne.s32 s15, $0x9C00  }
0x21: {  	[spmem:s2] =	stream.indirect.scatter.add.f32 [tilespmem:s10], [sflag:$0x1], $0x80, s16, s13, $0xb8;
	[tilespmem:$0x1A400] =	vst v63  }
.Ltmp0:
0x22: {  	_ = 	snop;
	(pc) =	sbr.rel @p0 .LBB2_2-.Ltmp0, $4  }
0x23: {  	_ = 	snop  }
0x24: {  	s15 =	sadd.s32 $0x200, s15  }
0x25: {  	_ =	swait.ge [sflag:s9], $0x4000  }
0x26: {  	[sflag:s9] =	ssyncset.done $0x0  }
0x27: {  	s14 =	sadd.s32 $0x1, s14  }
0x28: {  	[sflag:s9] =	ssyncadd.s32 $0xFFFFC000;
	p0 =	sne.s32 s14, s8  }
.Ltmp1:
0x29: {  	[bflag:$0x0] =	sbarrier.arrive $0xFFFF;
	(pc) =	sbr.rel @p0 .LBB2_1-.Ltmp1, $4  }
0x2a: {  	[hbm:s7], [sflag:s11] =	dma.local [spmem:s12], $0x2780  }
0x2b: {  	_ =	swait.ge [sflag:s9], $0x2780  }
0x2c: {  	[sflag:s9] =	ssyncset.done $0x0  }
0x2d: {  	[sflag:s9] =	ssyncadd.s32 $0xFFFFD880  }
0x2e: {  	_ =	sfence.sel $0x180000  }
0x2f: {  	[bflag:$0x0] =	sbarrier.arrive $0xFFFF  }
0x30: {  	p0 =	sne.s32 s0, $0x0;
	_ =	strace $0x90000047  }
0x31: {  	s0 =	sadd.s32 @!p0 $0x100000, s1;
	[bflag:$0x2] =	sbarrier.arrive $0xFFFF  }
0x32: {  	[sflag:s0] =	ssyncadd.tile.s32 @!p0 $0x1;
	_ =	shalt  }
.Lfunc_end2:
_tile_overlayer_lowered:
.L_overlay_start_2:
0x33: {  	(tag) =	ssettag $0x2  }
0x34: {  	s0 =	rddreg [dreg:$0x0];
	s2 =	stileid.u32  }
0x35: {  	s1 =	rddreg [dreg:$0x1];
	p0 =	sne.s32 s2, $0x0  }
0x36: {  	s3 =	rddreg [dreg:$0x2];
	[bflag:$0x3] =	sbarrier.arrive $0xFFFF;
	s2 =	simm.s32 @!p0 $0x1C01  }
0x37: {  	[timem:s3], [sflag:s2] =	dma.local @!p0 [hbm:s0], s1  }
0x38: {  	s0 =	simm.s32 @!p0 $0x1  }
0x39: {  	_ =	swait.ge @!p0 [sflag:s0], s1  }
0x3a: {  	s1 =	ssub.s32 @!p0 $0x0, s1;
	[sflag:s0] =	ssyncset.done @!p0 $0x0  }
0x3b: {  	[sflag:s0] =	ssyncadd.s32 @!p0 s1  }
0x3c: {  	[bflag:$0x3] =	sbarrier.arrive $0xFFFF  }
0x3d: {  	_ =	shalt  }

</sc_bundles>
